<compile_context>
chip_gen: v7x
topology: tpu7x:2x2x1
jax: 0.10.2.dev20260603
libtpu: 0.0.44.dev20260713+nightly
codegen_flags: <defaults>
</compile_context>

<pallas_src>
import functools

import jax
import jax.numpy as jnp
from jax import lax
from jax.experimental import pallas as pl
from jax.experimental.pallas import tpu as pltpu
from jax.experimental.pallas import tpu_sc as plsc
B = 16384
T = 8
K = 362
D = 64
HALF = D // 2
NS = 16
BPW = B // NS
CH = 256
L = 16
UNROLL = 2


def _chunk(idx_vm, tab_v, acc_v):
    @plsc.parallel_loop(0, CH // UNROLL, unroll=3)
    def step(i):
        iv = idx_vm[pl.ds(i * UNROLL * T, UNROLL * T)]
        for u in range(UNROLL):
            b = i * UNROLL + u
            off = u * T
            parts_lo = []
            parts_hi = []
            for t in range(T):
                r = iv[off + t]
                parts_lo.append(tab_v[t, r, pl.ds(0, L)])
                parts_hi.append(tab_v[t, r, pl.ds(L, L)])
            lo = ((parts_lo[0] + parts_lo[1]) + (parts_lo[2] + parts_lo[3])
                  ) + ((parts_lo[4] + parts_lo[5]) + (parts_lo[6] + parts_lo[7]))
            hi = ((parts_hi[0] + parts_hi[1]) + (parts_hi[2] + parts_hi[3])
                  ) + ((parts_hi[4] + parts_hi[5]) + (parts_hi[6] + parts_hi[7]))
            acc_v[b, pl.ds(0, L)] = lo
            acc_v[b, pl.ds(L, L)] = hi
    return


def _body(lm_hbm, enc_hbm, out_hbm, tab_v, idx0, idx1, acc0, acc1,
          sem_t, sem_i0, sem_i1, sem_o0, sem_o1):
    c = lax.axis_index("c")
    s = lax.axis_index("s")
    n_chunks = BPW // CH
    idx_b = [idx0, idx1]
    acc_b = [acc0, acc1]
    sem_i = [sem_i0, sem_i1]
    sem_o = [sem_o0, sem_o1]

    def base(ch):
        return s * BPW + ch * CH

    cp_t = pltpu.async_copy(enc_hbm.at[:, :, pl.ds(c * HALF, HALF)],
                            tab_v, sem_t)
    cp_i = {}
    cp_o = {}
    for ch in range(min(2, n_chunks)):
        cp_i[ch] = pltpu.async_copy(
            lm_hbm.at[pl.ds(base(ch) * T, CH * T)], idx_b[ch % 2],
            sem_i[ch % 2])
    cp_t.wait()
    for ch in range(n_chunks):
        cp_i[ch].wait()
        if ch >= 2:
            cp_o[ch - 2].wait()
        _chunk(idx_b[ch % 2], tab_v, acc_b[ch % 2])
        cp_o[ch] = pltpu.async_copy(
            acc_b[ch % 2],
            out_hbm.at[pl.ds(base(ch), CH), pl.ds(c * HALF, HALF)],
            sem_o[ch % 2])
        if ch + 2 < n_chunks:
            cp_i[ch + 2] = pltpu.async_copy(
                lm_hbm.at[pl.ds(base(ch + 2) * T, CH * T)], idx_b[ch % 2],
                sem_i[ch % 2])
    for ch in range(max(0, n_chunks - 2), n_chunks):
        cp_o[ch].wait()


@functools.partial(jax.jit, static_argnames=())
def _run(last_moves, encodings):
    mesh = plsc.VectorSubcoreMesh(core_axis_name="c", subcore_axis_name="s")
    f = functools.partial(
        pl.kernel,
        out_type=jax.ShapeDtypeStruct((B, D), jnp.float32),
        mesh=mesh,
        scratch_types=[
            pltpu.VMEM((T, K, HALF), jnp.float32),
            pltpu.VMEM((CH * T,), jnp.int32),
            pltpu.VMEM((CH * T,), jnp.int32),
            pltpu.VMEM((CH, HALF), jnp.float32),
            pltpu.VMEM((CH, HALF), jnp.float32),
            pltpu.SemaphoreType.DMA,
            pltpu.SemaphoreType.DMA,
            pltpu.SemaphoreType.DMA,
            pltpu.SemaphoreType.DMA,
            pltpu.SemaphoreType.DMA,
        ],
        compiler_params=pltpu.CompilerParams(
            use_tc_tiling_on_sc=False, needs_layout_passes=False),
    )(_body)
    return f(last_moves, encodings)


def kernel(last_moves, encodings):
    return _run(last_moves.astype(jnp.int32).reshape(-1), encodings)

# --- scband reference (transcript-rebuilt; emitter-appended) ---
"""Pipeline reference for scband-last-moves-encoder-85246510891609 (READ-ONLY COPY).

The authoritative reference and input builder live on the scoring server;
editing this copy changes nothing except your own understanding.
"""

import jax, jax.numpy as jnp
import numpy as np

TRAILING_LAST_MOVES_DIM = 8
LAST_MOVES_DICTIONARY_SIZE = 362
EMBED_DIM = 64
BATCH = 16384
POS_EMB_STD = 0.02


def setup_inputs(seed: int = 0) -> dict:
    key = jax.random.key(seed)
    k1, k2 = jax.random.split(key)
    last_moves = jax.random.randint(
        k1, (BATCH, TRAILING_LAST_MOVES_DIM), 0, LAST_MOVES_DICTIONARY_SIZE, dtype=jnp.int64
        if jax.config.jax_enable_x64 else jnp.int32)
    encodings = jax.random.truncated_normal(
        k2, -2.0, 2.0,
        (TRAILING_LAST_MOVES_DIM, LAST_MOVES_DICTIONARY_SIZE, EMBED_DIM),
        dtype=jnp.float32) * POS_EMB_STD
    return {"last_moves": last_moves, "encodings": encodings}


def reference(last_moves, encodings):
    # encodings: [T, K, D]; last_moves: [B, T]
    # torch: encodings[range_tensor, last_moves.T].sum(dim=0)
    # range_tensor: [T, 1]; last_moves.T: [T, B] -> gather -> [T, B, D] -> sum over T -> [B, D]
    T = encodings.shape[0]
    range_tensor = jnp.arange(T)[:, None]  # [T, 1]
    gathered = encodings[range_tensor, last_moves.T]  # [T, B, D]
    return gathered.sum(axis=0)

if __name__ == "__main__":
    import jax
    _d = setup_inputs()
    print(jax.jit(kernel)(*tuple(_d.values())))

</pallas_src>

<mosaic_0001>
#map = affine_map<(d0, d1) -> (0)>
#map1 = affine_map<(d0, d1) -> (0, 0, 0)>
#map2 = affine_map<(d0, d1) -> (0, 0)>
module attributes {stable_mosaic.version = 14 : i64} {
  func.func @_body(%arg0: i32, %arg1: i32, %arg2: memref<131072xi32, #tpu.memory_space<hbm>>, %arg3: memref<8x362x64xf32, #tpu.memory_space<hbm>>, %arg4: memref<16384x64xf32, #tpu.memory_space<hbm>>, %arg5: memref<8x362x32xf32, #tpu.memory_space<vmem>>, %arg6: memref<2048xi32, #tpu.memory_space<vmem>>, %arg7: memref<2048xi32, #tpu.memory_space<vmem>>, %arg8: memref<256x32xf32, #tpu.memory_space<vmem>>, %arg9: memref<256x32xf32, #tpu.memory_space<vmem>>, %arg10: memref<!tpu.dma_semaphore, #tpu.memory_space<semaphore_mem>>, %arg11: memref<!tpu.dma_semaphore, #tpu.memory_space<semaphore_mem>>, %arg12: memref<!tpu.dma_semaphore, #tpu.memory_space<semaphore_mem>>, %arg13: memref<!tpu.dma_semaphore, #tpu.memory_space<semaphore_mem>>, %arg14: memref<!tpu.dma_semaphore, #tpu.memory_space<semaphore_mem>>) attributes {dimension_semantics = [#tpu.dimension_semantics<core_parallel>, #tpu.dimension_semantics<subcore_parallel>], iteration_bounds = array<i64: 2, 16>, scalar_prefetch = 0 : i64, scratch_operands = 10 : i64, tpu.core_type = #tpu.core_type<sc_vector_subcore>, window_params = [{transform_indices = #map}, {transform_indices = #map1}, {transform_indices = #map2}]} {
    %mul3A = arith.constant 32 : i32
    %mul3A_0 = arith.muli %arg0, %mul3A : i32
    %dma_start3A = arith.constant 0 : i32
    %dma_start3A_1 = arith.constant 0 : i32
    %dma_start3A_2 = tpu.memref_slice %arg3[%dma_start3A, %dma_start3A_1, %mul3A_0] : memref<8x362x64xf32, #tpu.memory_space<hbm>> -> memref<8x362x32xf32, #tpu.memory_space<hbm>>
    %dma_start3A_3 = arith.constant 0 : i32
    %dma_start3A_4 = arith.constant 0 : i32
    %dma_start3A_5 = tpu.memref_slice %arg3[%dma_start3A_3, %dma_start3A_4, %mul3A_0] : memref<8x362x64xf32, #tpu.memory_space<hbm>> -> memref<8x362x32xf32, #tpu.memory_space<hbm>>
    tpu.enqueue_dma source(%dma_start3A_5 : memref<8x362x32xf32, #tpu.memory_space<hbm>>) target(%arg5 : memref<8x362x32xf32, #tpu.memory_space<vmem>>) target_semaphore(%arg10 : memref<!tpu.dma_semaphore, #tpu.memory_space<semaphore_mem>>)
    %mul3A_6 = arith.constant 1024 : i32
    %mul3A_7 = arith.muli %arg1, %mul3A_6 : i32
    %add3A = arith.constant 0 : i32
    %add3A_8 = arith.addi %mul3A_7, %add3A : i32
    %mul3A_9 = arith.constant 8 : i32
    %mul3A_10 = arith.muli %add3A_8, %mul3A_9 : i32
    %dma_start3A_11 = tpu.memref_slice %arg2[%mul3A_10] : memref<131072xi32, #tpu.memory_space<hbm>> -> memref<2048xi32, #tpu.memory_space<hbm>>
    %dma_start3A_12 = tpu.memref_slice %arg2[%mul3A_10] : memref<131072xi32, #tpu.memory_space<hbm>> -> memref<2048xi32, #tpu.memory_space<hbm>>
    tpu.enqueue_dma source(%dma_start3A_12 : memref<2048xi32, #tpu.memory_space<hbm>>) target(%arg6 : memref<2048xi32, #tpu.memory_space<vmem>>) target_semaphore(%arg11 : memref<!tpu.dma_semaphore, #tpu.memory_space<semaphore_mem>>)
    %mul3A_13 = arith.constant 1024 : i32
    %mul3A_14 = arith.muli %arg1, %mul3A_13 : i32
    %add3A_15 = arith.constant 256 : i32
    %add3A_16 = arith.addi %mul3A_14, %add3A_15 : i32
    %mul3A_17 = arith.constant 8 : i32
    %mul3A_18 = arith.muli %add3A_16, %mul3A_17 : i32
    %dma_start3A_19 = tpu.memref_slice %arg2[%mul3A_18] : memref<131072xi32, #tpu.memory_space<hbm>> -> memref<2048xi32, #tpu.memory_space<hbm>>
    %dma_start3A_20 = tpu.memref_slice %arg2[%mul3A_18] : memref<131072xi32, #tpu.memory_space<hbm>> -> memref<2048xi32, #tpu.memory_space<hbm>>
    tpu.enqueue_dma source(%dma_start3A_20 : memref<2048xi32, #tpu.memory_space<hbm>>) target(%arg7 : memref<2048xi32, #tpu.memory_space<vmem>>) target_semaphore(%arg12 : memref<!tpu.dma_semaphore, #tpu.memory_space<semaphore_mem>>)
    %dma_wait3A = arith.constant 0 : i32
    %dma_wait3A_21 = arith.constant 0 : i32
    %dma_wait3A_22 = tpu.memref_slice %arg3[%dma_wait3A, %dma_wait3A_21, %mul3A_0] : memref<8x362x64xf32, #tpu.memory_space<hbm>> -> memref<8x362x32xf32, #tpu.memory_space<hbm>>
    %dma_wait3A_23 = arith.constant 0 : i32
    %dma_wait3A_24 = arith.constant 0 : i32
    %dma_wait3A_25 = tpu.memref_slice %arg3[%dma_wait3A_23, %dma_wait3A_24, %mul3A_0] : memref<8x362x64xf32, #tpu.memory_space<hbm>> -> memref<8x362x32xf32, #tpu.memory_space<hbm>>
    tpu.wait_dma2 semaphore(%arg10 : memref<!tpu.dma_semaphore, #tpu.memory_space<semaphore_mem>>) src(%dma_wait3A_25 : memref<8x362x32xf32, #tpu.memory_space<hbm>>) dst(%arg5 : memref<8x362x32xf32, #tpu.memory_space<vmem>>)
    %dma_wait3A_26 = tpu.memref_slice %arg2[%mul3A_10] : memref<131072xi32, #tpu.memory_space<hbm>> -> memref<2048xi32, #tpu.memory_space<hbm>>
    %dma_wait3A_27 = tpu.memref_slice %arg2[%mul3A_10] : memref<131072xi32, #tpu.memory_space<hbm>> -> memref<2048xi32, #tpu.memory_space<hbm>>
    tpu.wait_dma2 semaphore(%arg11 : memref<!tpu.dma_semaphore, #tpu.memory_space<semaphore_mem>>) src(%dma_wait3A_27 : memref<2048xi32, #tpu.memory_space<hbm>>) dst(%arg6 : memref<2048xi32, #tpu.memory_space<vmem>>)
    %parallel_loop3A = arith.constant 0 : i32
    %parallel_loop3A_28 = arith.constant 128 : i32
    %parallel_loop3A_29 = arith.constant 1 : i32
    scf.for %parallel_loop3A_101 = %parallel_loop3A to %parallel_loop3A_28 step %parallel_loop3A_29  : i32 {
      %parallel_loop3A_102 = arith.constant 2 : i32
      %parallel_loop3A_103 = arith.muli %parallel_loop3A_101, %parallel_loop3A_102 : i32
      %parallel_loop3A_104 = arith.constant 8 : i32
      %parallel_loop3A_105 = arith.muli %parallel_loop3A_103, %parallel_loop3A_104 : i32
      %parallel_loop3A_106 = arith.index_cast %parallel_loop3A_105 : i32 to index
      %parallel_loop3A_107 = tpu.vector_load %arg6[%parallel_loop3A_106] {strides = array<i32>} : memref<2048xi32, #tpu.memory_space<vmem>>, vector<16xi32>,
      %parallel_loop3A_108 = arith.constant 2 : i32
      %parallel_loop3A_109 = arith.muli %parallel_loop3A_101, %parallel_loop3A_108 : i32
      %parallel_loop3A_110 = arith.constant 0 : i32
      %parallel_loop3A_111 = arith.addi %parallel_loop3A_109, %parallel_loop3A_110 : i32
      %parallel_loop3A_112 = vector.extract_strided_slice %parallel_loop3A_107 {offsets = [0], sizes = [1], strides = [1]} : vector<16xi32> to vector<1xi32>
      %parallel_loop3A_113 = vector.extract %parallel_loop3A_112[0] : i32 from vector<1xi32>
      %parallel_loop3A_114 = arith.constant 0 : i32
      %parallel_loop3A_115 = arith.index_cast %parallel_loop3A_114 : i32 to index
      %parallel_loop3A_116 = arith.index_cast %parallel_loop3A_113 : i32 to index
      %parallel_loop3A_117 = arith.constant 0 : index
      %parallel_loop3A_118 = tpu.vector_load %arg5[%parallel_loop3A_115, %parallel_loop3A_116, %parallel_loop3A_117] {strides = array<i32>} : memref<8x362x32xf32, #tpu.memory_space<vmem>>, vector<16xf32>,
      %parallel_loop3A_119 = arith.constant 0 : i32
      %parallel_loop3A_120 = arith.index_cast %parallel_loop3A_119 : i32 to index
      %parallel_loop3A_121 = arith.index_cast %parallel_loop3A_113 : i32 to index
      %parallel_loop3A_122 = arith.constant 16 : index
      %parallel_loop3A_123 = tpu.vector_load %arg5[%parallel_loop3A_120, %parallel_loop3A_121, %parallel_loop3A_122] {strides = array<i32>} : memref<8x362x32xf32, #tpu.memory_space<vmem>>, vector<16xf32>,
      %parallel_loop3A_124 = vector.extract_strided_slice %parallel_loop3A_107 {offsets = [1], sizes = [1], strides = [1]} : vector<16xi32> to vector<1xi32>
      %parallel_loop3A_125 = vector.extract %parallel_loop3A_124[0] : i32 from vector<1xi32>
      %parallel_loop3A_126 = arith.constant 1 : i32
      %parallel_loop3A_127 = arith.index_cast %parallel_loop3A_126 : i32 to index
      %parallel_loop3A_128 = arith.index_cast %parallel_loop3A_125 : i32 to index
      %parallel_loop3A_129 = arith.constant 0 : index
      %parallel_loop3A_130 = tpu.vector_load %arg5[%parallel_loop3A_127, %parallel_loop3A_128, %parallel_loop3A_129] {strides = array<i32>} : memref<8x362x32xf32, #tpu.memory_space<vmem>>, vector<16xf32>,
      %parallel_loop3A_131 = arith.constant 1 : i32
      %parallel_loop3A_132 = arith.index_cast %parallel_loop3A_131 : i32 to index
      %parallel_loop3A_133 = arith.index_cast %parallel_loop3A_125 : i32 to index
      %parallel_loop3A_134 = arith.constant 16 : index
      %parallel_loop3A_135 = tpu.vector_load %arg5[%parallel_loop3A_132, %parallel_loop3A_133, %parallel_loop3A_134] {strides = array<i32>} : memref<8x362x32xf32, #tpu.memory_space<vmem>>, vector<16xf32>,
      %parallel_loop3A_136 = vector.extract_strided_slice %parallel_loop3A_107 {offsets = [2], sizes = [1], strides = [1]} : vector<16xi32> to vector<1xi32>
      %parallel_loop3A_137 = vector.extract %parallel_loop3A_136[0] : i32 from vector<1xi32>
      %parallel_loop3A_138 = arith.constant 2 : i32
      %parallel_loop3A_139 = arith.index_cast %parallel_loop3A_138 : i32 to index
      %parallel_loop3A_140 = arith.index_cast %parallel_loop3A_137 : i32 to index
      %parallel_loop3A_141 = arith.constant 0 : index
      %parallel_loop3A_142 = tpu.vector_load %arg5[%parallel_loop3A_139, %parallel_loop3A_140, %parallel_loop3A_141] {strides = array<i32>} : memref<8x362x32xf32, #tpu.memory_space<vmem>>, vector<16xf32>,
      %parallel_loop3A_143 = arith.constant 2 : i32
      %parallel_loop3A_144 = arith.index_cast %parallel_loop3A_143 : i32 to index
      %parallel_loop3A_145 = arith.index_cast %parallel_loop3A_137 : i32 to index
      %parallel_loop3A_146 = arith.constant 16 : index
      %parallel_loop3A_147 = tpu.vector_load %arg5[%parallel_loop3A_144, %parallel_loop3A_145, %parallel_loop3A_146] {strides = array<i32>} : memref<8x362x32xf32, #tpu.memory_space<vmem>>, vector<16xf32>,
      %parallel_loop3A_148 = vector.extract_strided_slice %parallel_loop3A_107 {offsets = [3], sizes = [1], strides = [1]} : vector<16xi32> to vector<1xi32>
      %parallel_loop3A_149 = vector.extract %parallel_loop3A_148[0] : i32 from vector<1xi32>
      %parallel_loop3A_150 = arith.constant 3 : i32
      %parallel_loop3A_151 = arith.index_cast %parallel_loop3A_150 : i32 to index
      %parallel_loop3A_152 = arith.index_cast %parallel_loop3A_149 : i32 to index
      %parallel_loop3A_153 = arith.constant 0 : index
      %parallel_loop3A_154 = tpu.vector_load %arg5[%parallel_loop3A_151, %parallel_loop3A_152, %parallel_loop3A_153] {strides = array<i32>} : memref<8x362x32xf32, #tpu.memory_space<vmem>>, vector<16xf32>,
      %parallel_loop3A_155 = arith.constant 3 : i32
      %parallel_loop3A_156 = arith.index_cast %parallel_loop3A_155 : i32 to index
      %parallel_loop3A_157 = arith.index_cast %parallel_loop3A_149 : i32 to index
      %parallel_loop3A_158 = arith.constant 16 : index
      %parallel_loop3A_159 = tpu.vector_load %arg5[%parallel_loop3A_156, %parallel_loop3A_157, %parallel_loop3A_158] {strides = array<i32>} : memref<8x362x32xf32, #tpu.memory_space<vmem>>, vector<16xf32>,
      %parallel_loop3A_160 = vector.extract_strided_slice %parallel_loop3A_107 {offsets = [4], sizes = [1], strides = [1]} : vector<16xi32> to vector<1xi32>
      %parallel_loop3A_161 = vector.extract %parallel_loop3A_160[0] : i32 from vector<1xi32>
      %parallel_loop3A_162 = arith.constant 4 : i32
      %parallel_loop3A_163 = arith.index_cast %parallel_loop3A_162 : i32 to index
      %parallel_loop3A_164 = arith.index_cast %parallel_loop3A_161 : i32 to index
      %parallel_loop3A_165 = arith.constant 0 : index
      %parallel_loop3A_166 = tpu.vector_load %arg5[%parallel_loop3A_163, %parallel_loop3A_164, %parallel_loop3A_165] {strides = array<i32>} : memref<8x362x32xf32, #tpu.memory_space<vmem>>, vector<16xf32>,
      %parallel_loop3A_167 = arith.constant 4 : i32
      %parallel_loop3A_168 = arith.index_cast %parallel_loop3A_167 : i32 to index
      %parallel_loop3A_169 = arith.index_cast %parallel_loop3A_161 : i32 to index
      %parallel_loop3A_170 = arith.constant 16 : index
      %parallel_loop3A_171 = tpu.vector_load %arg5[%parallel_loop3A_168, %parallel_loop3A_169, %parallel_loop3A_170] {strides = array<i32>} : memref<8x362x32xf32, #tpu.memory_space<vmem>>, vector<16xf32>,
      %parallel_loop3A_172 = vector.extract_strided_slice %parallel_loop3A_107 {offsets = [5], sizes = [1], strides = [1]} : vector<16xi32> to vector<1xi32>
      %parallel_loop3A_173 = vector.extract %parallel_loop3A_172[0] : i32 from vector<1xi32>
      %parallel_loop3A_174 = arith.constant 5 : i32
      %parallel_loop3A_175 = arith.index_cast %parallel_loop3A_174 : i32 to index
      %parallel_loop3A_176 = arith.index_cast %parallel_loop3A_173 : i32 to index
      %parallel_loop3A_177 = arith.constant 0 : index
      %parallel_loop3A_178 = tpu.vector_load %arg5[%parallel_loop3A_175, %parallel_loop3A_176, %parallel_loop3A_177] {strides = array<i32>} : memref<8x362x32xf32, #tpu.memory_space<vmem>>, vector<16xf32>,
      %parallel_loop3A_179 = arith.constant 5 : i32
      %parallel_loop3A_180 = arith.index_cast %parallel_loop3A_179 : i32 to index
      %parallel_loop3A_181 = arith.index_cast %parallel_loop3A_173 : i32 to index
      %parallel_loop3A_182 = arith.constant 16 : index
      %parallel_loop3A_183 = tpu.vector_load %arg5[%parallel_loop3A_180, %parallel_loop3A_181, %parallel_loop3A_182] {strides = array<i32>} : memref<8x362x32xf32, #tpu.memory_space<vmem>>, vector<16xf32>,
      %parallel_loop3A_184 = vector.extract_strided_slice %parallel_loop3A_107 {offsets = [6], sizes = [1], strides = [1]} : vector<16xi32> to vector<1xi32>
      %parallel_loop3A_185 = vector.extract %parallel_loop3A_184[0] : i32 from vector<1xi32>
      %parallel_loop3A_186 = arith.constant 6 : i32
      %parallel_loop3A_187 = arith.index_cast %parallel_loop3A_186 : i32 to index
      %parallel_loop3A_188 = arith.index_cast %parallel_loop3A_185 : i32 to index
      %parallel_loop3A_189 = arith.constant 0 : index
      %parallel_loop3A_190 = tpu.vector_load %arg5[%parallel_loop3A_187, %parallel_loop3A_188, %parallel_loop3A_189] {strides = array<i32>} : memref<8x362x32xf32, #tpu.memory_space<vmem>>, vector<16xf32>,
      %parallel_loop3A_191 = arith.constant 6 : i32
      %parallel_loop3A_192 = arith.index_cast %parallel_loop3A_191 : i32 to index
      %parallel_loop3A_193 = arith.index_cast %parallel_loop3A_185 : i32 to index
      %parallel_loop3A_194 = arith.constant 16 : index
      %parallel_loop3A_195 = tpu.vector_load %arg5[%parallel_loop3A_192, %parallel_loop3A_193, %parallel_loop3A_194] {strides = array<i32>} : memref<8x362x32xf32, #tpu.memory_space<vmem>>, vector<16xf32>,
      %parallel_loop3A_196 = vector.extract_strided_slice %parallel_loop3A_107 {offsets = [7], sizes = [1], strides = [1]} : vector<16xi32> to vector<1xi32>
      %parallel_loop3A_197 = vector.extract %parallel_loop3A_196[0] : i32 from vector<1xi32>
      %parallel_loop3A_198 = arith.constant 7 : i32
      %parallel_loop3A_199 = arith.index_cast %parallel_loop3A_198 : i32 to index
      %parallel_loop3A_200 = arith.index_cast %parallel_loop3A_197 : i32 to index
      %parallel_loop3A_201 = arith.constant 0 : index
      %parallel_loop3A_202 = tpu.vector_load %arg5[%parallel_loop3A_199, %parallel_loop3A_200, %parallel_loop3A_201] {strides = array<i32>} : memref<8x362x32xf32, #tpu.memory_space<vmem>>, vector<16xf32>,
      %parallel_loop3A_203 = arith.constant 7 : i32
      %parallel_loop3A_204 = arith.index_cast %parallel_loop3A_203 : i32 to index
      %parallel_loop3A_205 = arith.index_cast %parallel_loop3A_197 : i32 to index
      %parallel_loop3A_206 = arith.constant 16 : index
      %parallel_loop3A_207 = tpu.vector_load %arg5[%parallel_loop3A_204, %parallel_loop3A_205, %parallel_loop3A_206] {strides = array<i32>} : memref<8x362x32xf32, #tpu.memory_space<vmem>>, vector<16xf32>,
      %parallel_loop3A_208 = arith.addf %parallel_loop3A_118, %parallel_loop3A_130 : vector<16xf32>
      %parallel_loop3A_209 = arith.addf %parallel_loop3A_142, %parallel_loop3A_154 : vector<16xf32>
      %parallel_loop3A_210 = arith.addf %parallel_loop3A_208, %parallel_loop3A_209 : vector<16xf32>
      %parallel_loop3A_211 = arith.addf %parallel_loop3A_166, %parallel_loop3A_178 : vector<16xf32>
      %parallel_loop3A_212 = arith.addf %parallel_loop3A_190, %parallel_loop3A_202 : vector<16xf32>
      %parallel_loop3A_213 = arith.addf %parallel_loop3A_211, %parallel_loop3A_212 : vector<16xf32>
      %parallel_loop3A_214 = arith.addf %parallel_loop3A_210, %parallel_loop3A_213 : vector<16xf32>
      %parallel_loop3A_215 = arith.addf %parallel_loop3A_123, %parallel_loop3A_135 : vector<16xf32>
      %parallel_loop3A_216 = arith.addf %parallel_loop3A_147, %parallel_loop3A_159 : vector<16xf32>
      %parallel_loop3A_217 = arith.addf %parallel_loop3A_215, %parallel_loop3A_216 : vector<16xf32>
      %parallel_loop3A_218 = arith.addf %parallel_loop3A_171, %parallel_loop3A_183 : vector<16xf32>
      %parallel_loop3A_219 = arith.addf %parallel_loop3A_195, %parallel_loop3A_207 : vector<16xf32>
      %parallel_loop3A_220 = arith.addf %parallel_loop3A_218, %parallel_loop3A_219 : vector<16xf32>
      %parallel_loop3A_221 = arith.addf %parallel_loop3A_217, %parallel_loop3A_220 : vector<16xf32>
      %parallel_loop3A_222 = arith.index_cast %parallel_loop3A_111 : i32 to index
      %parallel_loop3A_223 = arith.constant 0 : index
      %parallel_loop3A_224 = tpu.vector_load %arg8[%parallel_loop3A_222, %parallel_loop3A_223] {strides = array<i32>} : memref<256x32xf32, #tpu.memory_space<vmem>>, vector<16xf32>,
      tpu.vector_store %arg8[%parallel_loop3A_222, %parallel_loop3A_223], %parallel_loop3A_214 {strides = array<i32>} : memref<256x32xf32, #tpu.memory_space<vmem>>, vector<16xf32>,
      %parallel_loop3A_225 = arith.index_cast %parallel_loop3A_111 : i32 to index
      %parallel_loop3A_226 = arith.constant 16 : index
      %parallel_loop3A_227 = tpu.vector_load %arg8[%parallel_loop3A_225, %parallel_loop3A_226] {strides = array<i32>} : memref<256x32xf32, #tpu.memory_space<vmem>>, vector<16xf32>,
      tpu.vector_store %arg8[%parallel_loop3A_225, %parallel_loop3A_226], %parallel_loop3A_221 {strides = array<i32>} : memref<256x32xf32, #tpu.memory_space<vmem>>, vector<16xf32>,
      %parallel_loop3A_228 = arith.constant 2 : i32
      %parallel_loop3A_229 = arith.muli %parallel_loop3A_101, %parallel_loop3A_228 : i32
      %parallel_loop3A_230 = arith.constant 1 : i32
      %parallel_loop3A_231 = arith.addi %parallel_loop3A_229, %parallel_loop3A_230 : i32
      %parallel_loop3A_232 = vector.extract_strided_slice %parallel_loop3A_107 {offsets = [8], sizes = [1], strides = [1]} : vector<16xi32> to vector<1xi32>
      %parallel_loop3A_233 = vector.extract %parallel_loop3A_232[0] : i32 from vector<1xi32>
      %parallel_loop3A_234 = arith.constant 0 : i32
      %parallel_loop3A_235 = arith.index_cast %parallel_loop3A_234 : i32 to index
      %parallel_loop3A_236 = arith.index_cast %parallel_loop3A_233 : i32 to index
      %parallel_loop3A_237 = arith.constant 0 : index
      %parallel_loop3A_238 = tpu.vector_load %arg5[%parallel_loop3A_235, %parallel_loop3A_236, %parallel_loop3A_237] {strides = array<i32>} : memref<8x362x32xf32, #tpu.memory_space<vmem>>, vector<16xf32>,
      %parallel_loop3A_239 = arith.constant 0 : i32
      %parallel_loop3A_240 = arith.index_cast %parallel_loop3A_239 : i32 to index
      %parallel_loop3A_241 = arith.index_cast %parallel_loop3A_233 : i32 to index
      %parallel_loop3A_242 = arith.constant 16 : index
      %parallel_loop3A_243 = tpu.vector_load %arg5[%parallel_loop3A_240, %parallel_loop3A_241, %parallel_loop3A_242] {strides = array<i32>} : memref<8x362x32xf32, #tpu.memory_space<vmem>>, vector<16xf32>,
      %parallel_loop3A_244 = vector.extract_strided_slice %parallel_loop3A_107 {offsets = [9], sizes = [1], strides = [1]} : vector<16xi32> to vector<1xi32>
      %parallel_loop3A_245 = vector.extract %parallel_loop3A_244[0] : i32 from vector<1xi32>
      %parallel_loop3A_246 = arith.constant 1 : i32
      %parallel_loop3A_247 = arith.index_cast %parallel_loop3A_246 : i32 to index
      %parallel_loop3A_248 = arith.index_cast %parallel_loop3A_245 : i32 to index
      %parallel_loop3A_249 = arith.constant 0 : index
      %parallel_loop3A_250 = tpu.vector_load %arg5[%parallel_loop3A_247, %parallel_loop3A_248, %parallel_loop3A_249] {strides = array<i32>} : memref<8x362x32xf32, #tpu.memory_space<vmem>>, vector<16xf32>,
      %parallel_loop3A_251 = arith.constant 1 : i32
      %parallel_loop3A_252 = arith.index_cast %parallel_loop3A_251 : i32 to index
      %parallel_loop3A_253 = arith.index_cast %parallel_loop3A_245 : i32 to index
      %parallel_loop3A_254 = arith.constant 16 : index
      %parallel_loop3A_255 = tpu.vector_load %arg5[%parallel_loop3A_252, %parallel_loop3A_253, %parallel_loop3A_254] {strides = array<i32>} : memref<8x362x32xf32, #tpu.memory_space<vmem>>, vector<16xf32>,
      %parallel_loop3A_256 = vector.extract_strided_slice %parallel_loop3A_107 {offsets = [10], sizes = [1], strides = [1]} : vector<16xi32> to vector<1xi32>
      %parallel_loop3A_257 = vector.extract %parallel_loop3A_256[0] : i32 from vector<1xi32>
      %parallel_loop3A_258 = arith.constant 2 : i32
      %parallel_loop3A_259 = arith.index_cast %parallel_loop3A_258 : i32 to index
      %parallel_loop3A_260 = arith.index_cast %parallel_loop3A_257 : i32 to index
      %parallel_loop3A_261 = arith.constant 0 : index
      %parallel_loop3A_262 = tpu.vector_load %arg5[%parallel_loop3A_259, %parallel_loop3A_260, %parallel_loop3A_261] {strides = array<i32>} : memref<8x362x32xf32, #tpu.memory_space<vmem>>, vector<16xf32>,
      %parallel_loop3A_263 = arith.constant 2 : i32
      %parallel_loop3A_264 = arith.index_cast %parallel_loop3A_263 : i32 to index
      %parallel_loop3A_265 = arith.index_cast %parallel_loop3A_257 : i32 to index
      %parallel_loop3A_266 = arith.constant 16 : index
      %parallel_loop3A_267 = tpu.vector_load %arg5[%parallel_loop3A_264, %parallel_loop3A_265, %parallel_loop3A_266] {strides = array<i32>} : memref<8x362x32xf32, #tpu.memory_space<vmem>>, vector<16xf32>,
      %parallel_loop3A_268 = vector.extract_strided_slice %parallel_loop3A_107 {offsets = [11], sizes = [1], strides = [1]} : vector<16xi32> to vector<1xi32>
      %parallel_loop3A_269 = vector.extract %parallel_loop3A_268[0] : i32 from vector<1xi32>
      %parallel_loop3A_270 = arith.constant 3 : i32
      %parallel_loop3A_271 = arith.index_cast %parallel_loop3A_270 : i32 to index
      %parallel_loop3A_272 = arith.index_cast %parallel_loop3A_269 : i32 to index
      %parallel_loop3A_273 = arith.constant 0 : index
      %parallel_loop3A_274 = tpu.vector_load %arg5[%parallel_loop3A_271, %parallel_loop3A_272, %parallel_loop3A_273] {strides = array<i32>} : memref<8x362x32xf32, #tpu.memory_space<vmem>>, vector<16xf32>,
      %parallel_loop3A_275 = arith.constant 3 : i32
      %parallel_loop3A_276 = arith.index_cast %parallel_loop3A_275 : i32 to index
      %parallel_loop3A_277 = arith.index_cast %parallel_loop3A_269 : i32 to index
      %parallel_loop3A_278 = arith.constant 16 : index
      %parallel_loop3A_279 = tpu.vector_load %arg5[%parallel_loop3A_276, %parallel_loop3A_277, %parallel_loop3A_278] {strides = array<i32>} : memref<8x362x32xf32, #tpu.memory_space<vmem>>, vector<16xf32>,
      %parallel_loop3A_280 = vector.extract_strided_slice %parallel_loop3A_107 {offsets = [12], sizes = [1], strides = [1]} : vector<16xi32> to vector<1xi32>
      %parallel_loop3A_281 = vector.extract %parallel_loop3A_280[0] : i32 from vector<1xi32>
      %parallel_loop3A_282 = arith.constant 4 : i32
      %parallel_loop3A_283 = arith.index_cast %parallel_loop3A_282 : i32 to index
      %parallel_loop3A_284 = arith.index_cast %parallel_loop3A_281 : i32 to index
      %parallel_loop3A_285 = arith.constant 0 : index
      %parallel_loop3A_286 = tpu.vector_load %arg5[%parallel_loop3A_283, %parallel_loop3A_284, %parallel_loop3A_285] {strides = array<i32>} : memref<8x362x32xf32, #tpu.memory_space<vmem>>, vector<16xf32>,
      %parallel_loop3A_287 = arith.constant 4 : i32
      %parallel_loop3A_288 = arith.index_cast %parallel_loop3A_287 : i32 to index
      %parallel_loop3A_289 = arith.index_cast %parallel_loop3A_281 : i32 to index
      %parallel_loop3A_290 = arith.constant 16 : index
      %parallel_loop3A_291 = tpu.vector_load %arg5[%parallel_loop3A_288, %parallel_loop3A_289, %parallel_loop3A_290] {strides = array<i32>} : memref<8x362x32xf32, #tpu.memory_space<vmem>>, vector<16xf32>,
      %parallel_loop3A_292 = vector.extract_strided_slice %parallel_loop3A_107 {offsets = [13], sizes = [1], strides = [1]} : vector<16xi32> to vector<1xi32>
      %parallel_loop3A_293 = vector.extract %parallel_loop3A_292[0] : i32 from vector<1xi32>
      %parallel_loop3A_294 = arith.constant 5 : i32
      %parallel_loop3A_295 = arith.index_cast %parallel_loop3A_294 : i32 to index
      %parallel_loop3A_296 = arith.index_cast %parallel_loop3A_293 : i32 to index
      %parallel_loop3A_297 = arith.constant 0 : index
      %parallel_loop3A_298 = tpu.vector_load %arg5[%parallel_loop3A_295, %parallel_loop3A_296, %parallel_loop3A_297] {strides = array<i32>} : memref<8x362x32xf32, #tpu.memory_space<vmem>>, vector<16xf32>,
      %parallel_loop3A_299 = arith.constant 5 : i32
      %parallel_loop3A_300 = arith.index_cast %parallel_loop3A_299 : i32 to index
      %parallel_loop3A_301 = arith.index_cast %parallel_loop3A_293 : i32 to index
      %parallel_loop3A_302 = arith.constant 16 : index
      %parallel_loop3A_303 = tpu.vector_load %arg5[%parallel_loop3A_300, %parallel_loop3A_301, %parallel_loop3A_302] {strides = array<i32>} : memref<8x362x32xf32, #tpu.memory_space<vmem>>, vector<16xf32>,
      %parallel_loop3A_304 = vector.extract_strided_slice %parallel_loop3A_107 {offsets = [14], sizes = [1], strides = [1]} : vector<16xi32> to vector<1xi32>
      %parallel_loop3A_305 = vector.extract %parallel_loop3A_304[0] : i32 from vector<1xi32>
      %parallel_loop3A_306 = arith.constant 6 : i32
      %parallel_loop3A_307 = arith.index_cast %parallel_loop3A_306 : i32 to index
      %parallel_loop3A_308 = arith.index_cast %parallel_loop3A_305 : i32 to index
      %parallel_loop3A_309 = arith.constant 0 : index
      %parallel_loop3A_310 = tpu.vector_load %arg5[%parallel_loop3A_307, %parallel_loop3A_308, %parallel_loop3A_309] {strides = array<i32>} : memref<8x362x32xf32, #tpu.memory_space<vmem>>, vector<16xf32>,
      %parallel_loop3A_311 = arith.constant 6 : i32
      %parallel_loop3A_312 = arith.index_cast %parallel_loop3A_311 : i32 to index
      %parallel_loop3A_313 = arith.index_cast %parallel_loop3A_305 : i32 to index
      %parallel_loop3A_314 = arith.constant 16 : index
      %parallel_loop3A_315 = tpu.vector_load %arg5[%parallel_loop3A_312, %parallel_loop3A_313, %parallel_loop3A_314] {strides = array<i32>} : memref<8x362x32xf32, #tpu.memory_space<vmem>>, vector<16xf32>,
      %parallel_loop3A_316 = vector.extract_strided_slice %parallel_loop3A_107 {offsets = [15], sizes = [1], strides = [1]} : vector<16xi32> to vector<1xi32>
      %parallel_loop3A_317 = vector.extract %parallel_loop3A_316[0] : i32 from vector<1xi32>
      %parallel_loop3A_318 = arith.constant 7 : i32
      %parallel_loop3A_319 = arith.index_cast %parallel_loop3A_318 : i32 to index
      %parallel_loop3A_320 = arith.index_cast %parallel_loop3A_317 : i32 to index
      %parallel_loop3A_321 = arith.constant 0 : index
      %parallel_loop3A_322 = tpu.vector_load %arg5[%parallel_loop3A_319, %parallel_loop3A_320, %parallel_loop3A_321] {strides = array<i32>} : memref<8x362x32xf32, #tpu.memory_space<vmem>>, vector<16xf32>,
      %parallel_loop3A_323 = arith.constant 7 : i32
      %parallel_loop3A_324 = arith.index_cast %parallel_loop3A_323 : i32 to index
      %parallel_loop3A_325 = arith.index_cast %parallel_loop3A_317 : i32 to index
      %parallel_loop3A_326 = arith.constant 16 : index
      %parallel_loop3A_327 = tpu.vector_load %arg5[%parallel_loop3A_324, %parallel_loop3A_325, %parallel_loop3A_326] {strides = array<i32>} : memref<8x362x32xf32, #tpu.memory_space<vmem>>, vector<16xf32>,
      %parallel_loop3A_328 = arith.addf %parallel_loop3A_238, %parallel_loop3A_250 : vector<16xf32>
      %parallel_loop3A_329 = arith.addf %parallel_loop3A_262, %parallel_loop3A_274 : vector<16xf32>
      %parallel_loop3A_330 = arith.addf %parallel_loop3A_328, %parallel_loop3A_329 : vector<16xf32>
      %parallel_loop3A_331 = arith.addf %parallel_loop3A_286, %parallel_loop3A_298 : vector<16xf32>
      %parallel_loop3A_332 = arith.addf %parallel_loop3A_310, %parallel_loop3A_322 : vector<16xf32>
      %parallel_loop3A_333 = arith.addf %parallel_loop3A_331, %parallel_loop3A_332 : vector<16xf32>
      %parallel_loop3A_334 = arith.addf %parallel_loop3A_330, %parallel_loop3A_333 : vector<16xf32>
      %parallel_loop3A_335 = arith.addf %parallel_loop3A_243, %parallel_loop3A_255 : vector<16xf32>
      %parallel_loop3A_336 = arith.addf %parallel_loop3A_267, %parallel_loop3A_279 : vector<16xf32>
      %parallel_loop3A_337 = arith.addf %parallel_loop3A_335, %parallel_loop3A_336 : vector<16xf32>
      %parallel_loop3A_338 = arith.addf %parallel_loop3A_291, %parallel_loop3A_303 : vector<16xf32>
      %parallel_loop3A_339 = arith.addf %parallel_loop3A_315, %parallel_loop3A_327 : vector<16xf32>
      %parallel_loop3A_340 = arith.addf %parallel_loop3A_338, %parallel_loop3A_339 : vector<16xf32>
      %parallel_loop3A_341 = arith.addf %parallel_loop3A_337, %parallel_loop3A_340 : vector<16xf32>
      %parallel_loop3A_342 = arith.index_cast %parallel_loop3A_231 : i32 to index
      %parallel_loop3A_343 = arith.constant 0 : index
      %parallel_loop3A_344 = tpu.vector_load %arg8[%parallel_loop3A_342, %parallel_loop3A_343] {strides = array<i32>} : memref<256x32xf32, #tpu.memory_space<vmem>>, vector<16xf32>,
      tpu.vector_store %arg8[%parallel_loop3A_342, %parallel_loop3A_343], %parallel_loop3A_334 {strides = array<i32>} : memref<256x32xf32, #tpu.memory_space<vmem>>, vector<16xf32>,
      %parallel_loop3A_345 = arith.index_cast %parallel_loop3A_231 : i32 to index
      %parallel_loop3A_346 = arith.constant 16 : index
      %parallel_loop3A_347 = tpu.vector_load %arg8[%parallel_loop3A_345, %parallel_loop3A_346] {strides = array<i32>} : memref<256x32xf32, #tpu.memory_space<vmem>>, vector<16xf32>,
      tpu.vector_store %arg8[%parallel_loop3A_345, %parallel_loop3A_346], %parallel_loop3A_341 {strides = array<i32>} : memref<256x32xf32, #tpu.memory_space<vmem>>, vector<16xf32>,
    } {sc.loop_unroll_factor = 3 : i64, sc.parallel_access}
    %mul3A_30 = arith.constant 1024 : i32
    %mul3A_31 = arith.muli %arg1, %mul3A_30 : i32
    %add3A_32 = arith.constant 0 : i32
    %add3A_33 = arith.addi %mul3A_31, %add3A_32 : i32
    %mul3A_34 = arith.constant 32 : i32
    %mul3A_35 = arith.muli %arg0, %mul3A_34 : i32
    %dma_start3A_36 = tpu.memref_slice %arg4[%add3A_33, %mul3A_35] : memref<16384x64xf32, #tpu.memory_space<hbm>> -> memref<256x32xf32, #tpu.memory_space<hbm>>
    %dma_start3A_37 = tpu.memref_slice %arg4[%add3A_33, %mul3A_35] : memref<16384x64xf32, #tpu.memory_space<hbm>> -> memref<256x32xf32, #tpu.memory_space<hbm>>
    tpu.enqueue_dma source(%arg8 : memref<256x32xf32, #tpu.memory_space<vmem>>) target(%dma_start3A_37 : memref<256x32xf32, #tpu.memory_space<hbm>>) target_semaphore(%arg13 : memref<!tpu.dma_semaphore, #tpu.memory_space<semaphore_mem>>)
    %mul3A_38 = arith.constant 1024 : i32
    %mul3A_39 = arith.muli %arg1, %mul3A_38 : i32
    %add3A_40 = arith.constant 512 : i32
    %add3A_41 = arith.addi %mul3A_39, %add3A_40 : i32
    %mul3A_42 = arith.constant 8 : i32
    %mul3A_43 = arith.muli %add3A_41, %mul3A_42 : i32
    %dma_start3A_44 = tpu.memref_slice %arg2[%mul3A_43] : memref<131072xi32, #tpu.memory_space<hbm>> -> memref<2048xi32, #tpu.memory_space<hbm>>
    %dma_start3A_45 = tpu.memref_slice %arg2[%mul3A_43] : memref<131072xi32, #tpu.memory_space<hbm>> -> memref<2048xi32, #tpu.memory_space<hbm>>
    tpu.enqueue_dma source(%dma_start3A_45 : memref<2048xi32, #tpu.memory_space<hbm>>) target(%arg6 : memref<2048xi32, #tpu.memory_space<vmem>>) target_semaphore(%arg11 : memref<!tpu.dma_semaphore, #tpu.memory_space<semaphore_mem>>)
    %dma_wait3A_46 = tpu.memref_slice %arg2[%mul3A_18] : memref<131072xi32, #tpu.memory_space<hbm>> -> memref<2048xi32, #tpu.memory_space<hbm>>
    %dma_wait3A_47 = tpu.memref_slice %arg2[%mul3A_18] : memref<131072xi32, #tpu.memory_space<hbm>> -> memref<2048xi32, #tpu.memory_space<hbm>>
    tpu.wait_dma2 semaphore(%arg12 : memref<!tpu.dma_semaphore, #tpu.memory_space<semaphore_mem>>) src(%dma_wait3A_47 : memref<2048xi32, #tpu.memory_space<hbm>>) dst(%arg7 : memref<2048xi32, #tpu.memory_space<vmem>>)
    %parallel_loop3A_48 = arith.constant 0 : i32
    %parallel_loop3A_49 = arith.constant 128 : i32
    %parallel_loop3A_50 = arith.constant 1 : i32
    scf.for %parallel_loop3A_101 = %parallel_loop3A_48 to %parallel_loop3A_49 step %parallel_loop3A_50  : i32 {
      %parallel_loop3A_102 = arith.constant 2 : i32
      %parallel_loop3A_103 = arith.muli %parallel_loop3A_101, %parallel_loop3A_102 : i32
      %parallel_loop3A_104 = arith.constant 8 : i32
      %parallel_loop3A_105 = arith.muli %parallel_loop3A_103, %parallel_loop3A_104 : i32
      %parallel_loop3A_106 = arith.index_cast %parallel_loop3A_105 : i32 to index
      %parallel_loop3A_107 = tpu.vector_load %arg7[%parallel_loop3A_106] {strides = array<i32>} : memref<2048xi32, #tpu.memory_space<vmem>>, vector<16xi32>,
      %parallel_loop3A_108 = arith.constant 2 : i32
      %parallel_loop3A_109 = arith.muli %parallel_loop3A_101, %parallel_loop3A_108 : i32
      %parallel_loop3A_110 = arith.constant 0 : i32
      %parallel_loop3A_111 = arith.addi %parallel_loop3A_109, %parallel_loop3A_110 : i32
      %parallel_loop3A_112 = vector.extract_strided_slice %parallel_loop3A_107 {offsets = [0], sizes = [1], strides = [1]} : vector<16xi32> to vector<1xi32>
      %parallel_loop3A_113 = vector.extract %parallel_loop3A_112[0] : i32 from vector<1xi32>
      %parallel_loop3A_114 = arith.constant 0 : i32
      %parallel_loop3A_115 = arith.index_cast %parallel_loop3A_114 : i32 to index
      %parallel_loop3A_116 = arith.index_cast %parallel_loop3A_113 : i32 to index
      %parallel_loop3A_117 = arith.constant 0 : index
      %parallel_loop3A_118 = tpu.vector_load %arg5[%parallel_loop3A_115, %parallel_loop3A_116, %parallel_loop3A_117] {strides = array<i32>} : memref<8x362x32xf32, #tpu.memory_space<vmem>>, vector<16xf32>,
      %parallel_loop3A_119 = arith.constant 0 : i32
      %parallel_loop3A_120 = arith.index_cast %parallel_loop3A_119 : i32 to index
      %parallel_loop3A_121 = arith.index_cast %parallel_loop3A_113 : i32 to index
      %parallel_loop3A_122 = arith.constant 16 : index
      %parallel_loop3A_123 = tpu.vector_load %arg5[%parallel_loop3A_120, %parallel_loop3A_121, %parallel_loop3A_122] {strides = array<i32>} : memref<8x362x32xf32, #tpu.memory_space<vmem>>, vector<16xf32>,
      %parallel_loop3A_124 = vector.extract_strided_slice %parallel_loop3A_107 {offsets = [1], sizes = [1], strides = [1]} : vector<16xi32> to vector<1xi32>
      %parallel_loop3A_125 = vector.extract %parallel_loop3A_124[0] : i32 from vector<1xi32>
      %parallel_loop3A_126 = arith.constant 1 : i32
      %parallel_loop3A_127 = arith.index_cast %parallel_loop3A_126 : i32 to index
      %parallel_loop3A_128 = arith.index_cast %parallel_loop3A_125 : i32 to index
      %parallel_loop3A_129 = arith.constant 0 : index
      %parallel_loop3A_130 = tpu.vector_load %arg5[%parallel_loop3A_127, %parallel_loop3A_128, %parallel_loop3A_129] {strides = array<i32>} : memref<8x362x32xf32, #tpu.memory_space<vmem>>, vector<16xf32>,
      %parallel_loop3A_131 = arith.constant 1 : i32
      %parallel_loop3A_132 = arith.index_cast %parallel_loop3A_131 : i32 to index
      %parallel_loop3A_133 = arith.index_cast %parallel_loop3A_125 : i32 to index
      %parallel_loop3A_134 = arith.constant 16 : index
      %parallel_loop3A_135 = tpu.vector_load %arg5[%parallel_loop3A_132, %parallel_loop3A_133, %parallel_loop3A_134] {strides = array<i32>} : memref<8x362x32xf32, #tpu.memory_space<vmem>>, vector<16xf32>,
      %parallel_loop3A_136 = vector.extract_strided_slice %parallel_loop3A_107 {offsets = [2], sizes = [1], strides = [1]} : vector<16xi32> to vector<1xi32>
      %parallel_loop3A_137 = vector.extract %parallel_loop3A_136[0] : i32 from vector<1xi32>
      %parallel_loop3A_138 = arith.constant 2 : i32
      %parallel_loop3A_139 = arith.index_cast %parallel_loop3A_138 : i32 to index
      %parallel_loop3A_140 = arith.index_cast %parallel_loop3A_137 : i32 to index
      %parallel_loop3A_141 = arith.constant 0 : index
      %parallel_loop3A_142 = tpu.vector_load %arg5[%parallel_loop3A_139, %parallel_loop3A_140, %parallel_loop3A_141] {strides = array<i32>} : memref<8x362x32xf32, #tpu.memory_space<vmem>>, vector<16xf32>,
      %parallel_loop3A_143 = arith.constant 2 : i32
      %parallel_loop3A_144 = arith.index_cast %parallel_loop3A_143 : i32 to index
      %parallel_loop3A_145 = arith.index_cast %parallel_loop3A_137 : i32 to index
      %parallel_loop3A_146 = arith.constant 16 : index
      %parallel_loop3A_147 = tpu.vector_load %arg5[%parallel_loop3A_144, %parallel_loop3A_145, %parallel_loop3A_146] {strides = array<i32>} : memref<8x362x32xf32, #tpu.memory_space<vmem>>, vector<16xf32>,
      %parallel_loop3A_148 = vector.extract_strided_slice %parallel_loop3A_107 {offsets = [3], sizes = [1], strides = [1]} : vector<16xi32> to vector<1xi32>
      %parallel_loop3A_149 = vector.extract %parallel_loop3A_148[0] : i32 from vector<1xi32>
      %parallel_loop3A_150 = arith.constant 3 : i32
      %parallel_loop3A_151 = arith.index_cast %parallel_loop3A_150 : i32 to index
      %parallel_loop3A_152 = arith.index_cast %parallel_loop3A_149 : i32 to index
      %parallel_loop3A_153 = arith.constant 0 : index
      %parallel_loop3A_154 = tpu.vector_load %arg5[%parallel_loop3A_151, %parallel_loop3A_152, %parallel_loop3A_153] {strides = array<i32>} : memref<8x362x32xf32, #tpu.memory_space<vmem>>, vector<16xf32>,
      %parallel_loop3A_155 = arith.constant 3 : i32
      %parallel_loop3A_156 = arith.index_cast %parallel_loop3A_155 : i32 to index
      %parallel_loop3A_157 = arith.index_cast %parallel_loop3A_149 : i32 to index
      %parallel_loop3A_158 = arith.constant 16 : index
      %parallel_loop3A_159 = tpu.vector_load %arg5[%parallel_loop3A_156, %parallel_loop3A_157, %parallel_loop3A_158] {strides = array<i32>} : memref<8x362x32xf32, #tpu.memory_space<vmem>>, vector<16xf32>,
      %parallel_loop3A_160 = vector.extract_strided_slice %parallel_loop3A_107 {offsets = [4], sizes = [1], strides = [1]} : vector<16xi32> to vector<1xi32>
      %parallel_loop3A_161 = vector.extract %parallel_loop3A_160[0] : i32 from vector<1xi32>
      %parallel_loop3A_162 = arith.constant 4 : i32
      %parallel_loop3A_163 = arith.index_cast %parallel_loop3A_162 : i32 to index
      %parallel_loop3A_164 = arith.index_cast %parallel_loop3A_161 : i32 to index
      %parallel_loop3A_165 = arith.constant 0 : index
      %parallel_loop3A_166 = tpu.vector_load %arg5[%parallel_loop3A_163, %parallel_loop3A_164, %parallel_loop3A_165] {strides = array<i32>} : memref<8x362x32xf32, #tpu.memory_space<vmem>>, vector<16xf32>,
      %parallel_loop3A_167 = arith.constant 4 : i32
      %parallel_loop3A_168 = arith.index_cast %parallel_loop3A_167 : i32 to index
      %parallel_loop3A_169 = arith.index_cast %parallel_loop3A_161 : i32 to index
      %parallel_loop3A_170 = arith.constant 16 : index
      %parallel_loop3A_171 = tpu.vector_load %arg5[%parallel_loop3A_168, %parallel_loop3A_169, %parallel_loop3A_170] {strides = array<i32>} : memref<8x362x32xf32, #tpu.memory_space<vmem>>, vector<16xf32>,
      %parallel_loop3A_172 = vector.extract_strided_slice %parallel_loop3A_107 {offsets = [5], sizes = [1], strides = [1]} : vector<16xi32> to vector<1xi32>
      %parallel_loop3A_173 = vector.extract %parallel_loop3A_172[0] : i32 from vector<1xi32>
      %parallel_loop3A_174 = arith.constant 5 : i32
      %parallel_loop3A_175 = arith.index_cast %parallel_loop3A_174 : i32 to index
      %parallel_loop3A_176 = arith.index_cast %parallel_loop3A_173 : i32 to index
      %parallel_loop3A_177 = arith.constant 0 : index
      %parallel_loop3A_178 = tpu.vector_load %arg5[%parallel_loop3A_175, %parallel_loop3A_176, %parallel_loop3A_177] {strides = array<i32>} : memref<8x362x32xf32, #tpu.memory_space<vmem>>, vector<16xf32>,
      %parallel_loop3A_179 = arith.constant 5 : i32
      %parallel_loop3A_180 = arith.index_cast %parallel_loop3A_179 : i32 to index
      %parallel_loop3A_181 = arith.index_cast %parallel_loop3A_173 : i32 to index
      %parallel_loop3A_182 = arith.constant 16 : index
      %parallel_loop3A_183 = tpu.vector_load %arg5[%parallel_loop3A_180, %parallel_loop3A_181, %parallel_loop3A_182] {strides = array<i32>} : memref<8x362x32xf32, #tpu.memory_space<vmem>>, vector<16xf32>,
      %parallel_loop3A_184 = vector.extract_strided_slice %parallel_loop3A_107 {offsets = [6], sizes = [1], strides = [1]} : vector<16xi32> to vector<1xi32>
      %parallel_loop3A_185 = vector.extract %parallel_loop3A_184[0] : i32 from vector<1xi32>
      %parallel_loop3A_186 = arith.constant 6 : i32
      %parallel_loop3A_187 = arith.index_cast %parallel_loop3A_186 : i32 to index
      %parallel_loop3A_188 = arith.index_cast %parallel_loop3A_185 : i32 to index
      %parallel_loop3A_189 = arith.constant 0 : index
      %parallel_loop3A_190 = tpu.vector_load %arg5[%parallel_loop3A_187, %parallel_loop3A_188, %parallel_loop3A_189] {strides = array<i32>} : memref<8x362x32xf32, #tpu.memory_space<vmem>>, vector<16xf32>,
      %parallel_loop3A_191 = arith.constant 6 : i32
      %parallel_loop3A_192 = arith.index_cast %parallel_loop3A_191 : i32 to index
      %parallel_loop3A_193 = arith.index_cast %parallel_loop3A_185 : i32 to index
      %parallel_loop3A_194 = arith.constant 16 : index
      %parallel_loop3A_195 = tpu.vector_load %arg5[%parallel_loop3A_192, %parallel_loop3A_193, %parallel_loop3A_194] {strides = array<i32>} : memref<8x362x32xf32, #tpu.memory_space<vmem>>, vector<16xf32>,
      %parallel_loop3A_196 = vector.extract_strided_slice %parallel_loop3A_107 {offsets = [7], sizes = [1], strides = [1]} : vector<16xi32> to vector<1xi32>
      %parallel_loop3A_197 = vector.extract %parallel_loop3A_196[0] : i32 from vector<1xi32>
      %parallel_loop3A_198 = arith.constant 7 : i32
      %parallel_loop3A_199 = arith.index_cast %parallel_loop3A_198 : i32 to index
      %parallel_loop3A_200 = arith.index_cast %parallel_loop3A_197 : i32 to index
      %parallel_loop3A_201 = arith.constant 0 : index
      %parallel_loop3A_202 = tpu.vector_load %arg5[%parallel_loop3A_199, %parallel_loop3A_200, %parallel_loop3A_201] {strides = array<i32>} : memref<8x362x32xf32, #tpu.memory_space<vmem>>, vector<16xf32>,
      %parallel_loop3A_203 = arith.constant 7 : i32
      %parallel_loop3A_204 = arith.index_cast %parallel_loop3A_203 : i32 to index
      %parallel_loop3A_205 = arith.index_cast %parallel_loop3A_197 : i32 to index
      %parallel_loop3A_206 = arith.constant 16 : index
      %parallel_loop3A_207 = tpu.vector_load %arg5[%parallel_loop3A_204, %parallel_loop3A_205, %parallel_loop3A_206] {strides = array<i32>} : memref<8x362x32xf32, #tpu.memory_space<vmem>>, vector<16xf32>,
      %parallel_loop3A_208 = arith.addf %parallel_loop3A_118, %parallel_loop3A_130 : vector<16xf32>
      %parallel_loop3A_209 = arith.addf %parallel_loop3A_142, %parallel_loop3A_154 : vector<16xf32>
      %parallel_loop3A_210 = arith.addf %parallel_loop3A_208, %parallel_loop3A_209 : vector<16xf32>
      %parallel_loop3A_211 = arith.addf %parallel_loop3A_166, %parallel_loop3A_178 : vector<16xf32>
      %parallel_loop3A_212 = arith.addf %parallel_loop3A_190, %parallel_loop3A_202 : vector<16xf32>
      %parallel_loop3A_213 = arith.addf %parallel_loop3A_211, %parallel_loop3A_212 : vector<16xf32>
      %parallel_loop3A_214 = arith.addf %parallel_loop3A_210, %parallel_loop3A_213 : vector<16xf32>
      %parallel_loop3A_215 = arith.addf %parallel_loop3A_123, %parallel_loop3A_135 : vector<16xf32>
      %parallel_loop3A_216 = arith.addf %parallel_loop3A_147, %parallel_loop3A_159 : vector<16xf32>
      %parallel_loop3A_217 = arith.addf %parallel_loop3A_215, %parallel_loop3A_216 : vector<16xf32>
      %parallel_loop3A_218 = arith.addf %parallel_loop3A_171, %parallel_loop3A_183 : vector<16xf32>
      %parallel_loop3A_219 = arith.addf %parallel_loop3A_195, %parallel_loop3A_207 : vector<16xf32>
      %parallel_loop3A_220 = arith.addf %parallel_loop3A_218, %parallel_loop3A_219 : vector<16xf32>
      %parallel_loop3A_221 = arith.addf %parallel_loop3A_217, %parallel_loop3A_220 : vector<16xf32>
      %parallel_loop3A_222 = arith.index_cast %parallel_loop3A_111 : i32 to index
      %parallel_loop3A_223 = arith.constant 0 : index
      %parallel_loop3A_224 = tpu.vector_load %arg9[%parallel_loop3A_222, %parallel_loop3A_223] {strides = array<i32>} : memref<256x32xf32, #tpu.memory_space<vmem>>, vector<16xf32>,
      tpu.vector_store %arg9[%parallel_loop3A_222, %parallel_loop3A_223], %parallel_loop3A_214 {strides = array<i32>} : memref<256x32xf32, #tpu.memory_space<vmem>>, vector<16xf32>,
      %parallel_loop3A_225 = arith.index_cast %parallel_loop3A_111 : i32 to index
      %parallel_loop3A_226 = arith.constant 16 : index
      %parallel_loop3A_227 = tpu.vector_load %arg9[%parallel_loop3A_225, %parallel_loop3A_226] {strides = array<i32>} : memref<256x32xf32, #tpu.memory_space<vmem>>, vector<16xf32>,
      tpu.vector_store %arg9[%parallel_loop3A_225, %parallel_loop3A_226], %parallel_loop3A_221 {strides = array<i32>} : memref<256x32xf32, #tpu.memory_space<vmem>>, vector<16xf32>,
      %parallel_loop3A_228 = arith.constant 2 : i32
      %parallel_loop3A_229 = arith.muli %parallel_loop3A_101, %parallel_loop3A_228 : i32
      %parallel_loop3A_230 = arith.constant 1 : i32
      %parallel_loop3A_231 = arith.addi %parallel_loop3A_229, %parallel_loop3A_230 : i32
      %parallel_loop3A_232 = vector.extract_strided_slice %parallel_loop3A_107 {offsets = [8], sizes = [1], strides = [1]} : vector<16xi32> to vector<1xi32>
      %parallel_loop3A_233 = vector.extract %parallel_loop3A_232[0] : i32 from vector<1xi32>
      %parallel_loop3A_234 = arith.constant 0 : i32
      %parallel_loop3A_235 = arith.index_cast %parallel_loop3A_234 : i32 to index
      %parallel_loop3A_236 = arith.index_cast %parallel_loop3A_233 : i32 to index
      %parallel_loop3A_237 = arith.constant 0 : index
      %parallel_loop3A_238 = tpu.vector_load %arg5[%parallel_loop3A_235, %parallel_loop3A_236, %parallel_loop3A_237] {strides = array<i32>} : memref<8x362x32xf32, #tpu.memory_space<vmem>>, vector<16xf32>,
      %parallel_loop3A_239 = arith.constant 0 : i32
      %parallel_loop3A_240 = arith.index_cast %parallel_loop3A_239 : i32 to index
      %parallel_loop3A_241 = arith.index_cast %parallel_loop3A_233 : i32 to index
      %parallel_loop3A_242 = arith.constant 16 : index
      %parallel_loop3A_243 = tpu.vector_load %arg5[%parallel_loop3A_240, %parallel_loop3A_241, %parallel_loop3A_242] {strides = array<i32>} : memref<8x362x32xf32, #tpu.memory_space<vmem>>, vector<16xf32>,
      %parallel_loop3A_244 = vector.extract_strided_slice %parallel_loop3A_107 {offsets = [9], sizes = [1], strides = [1]} : vector<16xi32> to vector<1xi32>
      %parallel_loop3A_245 = vector.extract %parallel_loop3A_244[0] : i32 from vector<1xi32>
      %parallel_loop3A_246 = arith.constant 1 : i32
      %parallel_loop3A_247 = arith.index_cast %parallel_loop3A_246 : i32 to index
      %parallel_loop3A_248 = arith.index_cast %parallel_loop3A_245 : i32 to index
      %parallel_loop3A_249 = arith.constant 0 : index
      %parallel_loop3A_250 = tpu.vector_load %arg5[%parallel_loop3A_247, %parallel_loop3A_248, %parallel_loop3A_249] {strides = array<i32>} : memref<8x362x32xf32, #tpu.memory_space<vmem>>, vector<16xf32>,
      %parallel_loop3A_251 = arith.constant 1 : i32
      %parallel_loop3A_252 = arith.index_cast %parallel_loop3A_251 : i32 to index
      %parallel_loop3A_253 = arith.index_cast %parallel_loop3A_245 : i32 to index
      %parallel_loop3A_254 = arith.constant 16 : index
      %parallel_loop3A_255 = tpu.vector_load %arg5[%parallel_loop3A_252, %parallel_loop3A_253, %parallel_loop3A_254] {strides = array<i32>} : memref<8x362x32xf32, #tpu.memory_space<vmem>>, vector<16xf32>,
      %parallel_loop3A_256 = vector.extract_strided_slice %parallel_loop3A_107 {offsets = [10], sizes = [1], strides = [1]} : vector<16xi32> to vector<1xi32>
      %parallel_loop3A_257 = vector.extract %parallel_loop3A_256[0] : i32 from vector<1xi32>
      %parallel_loop3A_258 = arith.constant 2 : i32
      %parallel_loop3A_259 = arith.index_cast %parallel_loop3A_258 : i32 to index
      %parallel_loop3A_260 = arith.index_cast %parallel_loop3A_257 : i32 to index
      %parallel_loop3A_261 = arith.constant 0 : index
      %parallel_loop3A_262 = tpu.vector_load %arg5[%parallel_loop3A_259, %parallel_loop3A_260, %parallel_loop3A_261] {strides = array<i32>} : memref<8x362x32xf32, #tpu.memory_space<vmem>>, vector<16xf32>,
      %parallel_loop3A_263 = arith.constant 2 : i32
      %parallel_loop3A_264 = arith.index_cast %parallel_loop3A_263 : i32 to index
      %parallel_loop3A_265 = arith.index_cast %parallel_loop3A_257 : i32 to index
      %parallel_loop3A_266 = arith.constant 16 : index
      %parallel_loop3A_267 = tpu.vector_load %arg5[%parallel_loop3A_264, %parallel_loop3A_265, %parallel_loop3A_266] {strides = array<i32>} : memref<8x362x32xf32, #tpu.memory_space<vmem>>, vector<16xf32>,
      %parallel_loop3A_268 = vector.extract_strided_slice %parallel_loop3A_107 {offsets = [11], sizes = [1], strides = [1]} : vector<16xi32> to vector<1xi32>
      %parallel_loop3A_269 = vector.extract %parallel_loop3A_268[0] : i32 from vector<1xi32>
      %parallel_loop3A_270 = arith.constant 3 : i32
      %parallel_loop3A_271 = arith.index_cast %parallel_loop3A_270 : i32 to index
      %parallel_loop3A_272 = arith.index_cast %parallel_loop3A_269 : i32 to index
      %parallel_loop3A_273 = arith.constant 0 : index
      %parallel_loop3A_274 = tpu.vector_load %arg5[%parallel_loop3A_271, %parallel_loop3A_272, %parallel_loop3A_273] {strides = array<i32>} : memref<8x362x32xf32, #tpu.memory_space<vmem>>, vector<16xf32>,
      %parallel_loop3A_275 = arith.constant 3 : i32
      %parallel_loop3A_276 = arith.index_cast %parallel_loop3A_275 : i32 to index
      %parallel_loop3A_277 = arith.index_cast %parallel_loop3A_269 : i32 to index
      %parallel_loop3A_278 = arith.constant 16 : index
      %parallel_loop3A_279 = tpu.vector_load %arg5[%parallel_loop3A_276, %parallel_loop3A_277, %parallel_loop3A_278] {strides = array<i32>} : memref<8x362x32xf32, #tpu.memory_space<vmem>>, vector<16xf32>,
      %parallel_loop3A_280 = vector.extract_strided_slice %parallel_loop3A_107 {offsets = [12], sizes = [1], strides = [1]} : vector<16xi32> to vector<1xi32>
      %parallel_loop3A_281 = vector.extract %parallel_loop3A_280[0] : i32 from vector<1xi32>
      %parallel_loop3A_282 = arith.constant 4 : i32
      %parallel_loop3A_283 = arith.index_cast %parallel_loop3A_282 : i32 to index
      %parallel_loop3A_284 = arith.index_cast %parallel_loop3A_281 : i32 to index
      %parallel_loop3A_285 = arith.constant 0 : index
      %parallel_loop3A_286 = tpu.vector_load %arg5[%parallel_loop3A_283, %parallel_loop3A_284, %parallel_loop3A_285] {strides = array<i32>} : memref<8x362x32xf32, #tpu.memory_space<vmem>>, vector<16xf32>,
      %parallel_loop3A_287 = arith.constant 4 : i32
      %parallel_loop3A_288 = arith.index_cast %parallel_loop3A_287 : i32 to index
      %parallel_loop3A_289 = arith.index_cast %parallel_loop3A_281 : i32 to index
      %parallel_loop3A_290 = arith.constant 16 : index
      %parallel_loop3A_291 = tpu.vector_load %arg5[%parallel_loop3A_288, %parallel_loop3A_289, %parallel_loop3A_290] {strides = array<i32>} : memref<8x362x32xf32, #tpu.memory_space<vmem>>, vector<16xf32>,
      %parallel_loop3A_292 = vector.extract_strided_slice %parallel_loop3A_107 {offsets = [13], sizes = [1], strides = [1]} : vector<16xi32> to vector<1xi32>
      %parallel_loop3A_293 = vector.extract %parallel_loop3A_292[0] : i32 from vector<1xi32>
      %parallel_loop3A_294 = arith.constant 5 : i32
      %parallel_loop3A_295 = arith.index_cast %parallel_loop3A_294 : i32 to index
      %parallel_loop3A_296 = arith.index_cast %parallel_loop3A_293 : i32 to index
      %parallel_loop3A_297 = arith.constant 0 : index
      %parallel_loop3A_298 = tpu.vector_load %arg5[%parallel_loop3A_295, %parallel_loop3A_296, %parallel_loop3A_297] {strides = array<i32>} : memref<8x362x32xf32, #tpu.memory_space<vmem>>, vector<16xf32>,
      %parallel_loop3A_299 = arith.constant 5 : i32
      %parallel_loop3A_300 = arith.index_cast %parallel_loop3A_299 : i32 to index
      %parallel_loop3A_301 = arith.index_cast %parallel_loop3A_293 : i32 to index
      %parallel_loop3A_302 = arith.constant 16 : index
      %parallel_loop3A_303 = tpu.vector_load %arg5[%parallel_loop3A_300, %parallel_loop3A_301, %parallel_loop3A_302] {strides = array<i32>} : memref<8x362x32xf32, #tpu.memory_space<vmem>>, vector<16xf32>,
      %parallel_loop3A_304 = vector.extract_strided_slice %parallel_loop3A_107 {offsets = [14], sizes = [1], strides = [1]} : vector<16xi32> to vector<1xi32>
      %parallel_loop3A_305 = vector.extract %parallel_loop3A_304[0] : i32 from vector<1xi32>
      %parallel_loop3A_306 = arith.constant 6 : i32
      %parallel_loop3A_307 = arith.index_cast %parallel_loop3A_306 : i32 to index
      %parallel_loop3A_308 = arith.index_cast %parallel_loop3A_305 : i32 to index
      %parallel_loop3A_309 = arith.constant 0 : index
      %parallel_loop3A_310 = tpu.vector_load %arg5[%parallel_loop3A_307, %parallel_loop3A_308, %parallel_loop3A_309] {strides = array<i32>} : memref<8x362x32xf32, #tpu.memory_space<vmem>>, vector<16xf32>,
      %parallel_loop3A_311 = arith.constant 6 : i32
      %parallel_loop3A_312 = arith.index_cast %parallel_loop3A_311 : i32 to index
      %parallel_loop3A_313 = arith.index_cast %parallel_loop3A_305 : i32 to index
      %parallel_loop3A_314 = arith.constant 16 : index
      %parallel_loop3A_315 = tpu.vector_load %arg5[%parallel_loop3A_312, %parallel_loop3A_313, %parallel_loop3A_314] {strides = array<i32>} : memref<8x362x32xf32, #tpu.memory_space<vmem>>, vector<16xf32>,
      %parallel_loop3A_316 = vector.extract_strided_slice %parallel_loop3A_107 {offsets = [15], sizes = [1], strides = [1]} : vector<16xi32> to vector<1xi32>
      %parallel_loop3A_317 = vector.extract %parallel_loop3A_316[0] : i32 from vector<1xi32>
      %parallel_loop3A_318 = arith.constant 7 : i32
      %parallel_loop3A_319 = arith.index_cast %parallel_loop3A_318 : i32 to index
      %parallel_loop3A_320 = arith.index_cast %parallel_loop3A_317 : i32 to index
      %parallel_loop3A_321 = arith.constant 0 : index
      %parallel_loop3A_322 = tpu.vector_load %arg5[%parallel_loop3A_319, %parallel_loop3A_320, %parallel_loop3A_321] {strides = array<i32>} : memref<8x362x32xf32, #tpu.memory_space<vmem>>, vector<16xf32>,
      %parallel_loop3A_323 = arith.constant 7 : i32
      %parallel_loop3A_324 = arith.index_cast %parallel_loop3A_323 : i32 to index
      %parallel_loop3A_325 = arith.index_cast %parallel_loop3A_317 : i32 to index
      %parallel_loop3A_326 = arith.constant 16 : index
      %parallel_loop3A_327 = tpu.vector_load %arg5[%parallel_loop3A_324, %parallel_loop3A_325, %parallel_loop3A_326] {strides = array<i32>} : memref<8x362x32xf32, #tpu.memory_space<vmem>>, vector<16xf32>,
      %parallel_loop3A_328 = arith.addf %parallel_loop3A_238, %parallel_loop3A_250 : vector<16xf32>
      %parallel_loop3A_329 = arith.addf %parallel_loop3A_262, %parallel_loop3A_274 : vector<16xf32>
      %parallel_loop3A_330 = arith.addf %parallel_loop3A_328, %parallel_loop3A_329 : vector<16xf32>
      %parallel_loop3A_331 = arith.addf %parallel_loop3A_286, %parallel_loop3A_298 : vector<16xf32>
      %parallel_loop3A_332 = arith.addf %parallel_loop3A_310, %parallel_loop3A_322 : vector<16xf32>
      %parallel_loop3A_333 = arith.addf %parallel_loop3A_331, %parallel_loop3A_332 : vector<16xf32>
      %parallel_loop3A_334 = arith.addf %parallel_loop3A_330, %parallel_loop3A_333 : vector<16xf32>
      %parallel_loop3A_335 = arith.addf %parallel_loop3A_243, %parallel_loop3A_255 : vector<16xf32>
      %parallel_loop3A_336 = arith.addf %parallel_loop3A_267, %parallel_loop3A_279 : vector<16xf32>
      %parallel_loop3A_337 = arith.addf %parallel_loop3A_335, %parallel_loop3A_336 : vector<16xf32>
      %parallel_loop3A_338 = arith.addf %parallel_loop3A_291, %parallel_loop3A_303 : vector<16xf32>
      %parallel_loop3A_339 = arith.addf %parallel_loop3A_315, %parallel_loop3A_327 : vector<16xf32>
      %parallel_loop3A_340 = arith.addf %parallel_loop3A_338, %parallel_loop3A_339 : vector<16xf32>
      %parallel_loop3A_341 = arith.addf %parallel_loop3A_337, %parallel_loop3A_340 : vector<16xf32>
      %parallel_loop3A_342 = arith.index_cast %parallel_loop3A_231 : i32 to index
      %parallel_loop3A_343 = arith.constant 0 : index
      %parallel_loop3A_344 = tpu.vector_load %arg9[%parallel_loop3A_342, %parallel_loop3A_343] {strides = array<i32>} : memref<256x32xf32, #tpu.memory_space<vmem>>, vector<16xf32>,
      tpu.vector_store %arg9[%parallel_loop3A_342, %parallel_loop3A_343], %parallel_loop3A_334 {strides = array<i32>} : memref<256x32xf32, #tpu.memory_space<vmem>>, vector<16xf32>,
      %parallel_loop3A_345 = arith.index_cast %parallel_loop3A_231 : i32 to index
      %parallel_loop3A_346 = arith.constant 16 : index
      %parallel_loop3A_347 = tpu.vector_load %arg9[%parallel_loop3A_345, %parallel_loop3A_346] {strides = array<i32>} : memref<256x32xf32, #tpu.memory_space<vmem>>, vector<16xf32>,
      tpu.vector_store %arg9[%parallel_loop3A_345, %parallel_loop3A_346], %parallel_loop3A_341 {strides = array<i32>} : memref<256x32xf32, #tpu.memory_space<vmem>>, vector<16xf32>,
    } {sc.loop_unroll_factor = 3 : i64, sc.parallel_access}
    %mul3A_51 = arith.constant 1024 : i32
    %mul3A_52 = arith.muli %arg1, %mul3A_51 : i32
    %add3A_53 = arith.constant 256 : i32
    %add3A_54 = arith.addi %mul3A_52, %add3A_53 : i32
    %mul3A_55 = arith.constant 32 : i32
    %mul3A_56 = arith.muli %arg0, %mul3A_55 : i32
    %dma_start3A_57 = tpu.memref_slice %arg4[%add3A_54, %mul3A_56] : memref<16384x64xf32, #tpu.memory_space<hbm>> -> memref<256x32xf32, #tpu.memory_space<hbm>>
    %dma_start3A_58 = tpu.memref_slice %arg4[%add3A_54, %mul3A_56] : memref<16384x64xf32, #tpu.memory_space<hbm>> -> memref<256x32xf32, #tpu.memory_space<hbm>>
    tpu.enqueue_dma source(%arg9 : memref<256x32xf32, #tpu.memory_space<vmem>>) target(%dma_start3A_58 : memref<256x32xf32, #tpu.memory_space<hbm>>) target_semaphore(%arg14 : memref<!tpu.dma_semaphore, #tpu.memory_space<semaphore_mem>>)
    %mul3A_59 = arith.constant 1024 : i32
    %mul3A_60 = arith.muli %arg1, %mul3A_59 : i32
    %add3A_61 = arith.constant 768 : i32
    %add3A_62 = arith.addi %mul3A_60, %add3A_61 : i32
    %mul3A_63 = arith.constant 8 : i32
    %mul3A_64 = arith.muli %add3A_62, %mul3A_63 : i32
    %dma_start3A_65 = tpu.memref_slice %arg2[%mul3A_64] : memref<131072xi32, #tpu.memory_space<hbm>> -> memref<2048xi32, #tpu.memory_space<hbm>>
    %dma_start3A_66 = tpu.memref_slice %arg2[%mul3A_64] : memref<131072xi32, #tpu.memory_space<hbm>> -> memref<2048xi32, #tpu.memory_space<hbm>>
    tpu.enqueue_dma source(%dma_start3A_66 : memref<2048xi32, #tpu.memory_space<hbm>>) target(%arg7 : memref<2048xi32, #tpu.memory_space<vmem>>) target_semaphore(%arg12 : memref<!tpu.dma_semaphore, #tpu.memory_space<semaphore_mem>>)
    %dma_wait3A_67 = tpu.memref_slice %arg2[%mul3A_43] : memref<131072xi32, #tpu.memory_space<hbm>> -> memref<2048xi32, #tpu.memory_space<hbm>>
    %dma_wait3A_68 = tpu.memref_slice %arg2[%mul3A_43] : memref<131072xi32, #tpu.memory_space<hbm>> -> memref<2048xi32, #tpu.memory_space<hbm>>
    tpu.wait_dma2 semaphore(%arg11 : memref<!tpu.dma_semaphore, #tpu.memory_space<semaphore_mem>>) src(%dma_wait3A_68 : memref<2048xi32, #tpu.memory_space<hbm>>) dst(%arg6 : memref<2048xi32, #tpu.memory_space<vmem>>)
    %dma_wait3A_69 = tpu.memref_slice %arg4[%add3A_33, %mul3A_35] : memref<16384x64xf32, #tpu.memory_space<hbm>> -> memref<256x32xf32, #tpu.memory_space<hbm>>
    %dma_wait3A_70 = tpu.memref_slice %arg4[%add3A_33, %mul3A_35] : memref<16384x64xf32, #tpu.memory_space<hbm>> -> memref<256x32xf32, #tpu.memory_space<hbm>>
    tpu.wait_dma2 semaphore(%arg13 : memref<!tpu.dma_semaphore, #tpu.memory_space<semaphore_mem>>) src(%arg8 : memref<256x32xf32, #tpu.memory_space<vmem>>) dst(%dma_wait3A_70 : memref<256x32xf32, #tpu.memory_space<hbm>>)
    %parallel_loop3A_71 = arith.constant 0 : i32
    %parallel_loop3A_72 = arith.constant 128 : i32
    %parallel_loop3A_73 = arith.constant 1 : i32
    scf.for %parallel_loop3A_101 = %parallel_loop3A_71 to %parallel_loop3A_72 step %parallel_loop3A_73  : i32 {
      %parallel_loop3A_102 = arith.constant 2 : i32
      %parallel_loop3A_103 = arith.muli %parallel_loop3A_101, %parallel_loop3A_102 : i32
      %parallel_loop3A_104 = arith.constant 8 : i32
      %parallel_loop3A_105 = arith.muli %parallel_loop3A_103, %parallel_loop3A_104 : i32
      %parallel_loop3A_106 = arith.index_cast %parallel_loop3A_105 : i32 to index
      %parallel_loop3A_107 = tpu.vector_load %arg6[%parallel_loop3A_106] {strides = array<i32>} : memref<2048xi32, #tpu.memory_space<vmem>>, vector<16xi32>,
      %parallel_loop3A_108 = arith.constant 2 : i32
      %parallel_loop3A_109 = arith.muli %parallel_loop3A_101, %parallel_loop3A_108 : i32
      %parallel_loop3A_110 = arith.constant 0 : i32
      %parallel_loop3A_111 = arith.addi %parallel_loop3A_109, %parallel_loop3A_110 : i32
      %parallel_loop3A_112 = vector.extract_strided_slice %parallel_loop3A_107 {offsets = [0], sizes = [1], strides = [1]} : vector<16xi32> to vector<1xi32>
      %parallel_loop3A_113 = vector.extract %parallel_loop3A_112[0] : i32 from vector<1xi32>
      %parallel_loop3A_114 = arith.constant 0 : i32
      %parallel_loop3A_115 = arith.index_cast %parallel_loop3A_114 : i32 to index
      %parallel_loop3A_116 = arith.index_cast %parallel_loop3A_113 : i32 to index
      %parallel_loop3A_117 = arith.constant 0 : index
      %parallel_loop3A_118 = tpu.vector_load %arg5[%parallel_loop3A_115, %parallel_loop3A_116, %parallel_loop3A_117] {strides = array<i32>} : memref<8x362x32xf32, #tpu.memory_space<vmem>>, vector<16xf32>,
      %parallel_loop3A_119 = arith.constant 0 : i32
      %parallel_loop3A_120 = arith.index_cast %parallel_loop3A_119 : i32 to index
      %parallel_loop3A_121 = arith.index_cast %parallel_loop3A_113 : i32 to index
      %parallel_loop3A_122 = arith.constant 16 : index
      %parallel_loop3A_123 = tpu.vector_load %arg5[%parallel_loop3A_120, %parallel_loop3A_121, %parallel_loop3A_122] {strides = array<i32>} : memref<8x362x32xf32, #tpu.memory_space<vmem>>, vector<16xf32>,
      %parallel_loop3A_124 = vector.extract_strided_slice %parallel_loop3A_107 {offsets = [1], sizes = [1], strides = [1]} : vector<16xi32> to vector<1xi32>
      %parallel_loop3A_125 = vector.extract %parallel_loop3A_124[0] : i32 from vector<1xi32>
      %parallel_loop3A_126 = arith.constant 1 : i32
      %parallel_loop3A_127 = arith.index_cast %parallel_loop3A_126 : i32 to index
      %parallel_loop3A_128 = arith.index_cast %parallel_loop3A_125 : i32 to index
      %parallel_loop3A_129 = arith.constant 0 : index
      %parallel_loop3A_130 = tpu.vector_load %arg5[%parallel_loop3A_127, %parallel_loop3A_128, %parallel_loop3A_129] {strides = array<i32>} : memref<8x362x32xf32, #tpu.memory_space<vmem>>, vector<16xf32>,
      %parallel_loop3A_131 = arith.constant 1 : i32
      %parallel_loop3A_132 = arith.index_cast %parallel_loop3A_131 : i32 to index
      %parallel_loop3A_133 = arith.index_cast %parallel_loop3A_125 : i32 to index
      %parallel_loop3A_134 = arith.constant 16 : index
      %parallel_loop3A_135 = tpu.vector_load %arg5[%parallel_loop3A_132, %parallel_loop3A_133, %parallel_loop3A_134] {strides = array<i32>} : memref<8x362x32xf32, #tpu.memory_space<vmem>>, vector<16xf32>,
      %parallel_loop3A_136 = vector.extract_strided_slice %parallel_loop3A_107 {offsets = [2], sizes = [1], strides = [1]} : vector<16xi32> to vector<1xi32>
      %parallel_loop3A_137 = vector.extract %parallel_loop3A_136[0] : i32 from vector<1xi32>
      %parallel_loop3A_138 = arith.constant 2 : i32
      %parallel_loop3A_139 = arith.index_cast %parallel_loop3A_138 : i32 to index
      %parallel_loop3A_140 = arith.index_cast %parallel_loop3A_137 : i32 to index
      %parallel_loop3A_141 = arith.constant 0 : index
      %parallel_loop3A_142 = tpu.vector_load %arg5[%parallel_loop3A_139, %parallel_loop3A_140, %parallel_loop3A_141] {strides = array<i32>} : memref<8x362x32xf32, #tpu.memory_space<vmem>>, vector<16xf32>,
      %parallel_loop3A_143 = arith.constant 2 : i32
      %parallel_loop3A_144 = arith.index_cast %parallel_loop3A_143 : i32 to index
      %parallel_loop3A_145 = arith.index_cast %parallel_loop3A_137 : i32 to index
      %parallel_loop3A_146 = arith.constant 16 : index
      %parallel_loop3A_147 = tpu.vector_load %arg5[%parallel_loop3A_144, %parallel_loop3A_145, %parallel_loop3A_146] {strides = array<i32>} : memref<8x362x32xf32, #tpu.memory_space<vmem>>, vector<16xf32>,
      %parallel_loop3A_148 = vector.extract_strided_slice %parallel_loop3A_107 {offsets = [3], sizes = [1], strides = [1]} : vector<16xi32> to vector<1xi32>
      %parallel_loop3A_149 = vector.extract %parallel_loop3A_148[0] : i32 from vector<1xi32>
      %parallel_loop3A_150 = arith.constant 3 : i32
      %parallel_loop3A_151 = arith.index_cast %parallel_loop3A_150 : i32 to index
      %parallel_loop3A_152 = arith.index_cast %parallel_loop3A_149 : i32 to index
      %parallel_loop3A_153 = arith.constant 0 : index
      %parallel_loop3A_154 = tpu.vector_load %arg5[%parallel_loop3A_151, %parallel_loop3A_152, %parallel_loop3A_153] {strides = array<i32>} : memref<8x362x32xf32, #tpu.memory_space<vmem>>, vector<16xf32>,
      %parallel_loop3A_155 = arith.constant 3 : i32
      %parallel_loop3A_156 = arith.index_cast %parallel_loop3A_155 : i32 to index
      %parallel_loop3A_157 = arith.index_cast %parallel_loop3A_149 : i32 to index
      %parallel_loop3A_158 = arith.constant 16 : index
      %parallel_loop3A_159 = tpu.vector_load %arg5[%parallel_loop3A_156, %parallel_loop3A_157, %parallel_loop3A_158] {strides = array<i32>} : memref<8x362x32xf32, #tpu.memory_space<vmem>>, vector<16xf32>,
      %parallel_loop3A_160 = vector.extract_strided_slice %parallel_loop3A_107 {offsets = [4], sizes = [1], strides = [1]} : vector<16xi32> to vector<1xi32>
      %parallel_loop3A_161 = vector.extract %parallel_loop3A_160[0] : i32 from vector<1xi32>
      %parallel_loop3A_162 = arith.constant 4 : i32
      %parallel_loop3A_163 = arith.index_cast %parallel_loop3A_162 : i32 to index
      %parallel_loop3A_164 = arith.index_cast %parallel_loop3A_161 : i32 to index
      %parallel_loop3A_165 = arith.constant 0 : index
      %parallel_loop3A_166 = tpu.vector_load %arg5[%parallel_loop3A_163, %parallel_loop3A_164, %parallel_loop3A_165] {strides = array<i32>} : memref<8x362x32xf32, #tpu.memory_space<vmem>>, vector<16xf32>,
      %parallel_loop3A_167 = arith.constant 4 : i32
      %parallel_loop3A_168 = arith.index_cast %parallel_loop3A_167 : i32 to index
      %parallel_loop3A_169 = arith.index_cast %parallel_loop3A_161 : i32 to index
      %parallel_loop3A_170 = arith.constant 16 : index
      %parallel_loop3A_171 = tpu.vector_load %arg5[%parallel_loop3A_168, %parallel_loop3A_169, %parallel_loop3A_170] {strides = array<i32>} : memref<8x362x32xf32, #tpu.memory_space<vmem>>, vector<16xf32>,
      %parallel_loop3A_172 = vector.extract_strided_slice %parallel_loop3A_107 {offsets = [5], sizes = [1], strides = [1]} : vector<16xi32> to vector<1xi32>
      %parallel_loop3A_173 = vector.extract %parallel_loop3A_172[0] : i32 from vector<1xi32>
      %parallel_loop3A_174 = arith.constant 5 : i32
      %parallel_loop3A_175 = arith.index_cast %parallel_loop3A_174 : i32 to index
      %parallel_loop3A_176 = arith.index_cast %parallel_loop3A_173 : i32 to index
      %parallel_loop3A_177 = arith.constant 0 : index
      %parallel_loop3A_178 = tpu.vector_load %arg5[%parallel_loop3A_175, %parallel_loop3A_176, %parallel_loop3A_177] {strides = array<i32>} : memref<8x362x32xf32, #tpu.memory_space<vmem>>, vector<16xf32>,
      %parallel_loop3A_179 = arith.constant 5 : i32
      %parallel_loop3A_180 = arith.index_cast %parallel_loop3A_179 : i32 to index
      %parallel_loop3A_181 = arith.index_cast %parallel_loop3A_173 : i32 to index
      %parallel_loop3A_182 = arith.constant 16 : index
      %parallel_loop3A_183 = tpu.vector_load %arg5[%parallel_loop3A_180, %parallel_loop3A_181, %parallel_loop3A_182] {strides = array<i32>} : memref<8x362x32xf32, #tpu.memory_space<vmem>>, vector<16xf32>,
      %parallel_loop3A_184 = vector.extract_strided_slice %parallel_loop3A_107 {offsets = [6], sizes = [1], strides = [1]} : vector<16xi32> to vector<1xi32>
      %parallel_loop3A_185 = vector.extract %parallel_loop3A_184[0] : i32 from vector<1xi32>
      %parallel_loop3A_186 = arith.constant 6 : i32
      %parallel_loop3A_187 = arith.index_cast %parallel_loop3A_186 : i32 to index
      %parallel_loop3A_188 = arith.index_cast %parallel_loop3A_185 : i32 to index
      %parallel_loop3A_189 = arith.constant 0 : index
      %parallel_loop3A_190 = tpu.vector_load %arg5[%parallel_loop3A_187, %parallel_loop3A_188, %parallel_loop3A_189] {strides = array<i32>} : memref<8x362x32xf32, #tpu.memory_space<vmem>>, vector<16xf32>,
      %parallel_loop3A_191 = arith.constant 6 : i32
      %parallel_loop3A_192 = arith.index_cast %parallel_loop3A_191 : i32 to index
      %parallel_loop3A_193 = arith.index_cast %parallel_loop3A_185 : i32 to index
      %parallel_loop3A_194 = arith.constant 16 : index
      %parallel_loop3A_195 = tpu.vector_load %arg5[%parallel_loop3A_192, %parallel_loop3A_193, %parallel_loop3A_194] {strides = array<i32>} : memref<8x362x32xf32, #tpu.memory_space<vmem>>, vector<16xf32>,
      %parallel_loop3A_196 = vector.extract_strided_slice %parallel_loop3A_107 {offsets = [7], sizes = [1], strides = [1]} : vector<16xi32> to vector<1xi32>
      %parallel_loop3A_197 = vector.extract %parallel_loop3A_196[0] : i32 from vector<1xi32>
      %parallel_loop3A_198 = arith.constant 7 : i32
      %parallel_loop3A_199 = arith.index_cast %parallel_loop3A_198 : i32 to index
      %parallel_loop3A_200 = arith.index_cast %parallel_loop3A_197 : i32 to index
      %parallel_loop3A_201 = arith.constant 0 : index
      %parallel_loop3A_202 = tpu.vector_load %arg5[%parallel_loop3A_199, %parallel_loop3A_200, %parallel_loop3A_201] {strides = array<i32>} : memref<8x362x32xf32, #tpu.memory_space<vmem>>, vector<16xf32>,
      %parallel_loop3A_203 = arith.constant 7 : i32
      %parallel_loop3A_204 = arith.index_cast %parallel_loop3A_203 : i32 to index
      %parallel_loop3A_205 = arith.index_cast %parallel_loop3A_197 : i32 to index
      %parallel_loop3A_206 = arith.constant 16 : index
      %parallel_loop3A_207 = tpu.vector_load %arg5[%parallel_loop3A_204, %parallel_loop3A_205, %parallel_loop3A_206] {strides = array<i32>} : memref<8x362x32xf32, #tpu.memory_space<vmem>>, vector<16xf32>,
      %parallel_loop3A_208 = arith.addf %parallel_loop3A_118, %parallel_loop3A_130 : vector<16xf32>
      %parallel_loop3A_209 = arith.addf %parallel_loop3A_142, %parallel_loop3A_154 : vector<16xf32>
      %parallel_loop3A_210 = arith.addf %parallel_loop3A_208, %parallel_loop3A_209 : vector<16xf32>
      %parallel_loop3A_211 = arith.addf %parallel_loop3A_166, %parallel_loop3A_178 : vector<16xf32>
      %parallel_loop3A_212 = arith.addf %parallel_loop3A_190, %parallel_loop3A_202 : vector<16xf32>
      %parallel_loop3A_213 = arith.addf %parallel_loop3A_211, %parallel_loop3A_212 : vector<16xf32>
      %parallel_loop3A_214 = arith.addf %parallel_loop3A_210, %parallel_loop3A_213 : vector<16xf32>
      %parallel_loop3A_215 = arith.addf %parallel_loop3A_123, %parallel_loop3A_135 : vector<16xf32>
      %parallel_loop3A_216 = arith.addf %parallel_loop3A_147, %parallel_loop3A_159 : vector<16xf32>
      %parallel_loop3A_217 = arith.addf %parallel_loop3A_215, %parallel_loop3A_216 : vector<16xf32>
      %parallel_loop3A_218 = arith.addf %parallel_loop3A_171, %parallel_loop3A_183 : vector<16xf32>
      %parallel_loop3A_219 = arith.addf %parallel_loop3A_195, %parallel_loop3A_207 : vector<16xf32>
      %parallel_loop3A_220 = arith.addf %parallel_loop3A_218, %parallel_loop3A_219 : vector<16xf32>
      %parallel_loop3A_221 = arith.addf %parallel_loop3A_217, %parallel_loop3A_220 : vector<16xf32>
      %parallel_loop3A_222 = arith.index_cast %parallel_loop3A_111 : i32 to index
      %parallel_loop3A_223 = arith.constant 0 : index
      %parallel_loop3A_224 = tpu.vector_load %arg8[%parallel_loop3A_222, %parallel_loop3A_223] {strides = array<i32>} : memref<256x32xf32, #tpu.memory_space<vmem>>, vector<16xf32>,
      tpu.vector_store %arg8[%parallel_loop3A_222, %parallel_loop3A_223], %parallel_loop3A_214 {strides = array<i32>} : memref<256x32xf32, #tpu.memory_space<vmem>>, vector<16xf32>,
      %parallel_loop3A_225 = arith.index_cast %parallel_loop3A_111 : i32 to index
      %parallel_loop3A_226 = arith.constant 16 : index
      %parallel_loop3A_227 = tpu.vector_load %arg8[%parallel_loop3A_225, %parallel_loop3A_226] {strides = array<i32>} : memref<256x32xf32, #tpu.memory_space<vmem>>, vector<16xf32>,
      tpu.vector_store %arg8[%parallel_loop3A_225, %parallel_loop3A_226], %parallel_loop3A_221 {strides = array<i32>} : memref<256x32xf32, #tpu.memory_space<vmem>>, vector<16xf32>,
      %parallel_loop3A_228 = arith.constant 2 : i32
      %parallel_loop3A_229 = arith.muli %parallel_loop3A_101, %parallel_loop3A_228 : i32
      %parallel_loop3A_230 = arith.constant 1 : i32
      %parallel_loop3A_231 = arith.addi %parallel_loop3A_229, %parallel_loop3A_230 : i32
      %parallel_loop3A_232 = vector.extract_strided_slice %parallel_loop3A_107 {offsets = [8], sizes = [1], strides = [1]} : vector<16xi32> to vector<1xi32>
      %parallel_loop3A_233 = vector.extract %parallel_loop3A_232[0] : i32 from vector<1xi32>
      %parallel_loop3A_234 = arith.constant 0 : i32
      %parallel_loop3A_235 = arith.index_cast %parallel_loop3A_234 : i32 to index
      %parallel_loop3A_236 = arith.index_cast %parallel_loop3A_233 : i32 to index
      %parallel_loop3A_237 = arith.constant 0 : index
      %parallel_loop3A_238 = tpu.vector_load %arg5[%parallel_loop3A_235, %parallel_loop3A_236, %parallel_loop3A_237] {strides = array<i32>} : memref<8x362x32xf32, #tpu.memory_space<vmem>>, vector<16xf32>,
      %parallel_loop3A_239 = arith.constant 0 : i32
      %parallel_loop3A_240 = arith.index_cast %parallel_loop3A_239 : i32 to index
      %parallel_loop3A_241 = arith.index_cast %parallel_loop3A_233 : i32 to index
      %parallel_loop3A_242 = arith.constant 16 : index
      %parallel_loop3A_243 = tpu.vector_load %arg5[%parallel_loop3A_240, %parallel_loop3A_241, %parallel_loop3A_242] {strides = array<i32>} : memref<8x362x32xf32, #tpu.memory_space<vmem>>, vector<16xf32>,
      %parallel_loop3A_244 = vector.extract_strided_slice %parallel_loop3A_107 {offsets = [9], sizes = [1], strides = [1]} : vector<16xi32> to vector<1xi32>
      %parallel_loop3A_245 = vector.extract %parallel_loop3A_244[0] : i32 from vector<1xi32>
      %parallel_loop3A_246 = arith.constant 1 : i32
      %parallel_loop3A_247 = arith.index_cast %parallel_loop3A_246 : i32 to index
      %parallel_loop3A_248 = arith.index_cast %parallel_loop3A_245 : i32 to index
      %parallel_loop3A_249 = arith.constant 0 : index
      %parallel_loop3A_250 = tpu.vector_load %arg5[%parallel_loop3A_247, %parallel_loop3A_248, %parallel_loop3A_249] {strides = array<i32>} : memref<8x362x32xf32, #tpu.memory_space<vmem>>, vector<16xf32>,
      %parallel_loop3A_251 = arith.constant 1 : i32
      %parallel_loop3A_252 = arith.index_cast %parallel_loop3A_251 : i32 to index
      %parallel_loop3A_253 = arith.index_cast %parallel_loop3A_245 : i32 to index
      %parallel_loop3A_254 = arith.constant 16 : index
      %parallel_loop3A_255 = tpu.vector_load %arg5[%parallel_loop3A_252, %parallel_loop3A_253, %parallel_loop3A_254] {strides = array<i32>} : memref<8x362x32xf32, #tpu.memory_space<vmem>>, vector<16xf32>,
      %parallel_loop3A_256 = vector.extract_strided_slice %parallel_loop3A_107 {offsets = [10], sizes = [1], strides = [1]} : vector<16xi32> to vector<1xi32>
      %parallel_loop3A_257 = vector.extract %parallel_loop3A_256[0] : i32 from vector<1xi32>
      %parallel_loop3A_258 = arith.constant 2 : i32
      %parallel_loop3A_259 = arith.index_cast %parallel_loop3A_258 : i32 to index
      %parallel_loop3A_260 = arith.index_cast %parallel_loop3A_257 : i32 to index
      %parallel_loop3A_261 = arith.constant 0 : index
      %parallel_loop3A_262 = tpu.vector_load %arg5[%parallel_loop3A_259, %parallel_loop3A_260, %parallel_loop3A_261] {strides = array<i32>} : memref<8x362x32xf32, #tpu.memory_space<vmem>>, vector<16xf32>,
      %parallel_loop3A_263 = arith.constant 2 : i32
      %parallel_loop3A_264 = arith.index_cast %parallel_loop3A_263 : i32 to index
      %parallel_loop3A_265 = arith.index_cast %parallel_loop3A_257 : i32 to index
      %parallel_loop3A_266 = arith.constant 16 : index
      %parallel_loop3A_267 = tpu.vector_load %arg5[%parallel_loop3A_264, %parallel_loop3A_265, %parallel_loop3A_266] {strides = array<i32>} : memref<8x362x32xf32, #tpu.memory_space<vmem>>, vector<16xf32>,
      %parallel_loop3A_268 = vector.extract_strided_slice %parallel_loop3A_107 {offsets = [11], sizes = [1], strides = [1]} : vector<16xi32> to vector<1xi32>
      %parallel_loop3A_269 = vector.extract %parallel_loop3A_268[0] : i32 from vector<1xi32>
      %parallel_loop3A_270 = arith.constant 3 : i32
      %parallel_loop3A_271 = arith.index_cast %parallel_loop3A_270 : i32 to index
      %parallel_loop3A_272 = arith.index_cast %parallel_loop3A_269 : i32 to index
      %parallel_loop3A_273 = arith.constant 0 : index
      %parallel_loop3A_274 = tpu.vector_load %arg5[%parallel_loop3A_271, %parallel_loop3A_272, %parallel_loop3A_273] {strides = array<i32>} : memref<8x362x32xf32, #tpu.memory_space<vmem>>, vector<16xf32>,
      %parallel_loop3A_275 = arith.constant 3 : i32
      %parallel_loop3A_276 = arith.index_cast %parallel_loop3A_275 : i32 to index
      %parallel_loop3A_277 = arith.index_cast %parallel_loop3A_269 : i32 to index
      %parallel_loop3A_278 = arith.constant 16 : index
      %parallel_loop3A_279 = tpu.vector_load %arg5[%parallel_loop3A_276, %parallel_loop3A_277, %parallel_loop3A_278] {strides = array<i32>} : memref<8x362x32xf32, #tpu.memory_space<vmem>>, vector<16xf32>,
      %parallel_loop3A_280 = vector.extract_strided_slice %parallel_loop3A_107 {offsets = [12], sizes = [1], strides = [1]} : vector<16xi32> to vector<1xi32>
      %parallel_loop3A_281 = vector.extract %parallel_loop3A_280[0] : i32 from vector<1xi32>
      %parallel_loop3A_282 = arith.constant 4 : i32
      %parallel_loop3A_283 = arith.index_cast %parallel_loop3A_282 : i32 to index
      %parallel_loop3A_284 = arith.index_cast %parallel_loop3A_281 : i32 to index
      %parallel_loop3A_285 = arith.constant 0 : index
      %parallel_loop3A_286 = tpu.vector_load %arg5[%parallel_loop3A_283, %parallel_loop3A_284, %parallel_loop3A_285] {strides = array<i32>} : memref<8x362x32xf32, #tpu.memory_space<vmem>>, vector<16xf32>,
      %parallel_loop3A_287 = arith.constant 4 : i32
      %parallel_loop3A_288 = arith.index_cast %parallel_loop3A_287 : i32 to index
      %parallel_loop3A_289 = arith.index_cast %parallel_loop3A_281 : i32 to index
      %parallel_loop3A_290 = arith.constant 16 : index
      %parallel_loop3A_291 = tpu.vector_load %arg5[%parallel_loop3A_288, %parallel_loop3A_289, %parallel_loop3A_290] {strides = array<i32>} : memref<8x362x32xf32, #tpu.memory_space<vmem>>, vector<16xf32>,
      %parallel_loop3A_292 = vector.extract_strided_slice %parallel_loop3A_107 {offsets = [13], sizes = [1], strides = [1]} : vector<16xi32> to vector<1xi32>
      %parallel_loop3A_293 = vector.extract %parallel_loop3A_292[0] : i32 from vector<1xi32>
      %parallel_loop3A_294 = arith.constant 5 : i32
      %parallel_loop3A_295 = arith.index_cast %parallel_loop3A_294 : i32 to index
      %parallel_loop3A_296 = arith.index_cast %parallel_loop3A_293 : i32 to index
      %parallel_loop3A_297 = arith.constant 0 : index
      %parallel_loop3A_298 = tpu.vector_load %arg5[%parallel_loop3A_295, %parallel_loop3A_296, %parallel_loop3A_297] {strides = array<i32>} : memref<8x362x32xf32, #tpu.memory_space<vmem>>, vector<16xf32>,
      %parallel_loop3A_299 = arith.constant 5 : i32
      %parallel_loop3A_300 = arith.index_cast %parallel_loop3A_299 : i32 to index
      %parallel_loop3A_301 = arith.index_cast %parallel_loop3A_293 : i32 to index
      %parallel_loop3A_302 = arith.constant 16 : index
      %parallel_loop3A_303 = tpu.vector_load %arg5[%parallel_loop3A_300, %parallel_loop3A_301, %parallel_loop3A_302] {strides = array<i32>} : memref<8x362x32xf32, #tpu.memory_space<vmem>>, vector<16xf32>,
      %parallel_loop3A_304 = vector.extract_strided_slice %parallel_loop3A_107 {offsets = [14], sizes = [1], strides = [1]} : vector<16xi32> to vector<1xi32>
      %parallel_loop3A_305 = vector.extract %parallel_loop3A_304[0] : i32 from vector<1xi32>
      %parallel_loop3A_306 = arith.constant 6 : i32
      %parallel_loop3A_307 = arith.index_cast %parallel_loop3A_306 : i32 to index
      %parallel_loop3A_308 = arith.index_cast %parallel_loop3A_305 : i32 to index
      %parallel_loop3A_309 = arith.constant 0 : index
      %parallel_loop3A_310 = tpu.vector_load %arg5[%parallel_loop3A_307, %parallel_loop3A_308, %parallel_loop3A_309] {strides = array<i32>} : memref<8x362x32xf32, #tpu.memory_space<vmem>>, vector<16xf32>,
      %parallel_loop3A_311 = arith.constant 6 : i32
      %parallel_loop3A_312 = arith.index_cast %parallel_loop3A_311 : i32 to index
      %parallel_loop3A_313 = arith.index_cast %parallel_loop3A_305 : i32 to index
      %parallel_loop3A_314 = arith.constant 16 : index
      %parallel_loop3A_315 = tpu.vector_load %arg5[%parallel_loop3A_312, %parallel_loop3A_313, %parallel_loop3A_314] {strides = array<i32>} : memref<8x362x32xf32, #tpu.memory_space<vmem>>, vector<16xf32>,
      %parallel_loop3A_316 = vector.extract_strided_slice %parallel_loop3A_107 {offsets = [15], sizes = [1], strides = [1]} : vector<16xi32> to vector<1xi32>
      %parallel_loop3A_317 = vector.extract %parallel_loop3A_316[0] : i32 from vector<1xi32>
      %parallel_loop3A_318 = arith.constant 7 : i32
      %parallel_loop3A_319 = arith.index_cast %parallel_loop3A_318 : i32 to index
      %parallel_loop3A_320 = arith.index_cast %parallel_loop3A_317 : i32 to index
      %parallel_loop3A_321 = arith.constant 0 : index
      %parallel_loop3A_322 = tpu.vector_load %arg5[%parallel_loop3A_319, %parallel_loop3A_320, %parallel_loop3A_321] {strides = array<i32>} : memref<8x362x32xf32, #tpu.memory_space<vmem>>, vector<16xf32>,
      %parallel_loop3A_323 = arith.constant 7 : i32
      %parallel_loop3A_324 = arith.index_cast %parallel_loop3A_323 : i32 to index
      %parallel_loop3A_325 = arith.index_cast %parallel_loop3A_317 : i32 to index
      %parallel_loop3A_326 = arith.constant 16 : index
      %parallel_loop3A_327 = tpu.vector_load %arg5[%parallel_loop3A_324, %parallel_loop3A_325, %parallel_loop3A_326] {strides = array<i32>} : memref<8x362x32xf32, #tpu.memory_space<vmem>>, vector<16xf32>,
      %parallel_loop3A_328 = arith.addf %parallel_loop3A_238, %parallel_loop3A_250 : vector<16xf32>
      %parallel_loop3A_329 = arith.addf %parallel_loop3A_262, %parallel_loop3A_274 : vector<16xf32>
      %parallel_loop3A_330 = arith.addf %parallel_loop3A_328, %parallel_loop3A_329 : vector<16xf32>
      %parallel_loop3A_331 = arith.addf %parallel_loop3A_286, %parallel_loop3A_298 : vector<16xf32>
      %parallel_loop3A_332 = arith.addf %parallel_loop3A_310, %parallel_loop3A_322 : vector<16xf32>
      %parallel_loop3A_333 = arith.addf %parallel_loop3A_331, %parallel_loop3A_332 : vector<16xf32>
      %parallel_loop3A_334 = arith.addf %parallel_loop3A_330, %parallel_loop3A_333 : vector<16xf32>
      %parallel_loop3A_335 = arith.addf %parallel_loop3A_243, %parallel_loop3A_255 : vector<16xf32>
      %parallel_loop3A_336 = arith.addf %parallel_loop3A_267, %parallel_loop3A_279 : vector<16xf32>
      %parallel_loop3A_337 = arith.addf %parallel_loop3A_335, %parallel_loop3A_336 : vector<16xf32>
      %parallel_loop3A_338 = arith.addf %parallel_loop3A_291, %parallel_loop3A_303 : vector<16xf32>
      %parallel_loop3A_339 = arith.addf %parallel_loop3A_315, %parallel_loop3A_327 : vector<16xf32>
      %parallel_loop3A_340 = arith.addf %parallel_loop3A_338, %parallel_loop3A_339 : vector<16xf32>
      %parallel_loop3A_341 = arith.addf %parallel_loop3A_337, %parallel_loop3A_340 : vector<16xf32>
      %parallel_loop3A_342 = arith.index_cast %parallel_loop3A_231 : i32 to index
      %parallel_loop3A_343 = arith.constant 0 : index
      %parallel_loop3A_344 = tpu.vector_load %arg8[%parallel_loop3A_342, %parallel_loop3A_343] {strides = array<i32>} : memref<256x32xf32, #tpu.memory_space<vmem>>, vector<16xf32>,
      tpu.vector_store %arg8[%parallel_loop3A_342, %parallel_loop3A_343], %parallel_loop3A_334 {strides = array<i32>} : memref<256x32xf32, #tpu.memory_space<vmem>>, vector<16xf32>,
      %parallel_loop3A_345 = arith.index_cast %parallel_loop3A_231 : i32 to index
      %parallel_loop3A_346 = arith.constant 16 : index
      %parallel_loop3A_347 = tpu.vector_load %arg8[%parallel_loop3A_345, %parallel_loop3A_346] {strides = array<i32>} : memref<256x32xf32, #tpu.memory_space<vmem>>, vector<16xf32>,
      tpu.vector_store %arg8[%parallel_loop3A_345, %parallel_loop3A_346], %parallel_loop3A_341 {strides = array<i32>} : memref<256x32xf32, #tpu.memory_space<vmem>>, vector<16xf32>,
    } {sc.loop_unroll_factor = 3 : i64, sc.parallel_access}
    %mul3A_74 = arith.constant 1024 : i32
    %mul3A_75 = arith.muli %arg1, %mul3A_74 : i32
    %add3A_76 = arith.constant 512 : i32
    %add3A_77 = arith.addi %mul3A_75, %add3A_76 : i32
    %mul3A_78 = arith.constant 32 : i32
    %mul3A_79 = arith.muli %arg0, %mul3A_78 : i32
    %dma_start3A_80 = tpu.memref_slice %arg4[%add3A_77, %mul3A_79] : memref<16384x64xf32, #tpu.memory_space<hbm>> -> memref<256x32xf32, #tpu.memory_space<hbm>>
    %dma_start3A_81 = tpu.memref_slice %arg4[%add3A_77, %mul3A_79] : memref<16384x64xf32, #tpu.memory_space<hbm>> -> memref<256x32xf32, #tpu.memory_space<hbm>>
    tpu.enqueue_dma source(%arg8 : memref<256x32xf32, #tpu.memory_space<vmem>>) target(%dma_start3A_81 : memref<256x32xf32, #tpu.memory_space<hbm>>) target_semaphore(%arg13 : memref<!tpu.dma_semaphore, #tpu.memory_space<semaphore_mem>>)
    %dma_wait3A_82 = tpu.memref_slice %arg2[%mul3A_64] : memref<131072xi32, #tpu.memory_space<hbm>> -> memref<2048xi32, #tpu.memory_space<hbm>>
    %dma_wait3A_83 = tpu.memref_slice %arg2[%mul3A_64] : memref<131072xi32, #tpu.memory_space<hbm>> -> memref<2048xi32, #tpu.memory_space<hbm>>
    tpu.wait_dma2 semaphore(%arg12 : memref<!tpu.dma_semaphore, #tpu.memory_space<semaphore_mem>>) src(%dma_wait3A_83 : memref<2048xi32, #tpu.memory_space<hbm>>) dst(%arg7 : memref<2048xi32, #tpu.memory_space<vmem>>)
    %dma_wait3A_84 = tpu.memref_slice %arg4[%add3A_54, %mul3A_56] : memref<16384x64xf32, #tpu.memory_space<hbm>> -> memref<256x32xf32, #tpu.memory_space<hbm>>
    %dma_wait3A_85 = tpu.memref_slice %arg4[%add3A_54, %mul3A_56] : memref<16384x64xf32, #tpu.memory_space<hbm>> -> memref<256x32xf32, #tpu.memory_space<hbm>>
    tpu.wait_dma2 semaphore(%arg14 : memref<!tpu.dma_semaphore, #tpu.memory_space<semaphore_mem>>) src(%arg9 : memref<256x32xf32, #tpu.memory_space<vmem>>) dst(%dma_wait3A_85 : memref<256x32xf32, #tpu.memory_space<hbm>>)
    %parallel_loop3A_86 = arith.constant 0 : i32
    %parallel_loop3A_87 = arith.constant 128 : i32
    %parallel_loop3A_88 = arith.constant 1 : i32
    scf.for %parallel_loop3A_101 = %parallel_loop3A_86 to %parallel_loop3A_87 step %parallel_loop3A_88  : i32 {
      %parallel_loop3A_102 = arith.constant 2 : i32
      %parallel_loop3A_103 = arith.muli %parallel_loop3A_101, %parallel_loop3A_102 : i32
      %parallel_loop3A_104 = arith.constant 8 : i32
      %parallel_loop3A_105 = arith.muli %parallel_loop3A_103, %parallel_loop3A_104 : i32
      %parallel_loop3A_106 = arith.index_cast %parallel_loop3A_105 : i32 to index
      %parallel_loop3A_107 = tpu.vector_load %arg7[%parallel_loop3A_106] {strides = array<i32>} : memref<2048xi32, #tpu.memory_space<vmem>>, vector<16xi32>,
      %parallel_loop3A_108 = arith.constant 2 : i32
      %parallel_loop3A_109 = arith.muli %parallel_loop3A_101, %parallel_loop3A_108 : i32
      %parallel_loop3A_110 = arith.constant 0 : i32
      %parallel_loop3A_111 = arith.addi %parallel_loop3A_109, %parallel_loop3A_110 : i32
      %parallel_loop3A_112 = vector.extract_strided_slice %parallel_loop3A_107 {offsets = [0], sizes = [1], strides = [1]} : vector<16xi32> to vector<1xi32>
      %parallel_loop3A_113 = vector.extract %parallel_loop3A_112[0] : i32 from vector<1xi32>
      %parallel_loop3A_114 = arith.constant 0 : i32
      %parallel_loop3A_115 = arith.index_cast %parallel_loop3A_114 : i32 to index
      %parallel_loop3A_116 = arith.index_cast %parallel_loop3A_113 : i32 to index
      %parallel_loop3A_117 = arith.constant 0 : index
      %parallel_loop3A_118 = tpu.vector_load %arg5[%parallel_loop3A_115, %parallel_loop3A_116, %parallel_loop3A_117] {strides = array<i32>} : memref<8x362x32xf32, #tpu.memory_space<vmem>>, vector<16xf32>,
      %parallel_loop3A_119 = arith.constant 0 : i32
      %parallel_loop3A_120 = arith.index_cast %parallel_loop3A_119 : i32 to index
      %parallel_loop3A_121 = arith.index_cast %parallel_loop3A_113 : i32 to index
      %parallel_loop3A_122 = arith.constant 16 : index
      %parallel_loop3A_123 = tpu.vector_load %arg5[%parallel_loop3A_120, %parallel_loop3A_121, %parallel_loop3A_122] {strides = array<i32>} : memref<8x362x32xf32, #tpu.memory_space<vmem>>, vector<16xf32>,
      %parallel_loop3A_124 = vector.extract_strided_slice %parallel_loop3A_107 {offsets = [1], sizes = [1], strides = [1]} : vector<16xi32> to vector<1xi32>
      %parallel_loop3A_125 = vector.extract %parallel_loop3A_124[0] : i32 from vector<1xi32>
      %parallel_loop3A_126 = arith.constant 1 : i32
      %parallel_loop3A_127 = arith.index_cast %parallel_loop3A_126 : i32 to index
      %parallel_loop3A_128 = arith.index_cast %parallel_loop3A_125 : i32 to index
      %parallel_loop3A_129 = arith.constant 0 : index
      %parallel_loop3A_130 = tpu.vector_load %arg5[%parallel_loop3A_127, %parallel_loop3A_128, %parallel_loop3A_129] {strides = array<i32>} : memref<8x362x32xf32, #tpu.memory_space<vmem>>, vector<16xf32>,
      %parallel_loop3A_131 = arith.constant 1 : i32
      %parallel_loop3A_132 = arith.index_cast %parallel_loop3A_131 : i32 to index
      %parallel_loop3A_133 = arith.index_cast %parallel_loop3A_125 : i32 to index
      %parallel_loop3A_134 = arith.constant 16 : index
      %parallel_loop3A_135 = tpu.vector_load %arg5[%parallel_loop3A_132, %parallel_loop3A_133, %parallel_loop3A_134] {strides = array<i32>} : memref<8x362x32xf32, #tpu.memory_space<vmem>>, vector<16xf32>,
      %parallel_loop3A_136 = vector.extract_strided_slice %parallel_loop3A_107 {offsets = [2], sizes = [1], strides = [1]} : vector<16xi32> to vector<1xi32>
      %parallel_loop3A_137 = vector.extract %parallel_loop3A_136[0] : i32 from vector<1xi32>
      %parallel_loop3A_138 = arith.constant 2 : i32
      %parallel_loop3A_139 = arith.index_cast %parallel_loop3A_138 : i32 to index
      %parallel_loop3A_140 = arith.index_cast %parallel_loop3A_137 : i32 to index
      %parallel_loop3A_141 = arith.constant 0 : index
      %parallel_loop3A_142 = tpu.vector_load %arg5[%parallel_loop3A_139, %parallel_loop3A_140, %parallel_loop3A_141] {strides = array<i32>} : memref<8x362x32xf32, #tpu.memory_space<vmem>>, vector<16xf32>,
      %parallel_loop3A_143 = arith.constant 2 : i32
      %parallel_loop3A_144 = arith.index_cast %parallel_loop3A_143 : i32 to index
      %parallel_loop3A_145 = arith.index_cast %parallel_loop3A_137 : i32 to index
      %parallel_loop3A_146 = arith.constant 16 : index
      %parallel_loop3A_147 = tpu.vector_load %arg5[%parallel_loop3A_144, %parallel_loop3A_145, %parallel_loop3A_146] {strides = array<i32>} : memref<8x362x32xf32, #tpu.memory_space<vmem>>, vector<16xf32>,
      %parallel_loop3A_148 = vector.extract_strided_slice %parallel_loop3A_107 {offsets = [3], sizes = [1], strides = [1]} : vector<16xi32> to vector<1xi32>
      %parallel_loop3A_149 = vector.extract %parallel_loop3A_148[0] : i32 from vector<1xi32>
      %parallel_loop3A_150 = arith.constant 3 : i32
      %parallel_loop3A_151 = arith.index_cast %parallel_loop3A_150 : i32 to index
      %parallel_loop3A_152 = arith.index_cast %parallel_loop3A_149 : i32 to index
      %parallel_loop3A_153 = arith.constant 0 : index
      %parallel_loop3A_154 = tpu.vector_load %arg5[%parallel_loop3A_151, %parallel_loop3A_152, %parallel_loop3A_153] {strides = array<i32>} : memref<8x362x32xf32, #tpu.memory_space<vmem>>, vector<16xf32>,
      %parallel_loop3A_155 = arith.constant 3 : i32
      %parallel_loop3A_156 = arith.index_cast %parallel_loop3A_155 : i32 to index
      %parallel_loop3A_157 = arith.index_cast %parallel_loop3A_149 : i32 to index
      %parallel_loop3A_158 = arith.constant 16 : index
      %parallel_loop3A_159 = tpu.vector_load %arg5[%parallel_loop3A_156, %parallel_loop3A_157, %parallel_loop3A_158] {strides = array<i32>} : memref<8x362x32xf32, #tpu.memory_space<vmem>>, vector<16xf32>,
      %parallel_loop3A_160 = vector.extract_strided_slice %parallel_loop3A_107 {offsets = [4], sizes = [1], strides = [1]} : vector<16xi32> to vector<1xi32>
      %parallel_loop3A_161 = vector.extract %parallel_loop3A_160[0] : i32 from vector<1xi32>
      %parallel_loop3A_162 = arith.constant 4 : i32
      %parallel_loop3A_163 = arith.index_cast %parallel_loop3A_162 : i32 to index
      %parallel_loop3A_164 = arith.index_cast %parallel_loop3A_161 : i32 to index
      %parallel_loop3A_165 = arith.constant 0 : index
      %parallel_loop3A_166 = tpu.vector_load %arg5[%parallel_loop3A_163, %parallel_loop3A_164, %parallel_loop3A_165] {strides = array<i32>} : memref<8x362x32xf32, #tpu.memory_space<vmem>>, vector<16xf32>,
      %parallel_loop3A_167 = arith.constant 4 : i32
      %parallel_loop3A_168 = arith.index_cast %parallel_loop3A_167 : i32 to index
      %parallel_loop3A_169 = arith.index_cast %parallel_loop3A_161 : i32 to index
      %parallel_loop3A_170 = arith.constant 16 : index
      %parallel_loop3A_171 = tpu.vector_load %arg5[%parallel_loop3A_168, %parallel_loop3A_169, %parallel_loop3A_170] {strides = array<i32>} : memref<8x362x32xf32, #tpu.memory_space<vmem>>, vector<16xf32>,
      %parallel_loop3A_172 = vector.extract_strided_slice %parallel_loop3A_107 {offsets = [5], sizes = [1], strides = [1]} : vector<16xi32> to vector<1xi32>
      %parallel_loop3A_173 = vector.extract %parallel_loop3A_172[0] : i32 from vector<1xi32>
      %parallel_loop3A_174 = arith.constant 5 : i32
      %parallel_loop3A_175 = arith.index_cast %parallel_loop3A_174 : i32 to index
      %parallel_loop3A_176 = arith.index_cast %parallel_loop3A_173 : i32 to index
      %parallel_loop3A_177 = arith.constant 0 : index
      %parallel_loop3A_178 = tpu.vector_load %arg5[%parallel_loop3A_175, %parallel_loop3A_176, %parallel_loop3A_177] {strides = array<i32>} : memref<8x362x32xf32, #tpu.memory_space<vmem>>, vector<16xf32>,
      %parallel_loop3A_179 = arith.constant 5 : i32
      %parallel_loop3A_180 = arith.index_cast %parallel_loop3A_179 : i32 to index
      %parallel_loop3A_181 = arith.index_cast %parallel_loop3A_173 : i32 to index
      %parallel_loop3A_182 = arith.constant 16 : index
      %parallel_loop3A_183 = tpu.vector_load %arg5[%parallel_loop3A_180, %parallel_loop3A_181, %parallel_loop3A_182] {strides = array<i32>} : memref<8x362x32xf32, #tpu.memory_space<vmem>>, vector<16xf32>,
      %parallel_loop3A_184 = vector.extract_strided_slice %parallel_loop3A_107 {offsets = [6], sizes = [1], strides = [1]} : vector<16xi32> to vector<1xi32>
      %parallel_loop3A_185 = vector.extract %parallel_loop3A_184[0] : i32 from vector<1xi32>
      %parallel_loop3A_186 = arith.constant 6 : i32
      %parallel_loop3A_187 = arith.index_cast %parallel_loop3A_186 : i32 to index
      %parallel_loop3A_188 = arith.index_cast %parallel_loop3A_185 : i32 to index
      %parallel_loop3A_189 = arith.constant 0 : index
      %parallel_loop3A_190 = tpu.vector_load %arg5[%parallel_loop3A_187, %parallel_loop3A_188, %parallel_loop3A_189] {strides = array<i32>} : memref<8x362x32xf32, #tpu.memory_space<vmem>>, vector<16xf32>,
      %parallel_loop3A_191 = arith.constant 6 : i32
      %parallel_loop3A_192 = arith.index_cast %parallel_loop3A_191 : i32 to index
      %parallel_loop3A_193 = arith.index_cast %parallel_loop3A_185 : i32 to index
      %parallel_loop3A_194 = arith.constant 16 : index
      %parallel_loop3A_195 = tpu.vector_load %arg5[%parallel_loop3A_192, %parallel_loop3A_193, %parallel_loop3A_194] {strides = array<i32>} : memref<8x362x32xf32, #tpu.memory_space<vmem>>, vector<16xf32>,
      %parallel_loop3A_196 = vector.extract_strided_slice %parallel_loop3A_107 {offsets = [7], sizes = [1], strides = [1]} : vector<16xi32> to vector<1xi32>
      %parallel_loop3A_197 = vector.extract %parallel_loop3A_196[0] : i32 from vector<1xi32>
      %parallel_loop3A_198 = arith.constant 7 : i32
      %parallel_loop3A_199 = arith.index_cast %parallel_loop3A_198 : i32 to index
      %parallel_loop3A_200 = arith.index_cast %parallel_loop3A_197 : i32 to index
      %parallel_loop3A_201 = arith.constant 0 : index
      %parallel_loop3A_202 = tpu.vector_load %arg5[%parallel_loop3A_199, %parallel_loop3A_200, %parallel_loop3A_201] {strides = array<i32>} : memref<8x362x32xf32, #tpu.memory_space<vmem>>, vector<16xf32>,
      %parallel_loop3A_203 = arith.constant 7 : i32
      %parallel_loop3A_204 = arith.index_cast %parallel_loop3A_203 : i32 to index
      %parallel_loop3A_205 = arith.index_cast %parallel_loop3A_197 : i32 to index
      %parallel_loop3A_206 = arith.constant 16 : index
      %parallel_loop3A_207 = tpu.vector_load %arg5[%parallel_loop3A_204, %parallel_loop3A_205, %parallel_loop3A_206] {strides = array<i32>} : memref<8x362x32xf32, #tpu.memory_space<vmem>>, vector<16xf32>,
      %parallel_loop3A_208 = arith.addf %parallel_loop3A_118, %parallel_loop3A_130 : vector<16xf32>
      %parallel_loop3A_209 = arith.addf %parallel_loop3A_142, %parallel_loop3A_154 : vector<16xf32>
      %parallel_loop3A_210 = arith.addf %parallel_loop3A_208, %parallel_loop3A_209 : vector<16xf32>
      %parallel_loop3A_211 = arith.addf %parallel_loop3A_166, %parallel_loop3A_178 : vector<16xf32>
      %parallel_loop3A_212 = arith.addf %parallel_loop3A_190, %parallel_loop3A_202 : vector<16xf32>
      %parallel_loop3A_213 = arith.addf %parallel_loop3A_211, %parallel_loop3A_212 : vector<16xf32>
      %parallel_loop3A_214 = arith.addf %parallel_loop3A_210, %parallel_loop3A_213 : vector<16xf32>
      %parallel_loop3A_215 = arith.addf %parallel_loop3A_123, %parallel_loop3A_135 : vector<16xf32>
      %parallel_loop3A_216 = arith.addf %parallel_loop3A_147, %parallel_loop3A_159 : vector<16xf32>
      %parallel_loop3A_217 = arith.addf %parallel_loop3A_215, %parallel_loop3A_216 : vector<16xf32>
      %parallel_loop3A_218 = arith.addf %parallel_loop3A_171, %parallel_loop3A_183 : vector<16xf32>
      %parallel_loop3A_219 = arith.addf %parallel_loop3A_195, %parallel_loop3A_207 : vector<16xf32>
      %parallel_loop3A_220 = arith.addf %parallel_loop3A_218, %parallel_loop3A_219 : vector<16xf32>
      %parallel_loop3A_221 = arith.addf %parallel_loop3A_217, %parallel_loop3A_220 : vector<16xf32>
      %parallel_loop3A_222 = arith.index_cast %parallel_loop3A_111 : i32 to index
      %parallel_loop3A_223 = arith.constant 0 : index
      %parallel_loop3A_224 = tpu.vector_load %arg9[%parallel_loop3A_222, %parallel_loop3A_223] {strides = array<i32>} : memref<256x32xf32, #tpu.memory_space<vmem>>, vector<16xf32>,
      tpu.vector_store %arg9[%parallel_loop3A_222, %parallel_loop3A_223], %parallel_loop3A_214 {strides = array<i32>} : memref<256x32xf32, #tpu.memory_space<vmem>>, vector<16xf32>,
      %parallel_loop3A_225 = arith.index_cast %parallel_loop3A_111 : i32 to index
      %parallel_loop3A_226 = arith.constant 16 : index
      %parallel_loop3A_227 = tpu.vector_load %arg9[%parallel_loop3A_225, %parallel_loop3A_226] {strides = array<i32>} : memref<256x32xf32, #tpu.memory_space<vmem>>, vector<16xf32>,
      tpu.vector_store %arg9[%parallel_loop3A_225, %parallel_loop3A_226], %parallel_loop3A_221 {strides = array<i32>} : memref<256x32xf32, #tpu.memory_space<vmem>>, vector<16xf32>,
      %parallel_loop3A_228 = arith.constant 2 : i32
      %parallel_loop3A_229 = arith.muli %parallel_loop3A_101, %parallel_loop3A_228 : i32
      %parallel_loop3A_230 = arith.constant 1 : i32
      %parallel_loop3A_231 = arith.addi %parallel_loop3A_229, %parallel_loop3A_230 : i32
      %parallel_loop3A_232 = vector.extract_strided_slice %parallel_loop3A_107 {offsets = [8], sizes = [1], strides = [1]} : vector<16xi32> to vector<1xi32>
      %parallel_loop3A_233 = vector.extract %parallel_loop3A_232[0] : i32 from vector<1xi32>
      %parallel_loop3A_234 = arith.constant 0 : i32
      %parallel_loop3A_235 = arith.index_cast %parallel_loop3A_234 : i32 to index
      %parallel_loop3A_236 = arith.index_cast %parallel_loop3A_233 : i32 to index
      %parallel_loop3A_237 = arith.constant 0 : index
      %parallel_loop3A_238 = tpu.vector_load %arg5[%parallel_loop3A_235, %parallel_loop3A_236, %parallel_loop3A_237] {strides = array<i32>} : memref<8x362x32xf32, #tpu.memory_space<vmem>>, vector<16xf32>,
      %parallel_loop3A_239 = arith.constant 0 : i32
      %parallel_loop3A_240 = arith.index_cast %parallel_loop3A_239 : i32 to index
      %parallel_loop3A_241 = arith.index_cast %parallel_loop3A_233 : i32 to index
      %parallel_loop3A_242 = arith.constant 16 : index
      %parallel_loop3A_243 = tpu.vector_load %arg5[%parallel_loop3A_240, %parallel_loop3A_241, %parallel_loop3A_242] {strides = array<i32>} : memref<8x362x32xf32, #tpu.memory_space<vmem>>, vector<16xf32>,
      %parallel_loop3A_244 = vector.extract_strided_slice %parallel_loop3A_107 {offsets = [9], sizes = [1], strides = [1]} : vector<16xi32> to vector<1xi32>
      %parallel_loop3A_245 = vector.extract %parallel_loop3A_244[0] : i32 from vector<1xi32>
      %parallel_loop3A_246 = arith.constant 1 : i32
      %parallel_loop3A_247 = arith.index_cast %parallel_loop3A_246 : i32 to index
      %parallel_loop3A_248 = arith.index_cast %parallel_loop3A_245 : i32 to index
      %parallel_loop3A_249 = arith.constant 0 : index
      %parallel_loop3A_250 = tpu.vector_load %arg5[%parallel_loop3A_247, %parallel_loop3A_248, %parallel_loop3A_249] {strides = array<i32>} : memref<8x362x32xf32, #tpu.memory_space<vmem>>, vector<16xf32>,
      %parallel_loop3A_251 = arith.constant 1 : i32
      %parallel_loop3A_252 = arith.index_cast %parallel_loop3A_251 : i32 to index
      %parallel_loop3A_253 = arith.index_cast %parallel_loop3A_245 : i32 to index
      %parallel_loop3A_254 = arith.constant 16 : index
      %parallel_loop3A_255 = tpu.vector_load %arg5[%parallel_loop3A_252, %parallel_loop3A_253, %parallel_loop3A_254] {strides = array<i32>} : memref<8x362x32xf32, #tpu.memory_space<vmem>>, vector<16xf32>,
      %parallel_loop3A_256 = vector.extract_strided_slice %parallel_loop3A_107 {offsets = [10], sizes = [1], strides = [1]} : vector<16xi32> to vector<1xi32>
      %parallel_loop3A_257 = vector.extract %parallel_loop3A_256[0] : i32 from vector<1xi32>
      %parallel_loop3A_258 = arith.constant 2 : i32
      %parallel_loop3A_259 = arith.index_cast %parallel_loop3A_258 : i32 to index
      %parallel_loop3A_260 = arith.index_cast %parallel_loop3A_257 : i32 to index
      %parallel_loop3A_261 = arith.constant 0 : index
      %parallel_loop3A_262 = tpu.vector_load %arg5[%parallel_loop3A_259, %parallel_loop3A_260, %parallel_loop3A_261] {strides = array<i32>} : memref<8x362x32xf32, #tpu.memory_space<vmem>>, vector<16xf32>,
      %parallel_loop3A_263 = arith.constant 2 : i32
      %parallel_loop3A_264 = arith.index_cast %parallel_loop3A_263 : i32 to index
      %parallel_loop3A_265 = arith.index_cast %parallel_loop3A_257 : i32 to index
      %parallel_loop3A_266 = arith.constant 16 : index
      %parallel_loop3A_267 = tpu.vector_load %arg5[%parallel_loop3A_264, %parallel_loop3A_265, %parallel_loop3A_266] {strides = array<i32>} : memref<8x362x32xf32, #tpu.memory_space<vmem>>, vector<16xf32>,
      %parallel_loop3A_268 = vector.extract_strided_slice %parallel_loop3A_107 {offsets = [11], sizes = [1], strides = [1]} : vector<16xi32> to vector<1xi32>
      %parallel_loop3A_269 = vector.extract %parallel_loop3A_268[0] : i32 from vector<1xi32>
      %parallel_loop3A_270 = arith.constant 3 : i32
      %parallel_loop3A_271 = arith.index_cast %parallel_loop3A_270 : i32 to index
      %parallel_loop3A_272 = arith.index_cast %parallel_loop3A_269 : i32 to index
      %parallel_loop3A_273 = arith.constant 0 : index
      %parallel_loop3A_274 = tpu.vector_load %arg5[%parallel_loop3A_271, %parallel_loop3A_272, %parallel_loop3A_273] {strides = array<i32>} : memref<8x362x32xf32, #tpu.memory_space<vmem>>, vector<16xf32>,
      %parallel_loop3A_275 = arith.constant 3 : i32
      %parallel_loop3A_276 = arith.index_cast %parallel_loop3A_275 : i32 to index
      %parallel_loop3A_277 = arith.index_cast %parallel_loop3A_269 : i32 to index
      %parallel_loop3A_278 = arith.constant 16 : index
      %parallel_loop3A_279 = tpu.vector_load %arg5[%parallel_loop3A_276, %parallel_loop3A_277, %parallel_loop3A_278] {strides = array<i32>} : memref<8x362x32xf32, #tpu.memory_space<vmem>>, vector<16xf32>,
      %parallel_loop3A_280 = vector.extract_strided_slice %parallel_loop3A_107 {offsets = [12], sizes = [1], strides = [1]} : vector<16xi32> to vector<1xi32>
      %parallel_loop3A_281 = vector.extract %parallel_loop3A_280[0] : i32 from vector<1xi32>
      %parallel_loop3A_282 = arith.constant 4 : i32
      %parallel_loop3A_283 = arith.index_cast %parallel_loop3A_282 : i32 to index
      %parallel_loop3A_284 = arith.index_cast %parallel_loop3A_281 : i32 to index
      %parallel_loop3A_285 = arith.constant 0 : index
      %parallel_loop3A_286 = tpu.vector_load %arg5[%parallel_loop3A_283, %parallel_loop3A_284, %parallel_loop3A_285] {strides = array<i32>} : memref<8x362x32xf32, #tpu.memory_space<vmem>>, vector<16xf32>,
      %parallel_loop3A_287 = arith.constant 4 : i32
      %parallel_loop3A_288 = arith.index_cast %parallel_loop3A_287 : i32 to index
      %parallel_loop3A_289 = arith.index_cast %parallel_loop3A_281 : i32 to index
      %parallel_loop3A_290 = arith.constant 16 : index
      %parallel_loop3A_291 = tpu.vector_load %arg5[%parallel_loop3A_288, %parallel_loop3A_289, %parallel_loop3A_290] {strides = array<i32>} : memref<8x362x32xf32, #tpu.memory_space<vmem>>, vector<16xf32>,
      %parallel_loop3A_292 = vector.extract_strided_slice %parallel_loop3A_107 {offsets = [13], sizes = [1], strides = [1]} : vector<16xi32> to vector<1xi32>
      %parallel_loop3A_293 = vector.extract %parallel_loop3A_292[0] : i32 from vector<1xi32>
      %parallel_loop3A_294 = arith.constant 5 : i32
      %parallel_loop3A_295 = arith.index_cast %parallel_loop3A_294 : i32 to index
      %parallel_loop3A_296 = arith.index_cast %parallel_loop3A_293 : i32 to index
      %parallel_loop3A_297 = arith.constant 0 : index
      %parallel_loop3A_298 = tpu.vector_load %arg5[%parallel_loop3A_295, %parallel_loop3A_296, %parallel_loop3A_297] {strides = array<i32>} : memref<8x362x32xf32, #tpu.memory_space<vmem>>, vector<16xf32>,
      %parallel_loop3A_299 = arith.constant 5 : i32
      %parallel_loop3A_300 = arith.index_cast %parallel_loop3A_299 : i32 to index
      %parallel_loop3A_301 = arith.index_cast %parallel_loop3A_293 : i32 to index
      %parallel_loop3A_302 = arith.constant 16 : index
      %parallel_loop3A_303 = tpu.vector_load %arg5[%parallel_loop3A_300, %parallel_loop3A_301, %parallel_loop3A_302] {strides = array<i32>} : memref<8x362x32xf32, #tpu.memory_space<vmem>>, vector<16xf32>,
      %parallel_loop3A_304 = vector.extract_strided_slice %parallel_loop3A_107 {offsets = [14], sizes = [1], strides = [1]} : vector<16xi32> to vector<1xi32>
      %parallel_loop3A_305 = vector.extract %parallel_loop3A_304[0] : i32 from vector<1xi32>
      %parallel_loop3A_306 = arith.constant 6 : i32
      %parallel_loop3A_307 = arith.index_cast %parallel_loop3A_306 : i32 to index
      %parallel_loop3A_308 = arith.index_cast %parallel_loop3A_305 : i32 to index
      %parallel_loop3A_309 = arith.constant 0 : index
      %parallel_loop3A_310 = tpu.vector_load %arg5[%parallel_loop3A_307, %parallel_loop3A_308, %parallel_loop3A_309] {strides = array<i32>} : memref<8x362x32xf32, #tpu.memory_space<vmem>>, vector<16xf32>,
      %parallel_loop3A_311 = arith.constant 6 : i32
      %parallel_loop3A_312 = arith.index_cast %parallel_loop3A_311 : i32 to index
      %parallel_loop3A_313 = arith.index_cast %parallel_loop3A_305 : i32 to index
      %parallel_loop3A_314 = arith.constant 16 : index
      %parallel_loop3A_315 = tpu.vector_load %arg5[%parallel_loop3A_312, %parallel_loop3A_313, %parallel_loop3A_314] {strides = array<i32>} : memref<8x362x32xf32, #tpu.memory_space<vmem>>, vector<16xf32>,
      %parallel_loop3A_316 = vector.extract_strided_slice %parallel_loop3A_107 {offsets = [15], sizes = [1], strides = [1]} : vector<16xi32> to vector<1xi32>
      %parallel_loop3A_317 = vector.extract %parallel_loop3A_316[0] : i32 from vector<1xi32>
      %parallel_loop3A_318 = arith.constant 7 : i32
      %parallel_loop3A_319 = arith.index_cast %parallel_loop3A_318 : i32 to index
      %parallel_loop3A_320 = arith.index_cast %parallel_loop3A_317 : i32 to index
      %parallel_loop3A_321 = arith.constant 0 : index
      %parallel_loop3A_322 = tpu.vector_load %arg5[%parallel_loop3A_319, %parallel_loop3A_320, %parallel_loop3A_321] {strides = array<i32>} : memref<8x362x32xf32, #tpu.memory_space<vmem>>, vector<16xf32>,
      %parallel_loop3A_323 = arith.constant 7 : i32
      %parallel_loop3A_324 = arith.index_cast %parallel_loop3A_323 : i32 to index
      %parallel_loop3A_325 = arith.index_cast %parallel_loop3A_317 : i32 to index
      %parallel_loop3A_326 = arith.constant 16 : index
      %parallel_loop3A_327 = tpu.vector_load %arg5[%parallel_loop3A_324, %parallel_loop3A_325, %parallel_loop3A_326] {strides = array<i32>} : memref<8x362x32xf32, #tpu.memory_space<vmem>>, vector<16xf32>,
      %parallel_loop3A_328 = arith.addf %parallel_loop3A_238, %parallel_loop3A_250 : vector<16xf32>
      %parallel_loop3A_329 = arith.addf %parallel_loop3A_262, %parallel_loop3A_274 : vector<16xf32>
      %parallel_loop3A_330 = arith.addf %parallel_loop3A_328, %parallel_loop3A_329 : vector<16xf32>
      %parallel_loop3A_331 = arith.addf %parallel_loop3A_286, %parallel_loop3A_298 : vector<16xf32>
      %parallel_loop3A_332 = arith.addf %parallel_loop3A_310, %parallel_loop3A_322 : vector<16xf32>
      %parallel_loop3A_333 = arith.addf %parallel_loop3A_331, %parallel_loop3A_332 : vector<16xf32>
      %parallel_loop3A_334 = arith.addf %parallel_loop3A_330, %parallel_loop3A_333 : vector<16xf32>
      %parallel_loop3A_335 = arith.addf %parallel_loop3A_243, %parallel_loop3A_255 : vector<16xf32>
      %parallel_loop3A_336 = arith.addf %parallel_loop3A_267, %parallel_loop3A_279 : vector<16xf32>
      %parallel_loop3A_337 = arith.addf %parallel_loop3A_335, %parallel_loop3A_336 : vector<16xf32>
      %parallel_loop3A_338 = arith.addf %parallel_loop3A_291, %parallel_loop3A_303 : vector<16xf32>
      %parallel_loop3A_339 = arith.addf %parallel_loop3A_315, %parallel_loop3A_327 : vector<16xf32>
      %parallel_loop3A_340 = arith.addf %parallel_loop3A_338, %parallel_loop3A_339 : vector<16xf32>
      %parallel_loop3A_341 = arith.addf %parallel_loop3A_337, %parallel_loop3A_340 : vector<16xf32>
      %parallel_loop3A_342 = arith.index_cast %parallel_loop3A_231 : i32 to index
      %parallel_loop3A_343 = arith.constant 0 : index
      %parallel_loop3A_344 = tpu.vector_load %arg9[%parallel_loop3A_342, %parallel_loop3A_343] {strides = array<i32>} : memref<256x32xf32, #tpu.memory_space<vmem>>, vector<16xf32>,
      tpu.vector_store %arg9[%parallel_loop3A_342, %parallel_loop3A_343], %parallel_loop3A_334 {strides = array<i32>} : memref<256x32xf32, #tpu.memory_space<vmem>>, vector<16xf32>,
      %parallel_loop3A_345 = arith.index_cast %parallel_loop3A_231 : i32 to index
      %parallel_loop3A_346 = arith.constant 16 : index
      %parallel_loop3A_347 = tpu.vector_load %arg9[%parallel_loop3A_345, %parallel_loop3A_346] {strides = array<i32>} : memref<256x32xf32, #tpu.memory_space<vmem>>, vector<16xf32>,
      tpu.vector_store %arg9[%parallel_loop3A_345, %parallel_loop3A_346], %parallel_loop3A_341 {strides = array<i32>} : memref<256x32xf32, #tpu.memory_space<vmem>>, vector<16xf32>,
    } {sc.loop_unroll_factor = 3 : i64, sc.parallel_access}
    %mul3A_89 = arith.constant 1024 : i32
    %mul3A_90 = arith.muli %arg1, %mul3A_89 : i32
    %add3A_91 = arith.constant 768 : i32
    %add3A_92 = arith.addi %mul3A_90, %add3A_91 : i32
    %mul3A_93 = arith.constant 32 : i32
    %mul3A_94 = arith.muli %arg0, %mul3A_93 : i32
    %dma_start3A_95 = tpu.memref_slice %arg4[%add3A_92, %mul3A_94] : memref<16384x64xf32, #tpu.memory_space<hbm>> -> memref<256x32xf32, #tpu.memory_space<hbm>>
    %dma_start3A_96 = tpu.memref_slice %arg4[%add3A_92, %mul3A_94] : memref<16384x64xf32, #tpu.memory_space<hbm>> -> memref<256x32xf32, #tpu.memory_space<hbm>>
    tpu.enqueue_dma source(%arg9 : memref<256x32xf32, #tpu.memory_space<vmem>>) target(%dma_start3A_96 : memref<256x32xf32, #tpu.memory_space<hbm>>) target_semaphore(%arg14 : memref<!tpu.dma_semaphore, #tpu.memory_space<semaphore_mem>>)
    %dma_wait3A_97 = tpu.memref_slice %arg4[%add3A_77, %mul3A_79] : memref<16384x64xf32, #tpu.memory_space<hbm>> -> memref<256x32xf32, #tpu.memory_space<hbm>>
    %dma_wait3A_98 = tpu.memref_slice %arg4[%add3A_77, %mul3A_79] : memref<16384x64xf32, #tpu.memory_space<hbm>> -> memref<256x32xf32, #tpu.memory_space<hbm>>
    tpu.wait_dma2 semaphore(%arg13 : memref<!tpu.dma_semaphore, #tpu.memory_space<semaphore_mem>>) src(%arg8 : memref<256x32xf32, #tpu.memory_space<vmem>>) dst(%dma_wait3A_98 : memref<256x32xf32, #tpu.memory_space<hbm>>)
    %dma_wait3A_99 = tpu.memref_slice %arg4[%add3A_92, %mul3A_94] : memref<16384x64xf32, #tpu.memory_space<hbm>> -> memref<256x32xf32, #tpu.memory_space<hbm>>
    %dma_wait3A_100 = tpu.memref_slice %arg4[%add3A_92, %mul3A_94] : memref<16384x64xf32, #tpu.memory_space<hbm>> -> memref<256x32xf32, #tpu.memory_space<hbm>>
    tpu.wait_dma2 semaphore(%arg14 : memref<!tpu.dma_semaphore, #tpu.memory_space<semaphore_mem>>) src(%arg9 : memref<256x32xf32, #tpu.memory_space<vmem>>) dst(%dma_wait3A_100 : memref<256x32xf32, #tpu.memory_space<hbm>>)
    return
  }
}

</mosaic_0001>

<sc_bundles>
// kernel: _run.3.cloned.1.call-start
scs
__scs_entry_jumppad:
0x0: {  	(pc) =	sbr.rel $0x88, $3  }
0x1: {  	(tag) =	ssettag $0x0;
	lr =	simm.s32 $0x1  }
0x2: {  	[smem:$0x3F9F] =	sst lr;
	_ =	strace $0xD0000000  }
0x3: {  	_ = 	snop  }
0x4: {  	_ = 	snop  }
0x5: {  	_ = 	snop  }
0x6: {  	_ = 	snop  }
0x7: {  	_ = 	snop  }
__scs_overlays_trampoline_lowered:
0x8: {  	[smem:$0x3FAE] =	sst s0  }
0x9: {  	[smem:$0x3FAF] =	sst s1  }
0xa: {  	[smem:$0x3FB0] =	sst s2  }
0xb: {  	[smem:$0x3FB1] =	sst s3  }
0xc: {  	[smem:$0x3FB2] =	sst s4  }
0xd: {  	[smem:$0x3FB3] =	sst s5  }
0xe: {  	[smem:$0x3FB4] =	sst s6  }
0xf: {  	[smem:$0x3FB5] =	sst s7  }
0x10: {  	[smem:$0x3FB6] =	sst s8  }
0x11: {  	[smem:$0x3FB7] =	sst s9;
	s0 =	simm.s32 @!p0 $0x0  }
0x12: {  	s1 =	sld [smem:$0x3F9D];
	s0 =	simm.s32 @p0 $0x1  }
0x13: {  	[smem:$0x3FB8] =	sst s0;
	s0 =	simm.s32 @!p1 $0x0  }
0x14: {  	s2 =	sld [smem:$0x3F9C];
	s0 =	simm.s32 @p1 $0x1  }
0x15: {  	[smem:$0x3FB9] =	sst s0;
	s0 =	simm.s32 @!p2 $0x0  }
0x16: {  	s3 =	sld [smem:$0x3FDB];
	s0 =	simm.s32 @p2 $0x1  }
0x17: {  	s4 =	simm.s32 $0x1BF5;
	[smem:$0x3FBB] =	sst s0  }
0x18: {  	s0 =	sld [smem:$0x3F9E];
	_ =	swait.ge [sflag:s4], $0x0  }
0x19: {  	s7 =	sld [smem:$0x3F9F]  }
0x1a: {  	s8 =	sadd.s32 $0xFFFFE003, lr  }
0x1b: {  	s9 =	sadd.s32 $0xFFFFFEF7, lr;
	s5 =	simm.s32 $0xFFFFFFFF;
	p2 =	slt.u32 s8, $0xFFFFF086  }
0x1c: {  	p1 =	slt.u32 s9, $0xF7A;
	s5 =	simm.s32 @!p2 $0x0  }
0x1d: {  	s5 =	simm.s32 @p1 $0x1;
	p0 =	seq.s32 s7, s2  }
0x1e: {  	s7 =	smul.u32 @!p0 $0xF7A, s2;
	p2 =	seq.s32 @!p0 s5, $0x0  }
0x1f: {  	s9 =	smul.u32 $0xF7A, s1;
	s8 =	simm.s32 @!p0 $0x1BF5;
	p2 =	por !p2, p0  }
0x20: {  	[sflag:s8] =	ssyncset.s32 @!p0 $0xFFFFF086;
	s6 =	sadd.s32 @!p0 s3, s7;
	s7 =	simm.s32 @!p0 $0x108  }
0x21: {  	s3 =	sadd.s32 s3, s9;
	s6 =	sadd.s32 @!p0 $0x88, s6;
	s7 =	simm.s32 @p2 $0x1082  }
0x22: {  	[simem:s7], [sflag:s8] =	dma.local @!p0 [hbm:s6], $0xF7A  }
0x23: {  	s9 =	sor.u32 $0xD0000000, s2;
	s6 =	simm.s32 $0x108;
	_ =	swait.ge @!p0 [sflag:s8], $0x0  }
0x24: {  	s3 =	sadd.s32 $0x88, s3;
	s6 =	simm.s32 @!p1 $0x1082;
	[sflag:s4] =	ssyncset.s32 $0xFFFFF086  }
0x25: {  	[simem:s6], [sflag:s4] =	dma.local [hbm:s3], $0xF7A  }
0x26: {  	[smem:$0x3F9F] =	sst s1;
	(tag) =	ssettag s2;
	_ =	strace s9  }
0x27: {  	s1 =	sld [smem:$0x3FAF]  }
0x28: {  	s2 =	sld [smem:$0x3FB0]  }
0x29: {  	s4 =	sld [smem:$0x3FB2]  }
0x2a: {  	p0 =	seq.s32 s5, $0x0;
	s5 =	sld [smem:$0x3FB3]  }
0x2b: {  	s6 =	sld [smem:$0x3FB4]  }
0x2c: {  	s7 =	sld [smem:$0x3FB5]  }
0x2d: {  	s3 =	simm.s32 $0x108;
	s8 =	sld [smem:$0x3FB6]  }
0x2e: {  	s3 =	simm.s32 @!p0 $0x1082;
	s9 =	sld [smem:$0x3FB7]  }
0x2f: {  	lr =	sadd.s32 s0, s3;
	s0 =	sld [smem:$0x3FAE]  }
0x30: {  	s3 =	sld [smem:$0x3FB1]  }
0x31: {  	[smem:$0x3FBA] =	sst s10  }
0x32: {  	s10 =	sld [smem:$0x3FB8];
	_ =	sdelay $0x3  }
0x33: {  	p0 =	seq.s32 s10, $0x1;
	s10 =	sld [smem:$0x3FBA];
	_ =	sdelay $0x3  }
0x34: {  	[smem:$0x3FBA] =	sst s10  }
0x35: {  	s10 =	sld [smem:$0x3FB9];
	_ =	sdelay $0x3  }
0x36: {  	p1 =	seq.s32 s10, $0x1;
	s10 =	sld [smem:$0x3FBA];
	_ =	sdelay $0x3  }
0x37: {  	[smem:$0x3FBA] =	sst s10  }
0x38: {  	s10 =	sld [smem:$0x3FBB]  }
0x39: {  	_ = 	snop;
	(pc) =	sbr.ind lr, $3  }
0x3a: {  	_ = 	snop  }
0x3b: {  	_ = 	snop  }
0x3c: {  	p2 =	seq.s32 s10, $0x1;
	s10 =	sld [smem:$0x3FBA]  }
0x3d: {  	_ =	shalt  }
0x3e: {  	_ =	shalt  }
0x3f: {  	_ =	shalt  }
0x40: {  	_ =	shalt  }
0x41: {  	_ =	shalt  }
0x42: {  	_ =	shalt  }
0x43: {  	_ =	shalt  }
0x44: {  	_ =	shalt  }
0x45: {  	_ =	shalt  }
0x46: {  	_ =	shalt  }
0x47: {  	_ =	shalt  }
0x48: {  	_ =	shalt  }
0x49: {  	_ =	shalt  }
0x4a: {  	_ =	shalt  }
0x4b: {  	_ =	shalt  }
0x4c: {  	_ =	shalt  }
0x4d: {  	_ =	shalt  }
0x4e: {  	_ =	shalt  }
0x4f: {  	_ =	shalt  }
0x50: {  	_ =	shalt  }
0x51: {  	_ =	shalt  }
0x52: {  	_ =	shalt  }
0x53: {  	_ =	shalt  }
0x54: {  	_ =	shalt  }
0x55: {  	_ =	shalt  }
0x56: {  	_ =	shalt  }
0x57: {  	_ =	shalt  }
0x58: {  	_ =	shalt  }
0x59: {  	_ =	shalt  }
0x5a: {  	_ =	shalt  }
0x5b: {  	_ =	shalt  }
0x5c: {  	_ =	shalt  }
0x5d: {  	_ =	shalt  }
0x5e: {  	_ =	shalt  }
0x5f: {  	_ =	shalt  }
0x60: {  	_ =	shalt  }
0x61: {  	_ =	shalt  }
0x62: {  	_ =	shalt  }
0x63: {  	_ =	shalt  }
0x64: {  	_ =	shalt  }
0x65: {  	_ =	shalt  }
0x66: {  	_ =	shalt  }
0x67: {  	_ =	shalt  }
0x68: {  	_ =	shalt  }
0x69: {  	_ =	shalt  }
0x6a: {  	_ =	shalt  }
0x6b: {  	_ =	shalt  }
0x6c: {  	_ =	shalt  }
0x6d: {  	_ =	shalt  }
0x6e: {  	_ =	shalt  }
0x6f: {  	_ =	shalt  }
0x70: {  	_ =	shalt  }
0x71: {  	_ =	shalt  }
0x72: {  	_ =	shalt  }
0x73: {  	_ =	shalt  }
0x74: {  	_ =	shalt  }
0x75: {  	_ =	shalt  }
0x76: {  	_ =	shalt  }
0x77: {  	_ =	shalt  }
0x78: {  	_ =	shalt  }
0x79: {  	_ =	shalt  }
0x7a: {  	_ =	shalt  }
0x7b: {  	_ =	shalt  }
0x7c: {  	_ =	shalt  }
0x7d: {  	_ =	shalt  }
0x7e: {  	_ =	shalt  }
0x7f: {  	_ =	shalt  }
0x80: {  	_ =	shalt  }
0x81: {  	_ =	shalt  }
0x82: {  	_ =	shalt  }
0x83: {  	_ =	shalt  }
0x84: {  	_ =	shalt  }
0x85: {  	_ =	shalt  }
0x86: {  	_ =	shalt  }
0x87: {  	_ =	shalt  }
.Lfunc_end0:
.L_simem_size_0:
called_computation_lowered:
.L_overlay_start_0:
0x88: {  	s2 =	sld [smem:$0x3FD9]  }
0x89: {  	s3 =	sld [smem:$0x3FFE];
	_ =	sdelay $0x1  }
0x8a: {  	s1 =	srdreg.scid  }
0x8b: {  	s0 =	sand.u32 $0x1, s1  }
0x8c: {  	s17 =	sshll.u32 s0, $0xA;
	s2 =	sadd.s32 s3, s2  }
0x8d: {  	s2 =	sadd.s32 s2, s17  }
0x8e: {  	[smem:$0x3FC6] =	sst s2  }
0x8f: {  	_ = 	snop  }
0x90: {  	s2 =	sld [smem:$0x3FC9]  }
0x91: {  	s18 =	sld [smem:$0x3FD0];
	(tm) =	ssettm $0x1  }
0x92: {  	s4 =	sld [smem:$0x3FFB];
	_ =	sdelay $0x3  }
0x93: {  	_ =	strace s4  }
0x94: {  	s4 =	sld [smem:$0x3FFC];
	_ =	sdelay $0x3  }
0x95: {  	_ =	strace s4  }
0x96: {  	s4 =	sld [smem:$0x3FFD];
	_ =	sdelay $0x3  }
0x97: {  	_ =	strace s4  }
0x98: {  	_ =	strace $0x8FFFFFFF  }
0x99: {  	s19 =	sld [smem:$0x3FDB];
	_ =	sdelay $0x1  }
0x9a: {  	s5 =	simm.s32 $_scs_section_size  }
0x9b: {  	s6 =	simm.s32 $_size__tile_overlayer_lowered;
	s7 =	simm.s32 $_tile_overlayer_lowered  }
0x9c: {  	s22 =	simm.s32 $0x1BFF;
	s21 =	sshll.u32 s7, $0x1;
	s4 =	sadd.s32 s5, s19  }
0x9d: {  	s8 =	simm.s32 $0x0;
	s20 =	sshll.u32 s6, $0x1;
	s6 =	sadd.s32 s21, s4  }
0x9e: {  	[timem:s8], [sflag:s22] =	dma.local [hbm:s6], s20  }
0x9f: {  	_ =	swait.ge [sflag:s22], s20  }
0xa0: {  	s5 =	ssub.s32 $0x0, s20;
	[sflag:s22] =	ssyncset.done $0x0  }
0xa1: {  	[sflag:s22] =	ssyncadd.s32 s5;
	_ =	sdelay $0x1  }
0xa2: {  	s23 =	simm.s32 $0x1B8B  }
0xa3: {  	_ =	swait.ge [sflag:s23], $0x1  }
0xa4: {  	[sflag:s23] =	ssyncset.done $0x0  }
0xa5: {  	s25 =	simm.s32 $0x1B8E;
	s24 =	sld [smem:$0x3FFE];
	[sflag:s23] =	ssyncadd.s32 $0xFFFFFFFF  }
0xa6: {  	s26 =	simm.s32 $execute0_lowered;
	[smem:$0x3FD2] =	sst s25  }
0xa7: {  	s6 =	sshll.u32 s26, $0x1;
	_ =	strace $0x80000046;
	[dreg:$0x1] =	wrdreg $0xFFFFFFFF  }
0xa8: {  	s28 =	simm.s32 $_size_execute0_lowered;
	s4 =	sadd.s32 s4, s6;
	[dreg:$0x0] =	wrdreg $0x0  }
0xa9: {  	s6 =	sshll.u32 s28, $0x1;
	[dreg:$0x2] =	wrdreg s4  }
0xaa: {  	[dreg:$0x3] =	wrdreg s6  }
0xab: {  	[dreg:$0x4] =	wrdreg $0xC0  }
0xac: {  	_ =	task [dreg:s8], $0x5FFFF  }
0xad: {  	[dreg:$0x1] =	wrdreg $0xFFFFFFFF  }
0xae: {  	[dreg:$0x0] =	wrdreg $0x60  }
0xaf: {  	[dreg:$0x2] =	wrdreg s2  }
0xb0: {  	[dreg:$0x3] =	wrdreg s24  }
0xb1: {  	[dreg:$0x4] =	wrdreg s18  }
0xb2: {  	[dreg:$0x5] =	wrdreg $0x9  }
0xb3: {  	_ =	task.clear_ibuf [dreg:s8], $0x6FFFF;
	_ =	strace $0x90000046  }
0xb4: {  	s29 =	simm.s32 $0x9;
	_ =	strace $0x80000048  }
0xb5: {  	_ =	swait.ge [sflag:s29], $0x1  }
0xb6: {  	[sflag:s29] =	ssyncadd.s32 $0xFFFFFFFF  }
0xb7: {  	_ =	strace $0x90000048  }
0xb8: {  	_ =	sfence  }
0xb9: {  	s30 =	sld [smem:$0x0];
	_ =	sdelay $0x2  }
0xba: {  	s31 =	sshll.u32 s1, $0xD;
	s1 =	sshrl.u32 s1, $0x2  }
0xbb: {  	s3 =	sand.u32 $0x4000, s31;
	s1 =	sadd.s32 s1, s30  }
0xbc: {  	s0 =	sor.u32 s3, s0;
	s1 =	sshll.u32 s1, $0x11  }
0xbd: {  	s0 =	sor.u32 s1, s0  }
0xbe: {  	s0 =	sadd.s32 $0x8F2B, s0  }
0xbf: {  	[sflag:s0] =	ssyncadd.remote.s32 $0x1  }
0xc0: {  	_ =	sfence.sel $0xFFFF  }
0xc1: {  	[dreg:$0x0] =	wrdreg $0xFFFFFFFF;
	(pc) =	sbr.abs _section_cstart, $3  }
0xc2: {  	[dreg:$0x1] =	wrdreg $0xFFFFFFFF  }
0xc3: {  	_ =	task.clear_ibuf [dreg:s8], $0x2FFFF;
	_ =	strace $0x9FFFFFFF  }
0xc4: {  	(tm) =	ssettm $0x7FFFFFFF  }
0xc5: {  	_ =	shalt  }
tec
execute0_lowered:
.L_overlay_start_1:
0x0: {  	(tag) =	ssettag $0x1  }
0x1: {  	s0 =	rddreg [dreg:$0x0]  }
0x2: {  	s1 =	rddreg [dreg:$0x1]  }
0x3: {  	s2 =	rddreg [dreg:$0x2]  }
0x4: {  	s3 =	srdreg.scid;
	s4 =	simm.s32 $0x0;
	s7 =	stileid.u32  }
0x5: {  	s3 =	sand.u32 $0x1, s3;
	[smem:$0x7FF] =	sst s4;
	s18 =	sshll.u32 s7, $0xA  }
0x6: {  	s19 =	sshll.u32 s7, $0x10;
	s17 =	ssub.s32 $0x2, s3;
	_ =	strace $0x80000047  }
0x7: {  	s5 =	sshll.u32 s3, $0x2;
	s3 =	sshll.u32 s3, $0x5;
	s20 =	sor.u32 $0x100, s18  }
0x8: {  	s21 =	sadd.s32 s0, s18;
	s23 =	sor.u32 $0x200, s18;
	s6 =	sshrl.u32 s17, $0x1  }
0x9: {  	s1 =	sadd.s32 s5, s1;
	[dreg:$0x5] =	wrdreg s21;
	s22 =	sadd.s32 s0, s20  }
0xa: {  	s24 =	sadd.s32 s0, s23;
	s5 =	sor.u32 $0x300, s18;
	s4 =	ssub.s32 s17, s6  }
0xb: {  	s1 =	sadd.s32 $0x400, s1;
	s6 =	sor.u32 s3, s19;
	[dreg:$0x6] =	wrdreg s22  }
0xc: {  	[dreg:$0x8] =	wrdreg s24;
	s25 =	sshll.u32 s5, $0x6;
	s0 =	sadd.s32 s0, s5  }
0xd: {  	s22 =	simm.s32 $0x4;
	s24 =	simm.s32 $0x0;
	[dreg:$0x4] =	wrdreg s1  }
0xe: {  	s6 =	sshrl.u32 s6, $0x3;
	s1 =	sshll.u32 s20, $0x6;
	[dreg:$0xa] =	wrdreg s0  }
0xf: {  	s31 =	smax.u32 s4, $0x1;
	s20 =	simm.s32 $0x3;
	s6 =	sadd.s32 s2, s6  }
0x10: {  	s1 =	sor.u32 s3, s1;
	[dreg:$0x7] =	wrdreg s6;
	s6 =	sshll.u32 s23, $0x6  }
0x11: {  	[dreg:$0xd] =	wrdreg s31;
	s1 =	sshrl.u32 s1, $0x3;
	s26 =	sor.u32 s3, s6  }
0x12: {  	s1 =	sadd.s32 s2, s1;
	s3 =	sor.u32 s3, s25;
	s28 =	sshrl.u32 s26, $0x3  }
0x13: {  	[dreg:$0x9] =	wrdreg s1;
	s29 =	sshrl.u32 s3, $0x3;
	s0 =	sadd.s32 s2, s28  }
0x14: {  	s23 =	simm.s32 $0x5;
	s30 =	sadd.s32 s2, s29;
	[dreg:$0xb] =	wrdreg s0  }
0x15: {  	s3 =	simm.s32 $0x40;
	s2 =	simm.s32 $0x20;
	[dreg:$0xc] =	wrdreg s30  }
.LBB2_1:
0x16: {  	s0 =	simm.s32 $0x0;
	s1 =	rddreg [dreg:$0x4]  }
0x17: {  	[tilespmem:s0], [sflag:$0x1] =	stream.strided.gather [hbm4b:s1+s2], $0x16A00, s3, s2, $0x38;
	[tilespmem:$0x1BA00] =	vst v63  }
0x18: {  	s8 =	rddreg [dreg:$0x5];
	s9 =	simm.s32 $0x16A00  }
0x19: {  	[tilespmem:s9], [sflag:$0x2] =	stream.linear.gather [hbm4b:s8+s0], $0x800, $0x38;
	[tilespmem:$0x1BA00] =	vst v63  }
0x1a: {  	s10 =	rddreg [dreg:$0x6];
	s11 =	simm.s32 $0x17200;
	s12 =	simm.s32 $0x1  }
0x1b: {  	[tilespmem:s11], [sflag:$0x3] =	stream.linear.gather [hbm4b:s10+s0], $0x800, $0x38;
	[tilespmem:$0x1BA00] =	vst v63  }
0x1c: {  	_ =	swait.ge [sflag:s12], $0x16A00  }
0x1d: {  	[sflag:s12] =	ssyncset.done $0x0  }
0x1e: {  	s13 =	simm.s32 $0x2;
	[sflag:s12] =	ssyncadd.s32 $0xFFFE9600  }
0x1f: {  	_ =	swait.ge [sflag:s13], $0x800  }
0x20: {  	[sflag:s13] =	ssyncset.done $0x0  }
0x21: {  	s14 =	simm.s32 $0x16A10;
	[sflag:s13] =	ssyncadd.s32 $0xFFFFF800  }
0x22: {  	v0 =	vld [tilespmem:s14+$0x10];
	_ =	sdelay $0x1  }
0x23: {  	v1 =	vld [tilespmem:s14+$0x0];
	_ =	sdelay $0x2  }
0x24: {  	v2 =	vld [tilespmem:s14+$0xFFFFFFF0];
	v0 =	vshll.u32 v0, $0x7  }
0x25: {  	v3 =	vshra.s32 v0, $0x2  }
0x26: {  	v1 =	vshll.u32 v1, $0x7;
	(v2sf) =	vpush v3, $0x0  }
0x27: {  	v0 =	vshra.s32 v1, $0x2  }
0x28: {  	(v2sf) =	vpush v0, $0x0  }
0x29: {  	v1 =	vshll.u32 v2, $0x7;
	(v2sf) =	vpush v3, $0x1  }
0x2a: {  	v1 =	vshra.s32 v1, $0x2  }
0x2b: {  	(v2sf) =	vpush v1, $0x0;
	_ =	sdelay $0x1  }
0x2c: {  	(v2sf) =	vpush v3, $0x2;
	_ =	sdelay $0x1  }
0x2d: {  	(v2sf) =	vpush v1, $0x1  }
0x2e: {  	(v2sf) =	vpush v3, $0x3;
	_ =	sdelay $0x1  }
0x2f: {  	(v2sf) =	vpush v1, $0x2  }
0x30: {  	(v2sf) =	vpush v3, $0x4  }
0x31: {  	(v2sf) =	vpush v1, $0x3  }
0x32: {  	(v2sf) =	vpush v3, $0x5;
	s15 =	spop (v2sf)  }
0x33: {  	v2 =	vld [tilespmem:s15+$0x0]  }
0x34: {  	s0 =	spop (v2sf);
	v4 =	vld [tilespmem:s15+$0x10]  }
0x35: {  	(v2sf) =	vpush v1, $0x4;
	s16 =	spop (v2sf);
	v48 =	vld [tilespmem:s0+$0x0]  }
0x36: {  	(v2sf) =	vpush v3, $0x6;
	v5 =	vld [tilespmem:s16+$0x2D40]  }
0x37: {  	s17 =	spop (v2sf);
	v6 =	vld [tilespmem:s16+$0x2D50]  }
0x38: {  	(v2sf) =	vpush v3, $0x7;
	v19 =	vld [tilespmem:s17+$0x0]  }
0x39: {  	(v2sf) =	vpush v1, $0x5;
	s18 =	spop (v2sf);
	v20 =	vld [tilespmem:s17+$0x10]  }
0x3a: {  	(v2sf) =	vpush v1, $0x6;
	v7 =	vld [tilespmem:s18+$0x5A80]  }
0x3b: {  	s19 =	spop (v2sf);
	v8 =	vld [tilespmem:s18+$0x5A90]  }
0x3c: {  	(v2sf) =	vpush v1, $0x7;
	s21 =	spop (v2sf);
	v39 =	vld [tilespmem:s19+$0x2D50]  }
0x3d: {  	(v2sf) =	vpush v0, $0x1;
	v9 =	vld [tilespmem:s21+$0x87C0]  }
0x3e: {  	(v2sf) =	vpush v0, $0x2;
	s4 =	spop (v2sf);
	v10 =	vld [tilespmem:s21+$0x87D0]  }
0x3f: {  	s25 =	spop (v2sf);
	v41 =	vld [tilespmem:s4+$0x5A90]  }
0x40: {  	v11 =	vld [tilespmem:s25+$0xB500];
	s10 =	spop (v2sf)  }
0x41: {  	(v2sf) =	vpush v0, $0x3;
	v12 =	vld [tilespmem:s25+$0xB510];
	s26 =	spop (v2sf)  }
0x42: {  	(v2sf) =	vpush v0, $0x4;
	v13 =	vld [tilespmem:s26+$0xE240]  }
0x43: {  	(v2sf) =	vpush v0, $0x5;
	v14 =	vld [tilespmem:s26+$0xE250]  }
0x44: {  	v2 =	vadd.f32 v5, v2;
	s11 =	spop (v2sf);
	v5 =	vadd.f32 v9, v7;
	v7 =	vld [tilespmem:s19+$0x2D40]  }
0x45: {  	v4 =	vadd.f32 v6, v4;
	s30 =	spop (v2sf);
	v6 =	vadd.f32 v10, v8;
	v8 =	vld [tilespmem:s4+$0x5A80]  }
0x46: {  	(v2sf) =	vpush v0, $0x6;
	v15 =	vld [tilespmem:s30+$0x10F80]  }
0x47: {  	(v2sf) =	vpush v0, $0x7;
	s5 =	spop (v2sf);
	v17 =	vld [tilespmem:s30+$0x10F90]  }
0x48: {  	(v2sf) =	vpush v1, $0x8;
	v16 =	vld [tilespmem:s5+$0x13CC0];
	s12 =	spop (v2sf)  }
0x49: {  	(v2sf) =	vpush v3, $0x8;
	v18 =	vld [tilespmem:s5+$0x13CD0];
	s13 =	spop (v2sf)  }
0x4a: {  	(v2sf) =	vpush v3, $0x9;
	v42 =	vld [tilespmem:s13+$0x10F80]  }
0x4b: {  	(v2sf) =	vpush v3, $0xA;
	s9 =	spop (v2sf);
	v43 =	vld [tilespmem:s13+$0x10F90]  }
0x4c: {  	(v2sf) =	vpush v3, $0xB;
	s8 =	spop (v2sf);
	v47 =	vld [tilespmem:s9+$0x13CD0]  }
0x4d: {  	v9 =	vadd.f32 v13, v11;
	v11 =	vadd.f32 v16, v15;
	s7 =	spop (v2sf);
	v49 =	vld [tilespmem:s8+$0x2D40]  }
0x4e: {  	v10 =	vadd.f32 v14, v12;
	v40 =	vadd.f32 v18, v17;
	v50 =	vld [tilespmem:s7+$0x5A80]  }
0x4f: {  	v2 =	vadd.f32 v5, v2;
	v5 =	vadd.f32 v11, v9;
	v9 =	vld [tilespmem:s10+$0x87C0]  }
0x50: {  	v4 =	vadd.f32 v6, v4;
	s6 =	spop (v2sf);
	v6 =	vadd.f32 v40, v10;
	v10 =	vld [tilespmem:s10+$0x87D0]  }
0x51: {  	s4 =	spop (v2sf);
	v52 =	vld [tilespmem:s6+$0x87D0]  }
0x52: {  	(v2sf) =	vpush v3, $0xC;
	v54 =	vld [tilespmem:s4+$0xB500]  }
0x53: {  	(v2sf) =	vpush v3, $0xD;
	v55 =	vld [tilespmem:s4+$0xB510]  }
0x54: {  	s16 =	spop (v2sf);
	v2 =	vadd.f32 v5, v2;
	v5 =	vld [tilespmem:s11+$0xB500]  }
0x55: {  	s17 =	spop (v2sf);
	(v2sf) =	vpush v3, $0xE;
	v4 =	vadd.f32 v6, v4;
	v6 =	vld [tilespmem:s11+$0xB510]  }
0x56: {  	s25 =	simm.s32 $0x17A60;
	s2 =	spop (v2sf);
	(v2sf) =	vpush v3, $0xF;
	v3 =	vld [tilespmem:s12+$0xE250]  }
0x57: {  	s1 =	spop (v2sf);
	[tilespmem:s25+$0x20] =	vst v2;
	v2 =	vld [tilespmem:s12+$0xE240]  }
0x58: {  	[tilespmem:s25+$0x30] =	vst v4;
	s18 =	spop (v2sf);
	v8 =	vadd.f32 v9, v8;
	v9 =	vld [tilespmem:s0+$0x10]  }
0x59: {  	v4 =	vld [tilespmem:s18+$0x10]  }
0x5a: {  	s19 =	spop (v2sf);
	v44 =	vld [tilespmem:s18+$0x0]  }
0x5b: {  	v7 =	vadd.f32 v7, v19;
	v11 =	vld [tilespmem:s19+$0x2D50]  }
0x5c: {  	v21 =	vld [tilespmem:s19+$0x2D40]  }
0x5d: {  	s21 =	spop (v2sf);
	v7 =	vadd.f32 v8, v7;
	v8 =	vld [tilespmem:s8+$0x2D50]  }
0x5e: {  	v45 =	vld [tilespmem:s21+$0x5A90]  }
0x5f: {  	s26 =	spop (v2sf);
	v22 =	vld [tilespmem:s21+$0x5A80]  }
0x60: {  	v13 =	vadd.f32 v39, v20;
	v46 =	vld [tilespmem:s26+$0x87D0]  }
0x61: {  	v3 =	vadd.f32 v3, v6;
	s30 =	spop (v2sf);
	v25 =	vld [tilespmem:s26+$0x87C0];
	(v2sf) =	vpush v1, $0x9  }
0x62: {  	v2 =	vadd.f32 v2, v5;
	v5 =	vld [tilespmem:s7+$0x5A90];
	s13 =	spop (v2sf);
	(v2sf) =	vpush v1, $0xA  }
0x63: {  	v6 =	vadd.f32 v47, v43;
	v23 =	vld [tilespmem:s30+$0xB510];
	(v2sf) =	vpush v1, $0xB  }
0x64: {  	v10 =	vadd.f32 v10, v41;
	v26 =	vld [tilespmem:s30+$0xB500];
	(v2sf) =	vpush v1, $0xC  }
0x65: {  	v3 =	vadd.f32 v6, v3;
	v6 =	vld [tilespmem:s16+$0xE250];
	(v2sf) =	vpush v1, $0xD  }
0x66: {  	v10 =	vadd.f32 v10, v13;
	v24 =	vld [tilespmem:s13+$0xE250];
	(v2sf) =	vpush v1, $0xE  }
0x67: {  	(v2sf) =	vpush v1, $0xF;
	v1 =	vld [tilespmem:s9+$0x13CC0]  }
0x68: {  	v29 =	vld [tilespmem:s13+$0xE240];
	v3 =	vadd.f32 v3, v10;
	(v2sf) =	vpush v0, $0x8  }
0x69: {  	v14 =	vadd.f32 v49, v48;
	v10 =	vld [tilespmem:s17+$0x10F90];
	s14 =	spop (v2sf);
	(v2sf) =	vpush v0, $0x9  }
0x6a: {  	v16 =	vadd.f32 v21, v44;
	[tilespmem:s25+$0xFFFFFFB0] =	vst v3;
	v3 =	vld [tilespmem:s2+$0x13CD0];
	s15 =	spop (v2sf);
	(v2sf) =	vpush v0, $0xA  }
0x6b: {  	v8 =	vadd.f32 v8, v9;
	v27 =	vld [tilespmem:s14+$0x10F90];
	(v2sf) =	vpush v0, $0xB  }
0x6c: {  	v30 =	vld [tilespmem:s14+$0x10F80];
	(v2sf) =	vpush v0, $0xC;
	v1 =	vadd.f32 v1, v42  }
0x6d: {  	v56 =	vadd.f32 v25, v22;
	v28 =	vld [tilespmem:s15+$0x13CD0];
	(v2sf) =	vpush v0, $0xD  }
0x6e: {  	v31 =	vld [tilespmem:s15+$0x13CC0];
	(v2sf) =	vpush v0, $0xE;
	v1 =	vadd.f32 v1, v2  }
0x6f: {  	v5 =	vadd.f32 v52, v5;
	v2 =	vld [tilespmem:s16+$0xE240];
	(v2sf) =	vpush v0, $0xF  }
0x70: {  	v0 =	vadd.f32 v11, v4;
	v4 =	vld [tilespmem:s6+$0x87C0];
	v1 =	vadd.f32 v1, v7;
	s16 =	spop (v2sf)  }
0x71: {  	v6 =	vadd.f32 v6, v55;
	v51 =	vadd.f32 v24, v23;
	v7 =	vld [tilespmem:s17+$0x10F80];
	s17 =	spop (v2sf)  }
0x72: {  	v57 =	vadd.f32 v29, v26;
	v3 =	vadd.f32 v3, v10;
	[tilespmem:s25+$0xFFFFFFA0] =	vst v1;
	v1 =	vld [tilespmem:s2+$0x13CC0];
	s18 =	spop (v2sf)  }
0x73: {  	v5 =	vadd.f32 v5, v8;
	v11 =	vadd.f32 v46, v45;
	s26 =	spop (v2sf);
	v60 =	vld [tilespmem:s1+$0x0]  }
0x74: {  	v3 =	vadd.f32 v3, v6;
	v53 =	vadd.f32 v28, v27;
	v61 =	vld [tilespmem:s1+$0x10];
	s30 =	spop (v2sf)  }
0x75: {  	v58 =	vadd.f32 v31, v30;
	v0 =	vadd.f32 v11, v0;
	v9 =	vld [tilespmem:s16+$0x2D40];
	s5 =	spop (v2sf)  }
0x76: {  	v11 =	vadd.f32 v53, v51;
	v62 =	vld [tilespmem:s16+$0x2D50];
	v4 =	vadd.f32 v4, v50;
	s4 =	spop (v2sf)  }
0x77: {  	v2 =	vadd.f32 v2, v54;
	v63 =	vld [tilespmem:s17+$0x5A80];
	s3 =	spop (v2sf);
	v1 =	vadd.f32 v1, v7  }
0x78: {  	v10 =	vld [tilespmem:s18+$0x87C0];
	v11 =	vadd.f32 v11, v0;
	v4 =	vadd.f32 v4, v14;
	s21 =	spop (v2sf)  }
0x79: {  	v0 =	vld [tilespmem:s17+$0x5A90];
	v7 =	vadd.f32 v3, v5;
	s16 =	spop (v2sf);
	v1 =	vadd.f32 v1, v2  }
0x7a: {  	v16 =	vadd.f32 v56, v16;
	v59 =	vadd.f32 v58, v57;
	v2 =	vld [tilespmem:s18+$0x87D0];
	s19 =	spop (v2sf)  }
0x7b: {  	[tilespmem:s25+$0xFFFFFFF0] =	vst v7;
	v7 =	vld [tilespmem:s30+$0xE250];
	s15 =	spop (v2sf);
	v6 =	vadd.f32 v1, v4  }
0x7c: {  	v16 =	vadd.f32 v59, v16;
	[tilespmem:s25+$0x50] =	vst v11;
	v1 =	vld [tilespmem:s26+$0xB500];
	s2 =	spop (v2sf)  }
0x7d: {  	s28 =	simm.s32 $0x0;
	v3 =	vadd.f32 v9, v60;
	s0 =	spop (v2sf);
	[tilespmem:s25+$0xFFFFFFE0] =	vst v6;
	v6 =	vld [tilespmem:s30+$0xE240]  }
0x7e: {  	s29 =	simm.s32 $0x16A40;
	[tilespmem:s25+$0x40] =	vst v16;
	v5 =	vadd.f32 v62, v61;
	v8 =	vadd.f32 v10, v63;
	v4 =	vld [tilespmem:s26+$0xB510];
	s26 =	simm.s32 $0x199B0;
	s31 =	spop (v2sf)  }
.LBB2_2:
0x7f: {  	v9 =	vld [tilespmem:s29+$0x10];
	v0 =	vadd.f32 v2, v0  }
0x80: {  	v2 =	vld [tilespmem:s29+$0x0];
	v3 =	vadd.f32 v8, v3  }
0x81: {  	v8 =	vld [tilespmem:s29+$0xFFFFFFF0];
	v5 =	vadd.f32 v0, v5  }
0x82: {  	v10 =	vld [tilespmem:s5+$0x10F80];
	v6 =	vadd.f32 v6, v1  }
0x83: {  	v11 =	vld [tilespmem:s5+$0x10F90];
	v4 =	vadd.f32 v7, v4  }
0x84: {  	v0 =	vshll.u32 v9, $0x7;
	v7 =	vld [tilespmem:s4+$0x13CC0]  }
0x85: {  	v1 =	vshll.u32 v2, $0x7;
	v2 =	vshra.s32 v0, $0x2;
	v9 =	vld [tilespmem:s4+$0x13CD0]  }
0x86: {  	v8 =	vshll.u32 v8, $0x7;
	v0 =	vshra.s32 v1, $0x2;
	(v2sf) =	vpush v2, $0x0;
	v12 =	vld [tilespmem:s3+$0x0]  }
0x87: {  	v1 =	vshra.s32 v8, $0x2;
	(v2sf) =	vpush v0, $0x0;
	v8 =	vld [tilespmem:s3+$0x10]  }
0x88: {  	(v2sf) =	vpush v2, $0x1;
	v13 =	vld [tilespmem:s21+$0x2D40]  }
0x89: {  	(v2sf) =	vpush v1, $0x0;
	v7 =	vadd.f32 v7, v10;
	v10 =	vld [tilespmem:s21+$0x2D50]  }
0x8a: {  	(v2sf) =	vpush v2, $0x2;
	v9 =	vadd.f32 v9, v11;
	v11 =	vld [tilespmem:s16+$0x5A80]  }
0x8b: {  	(v2sf) =	vpush v1, $0x1;
	v6 =	vadd.f32 v7, v6;
	v7 =	vld [tilespmem:s16+$0x5A90]  }
0x8c: {  	(v2sf) =	vpush v2, $0x3;
	v4 =	vadd.f32 v9, v4;
	v9 =	vld [tilespmem:s19+$0x87C0]  }
0x8d: {  	(v2sf) =	vpush v1, $0x2;
	v14 =	vld [tilespmem:s19+$0x87D0];
	v12 =	vadd.f32 v13, v12  }
0x8e: {  	(v2sf) =	vpush v2, $0x4;
	v13 =	vld [tilespmem:s15+$0xB500];
	v8 =	vadd.f32 v10, v8  }
0x8f: {  	v3 =	vadd.f32 v6, v3;
	(v2sf) =	vpush v1, $0x3;
	v6 =	vld [tilespmem:s15+$0xB510]  }
0x90: {  	v4 =	vadd.f32 v4, v5;
	(v2sf) =	vpush v2, $0x5;
	v5 =	vld [tilespmem:s2+$0xE240]  }
0x91: {  	(v2sf) =	vpush v1, $0x4;
	[tilespmem:s25+$0xFFFFFFC0] =	vst v3;
	v3 =	vld [tilespmem:s2+$0xE250];
	v9 =	vadd.f32 v9, v11  }
0x92: {  	(v2sf) =	vpush v2, $0x6;
	[tilespmem:s25+$0xFFFFFFD0] =	vst v4;
	v4 =	vld [tilespmem:s0+$0x10F80];
	v7 =	vadd.f32 v14, v7  }
0x93: {  	(v2sf) =	vpush v2, $0x7;
	v10 =	vld [tilespmem:s0+$0x10F90];
	v9 =	vadd.f32 v9, v12  }
0x94: {  	(v2sf) =	vpush v1, $0x5;
	v11 =	vld [tilespmem:s31+$0x13CC0];
	v7 =	vadd.f32 v7, v8  }
0x95: {  	s28 =	sadd.s32 $0x3, s28;
	(v2sf) =	vpush v1, $0x6;
	s0 =	spop (v2sf);
	v8 =	vld [tilespmem:s31+$0x13CD0];
	v5 =	vadd.f32 v5, v13  }
0x96: {  	p0 =	slt.u32 s28, $0x7B;
	v12 =	vld [tilespmem:s0+$0x0];
	(v2sf) =	vpush v1, $0x7;
	s31 =	spop (v2sf);
	v3 =	vadd.f32 v3, v6  }
0x97: {  	v6 =	vld [tilespmem:s0+$0x10];
	(v2sf) =	vpush v0, $0x1;
	s0 =	spop (v2sf)  }
0x98: {  	v13 =	vld [tilespmem:s0+$0x2D40];
	s7 =	spop (v2sf);
	(v2sf) =	vpush v0, $0x2  }
0x99: {  	v14 =	vld [tilespmem:s0+$0x2D50];
	(v2sf) =	vpush v0, $0x3;
	s0 =	spop (v2sf);
	v4 =	vadd.f32 v11, v4  }
0x9a: {  	v11 =	vld [tilespmem:s0+$0x5A80];
	s5 =	spop (v2sf);
	(v2sf) =	vpush v0, $0x4;
	v8 =	vadd.f32 v8, v10  }
0x9b: {  	v10 =	vld [tilespmem:s0+$0x5A90];
	(v2sf) =	vpush v0, $0x5;
	s0 =	spop (v2sf);
	v4 =	vadd.f32 v4, v5  }
0x9c: {  	v5 =	vld [tilespmem:s0+$0x87C0];
	s6 =	spop (v2sf);
	(v2sf) =	vpush v0, $0x6;
	v3 =	vadd.f32 v8, v3  }
0x9d: {  	v8 =	vld [tilespmem:s0+$0x87D0];
	(v2sf) =	vpush v0, $0x7;
	s0 =	spop (v2sf);
	v4 =	vadd.f32 v4, v9  }
0x9e: {  	v9 =	vld [tilespmem:s0+$0xB500];
	s13 =	spop (v2sf);
	(v2sf) =	vpush v1, $0x8;
	v3 =	vadd.f32 v3, v7  }
0x9f: {  	v7 =	vld [tilespmem:s0+$0xB510];
	s0 =	spop (v2sf);
	(v2sf) =	vpush v2, $0x8;
	[tilespmem:s25+$0x0] =	vst v4  }
0xa0: {  	v4 =	vld [tilespmem:s0+$0xE240];
	s4 =	spop (v2sf);
	(v2sf) =	vpush v2, $0x9;
	[tilespmem:s25+$0x10] =	vst v3  }
0xa1: {  	v3 =	vld [tilespmem:s0+$0xE250];
	s0 =	spop (v2sf);
	(v2sf) =	vpush v2, $0xA  }
0xa2: {  	v15 =	vld [tilespmem:s0+$0x10F80];
	s2 =	spop (v2sf);
	(v2sf) =	vpush v2, $0xB  }
0xa3: {  	v16 =	vld [tilespmem:s2+$0x13CC0];
	s3 =	spop (v2sf);
	(v2sf) =	vpush v2, $0xC  }
0xa4: {  	v17 =	vld [tilespmem:s0+$0x10F90];
	s1 =	spop (v2sf);
	(v2sf) =	vpush v2, $0xD  }
0xa5: {  	v18 =	vld [tilespmem:s2+$0x13CD0];
	s2 =	spop (v2sf);
	(v2sf) =	vpush v2, $0xE  }
0xa6: {  	v19 =	vld [tilespmem:s7+$0x0];
	s0 =	spop (v2sf);
	(v2sf) =	vpush v2, $0xF  }
0xa7: {  	v12 =	vadd.f32 v13, v12;
	v5 =	vadd.f32 v5, v11;
	v2 =	vld [tilespmem:s7+$0x10];
	s12 =	spop (v2sf)  }
0xa8: {  	v4 =	vadd.f32 v4, v9;
	v11 =	vld [tilespmem:s5+$0x2D40];
	v9 =	vadd.f32 v16, v15;
	s11 =	spop (v2sf)  }
0xa9: {  	v6 =	vadd.f32 v14, v6;
	v8 =	vadd.f32 v8, v10;
	v13 =	vld [tilespmem:s5+$0x2D50];
	s9 =	spop (v2sf)  }
0xaa: {  	v3 =	vadd.f32 v3, v7;
	v10 =	vld [tilespmem:s6+$0x5A80];
	v7 =	vadd.f32 v18, v17;
	s10 =	spop (v2sf)  }
0xab: {  	v5 =	vadd.f32 v5, v12;
	v4 =	vadd.f32 v9, v4;
	v14 =	vld [tilespmem:s6+$0x5A90];
	s8 =	spop (v2sf)  }
0xac: {  	v6 =	vadd.f32 v8, v6;
	v9 =	vld [tilespmem:s13+$0x87C0];
	v3 =	vadd.f32 v7, v3;
	s7 =	spop (v2sf)  }
0xad: {  	v4 =	vadd.f32 v4, v5;
	v7 =	vld [tilespmem:s13+$0x87D0];
	s6 =	spop (v2sf);
	(v2sf) =	vpush v1, $0x9  }
0xae: {  	s25 =	sadd.s32 $0xC0, s25;
	v5 =	vld [tilespmem:s4+$0xB500];
	v3 =	vadd.f32 v3, v6;
	(v2sf) =	vpush v1, $0xA;
	s5 =	spop (v2sf)  }
0xaf: {  	v8 =	vadd.f32 v11, v19;
	v6 =	vld [tilespmem:s4+$0xB510];
	[tilespmem:s25+$0x20] =	vst v4;
	(v2sf) =	vpush v1, $0xB;
	s4 =	spop (v2sf)  }
0xb0: {  	v2 =	vadd.f32 v13, v2;
	v4 =	vld [tilespmem:s3+$0xE240];
	[tilespmem:s25+$0x30] =	vst v3;
	(v2sf) =	vpush v1, $0xC;
	s13 =	spop (v2sf)  }
0xb1: {  	v3 =	vadd.f32 v9, v10;
	v9 =	vld [tilespmem:s5+$0x10];
	(v2sf) =	vpush v1, $0xD;
	s15 =	spop (v2sf)  }
0xb2: {  	v7 =	vadd.f32 v7, v14;
	v10 =	vld [tilespmem:s4+$0x2D50];
	(v2sf) =	vpush v1, $0xE;
	s16 =	spop (v2sf)  }
0xb3: {  	v3 =	vadd.f32 v3, v8;
	v8 =	vld [tilespmem:s13+$0x5A90];
	(v2sf) =	vpush v1, $0xF;
	s19 =	spop (v2sf)  }
0xb4: {  	v1 =	vadd.f32 v7, v2;
	v2 =	vld [tilespmem:s15+$0x87D0];
	(v2sf) =	vpush v0, $0x8;
	s21 =	spop (v2sf)  }
0xb5: {  	v4 =	vadd.f32 v4, v5;
	v5 =	vld [tilespmem:s16+$0xB510];
	(v2sf) =	vpush v0, $0x9;
	s30 =	spop (v2sf)  }
0xb6: {  	v7 =	vld [tilespmem:s19+$0xE250];
	(v2sf) =	vpush v0, $0xA  }
0xb7: {  	v11 =	vld [tilespmem:s21+$0x10F90];
	(v2sf) =	vpush v0, $0xB  }
0xb8: {  	v12 =	vld [tilespmem:s30+$0x13CD0];
	(v2sf) =	vpush v0, $0xC  }
0xb9: {  	v13 =	vld [tilespmem:s3+$0xE250];
	(v2sf) =	vpush v0, $0xD  }
0xba: {  	v14 =	vld [tilespmem:s1+$0x10F80];
	(v2sf) =	vpush v0, $0xE  }
0xbb: {  	v15 =	vld [tilespmem:s1+$0x10F90];
	(v2sf) =	vpush v0, $0xF  }
0xbc: {  	v9 =	vadd.f32 v10, v9;
	v2 =	vadd.f32 v2, v8;
	v0 =	vld [tilespmem:s5+$0x0];
	s18 =	spop (v2sf)  }
0xbd: {  	v5 =	vadd.f32 v7, v5;
	v8 =	vld [tilespmem:s4+$0x2D40];
	v7 =	vadd.f32 v12, v11;
	s14 =	spop (v2sf)  }
0xbe: {  	v6 =	vadd.f32 v13, v6;
	v10 =	vld [tilespmem:s13+$0x5A80];
	s13 =	spop (v2sf)  }
0xbf: {  	v2 =	vadd.f32 v2, v9;
	v11 =	vld [tilespmem:s15+$0x87C0];
	v5 =	vadd.f32 v7, v5;
	s1 =	spop (v2sf)  }
0xc0: {  	v7 =	vld [tilespmem:s16+$0xB500];
	s17 =	spop (v2sf)  }
0xc1: {  	v9 =	vld [tilespmem:s19+$0xE240];
	v2 =	vadd.f32 v5, v2;
	s5 =	spop (v2sf)  }
0xc2: {  	v5 =	vld [tilespmem:s21+$0x10F80];
	v0 =	vadd.f32 v8, v0;
	s4 =	spop (v2sf)  }
0xc3: {  	v8 =	vld [tilespmem:s30+$0x13CC0];
	[tilespmem:s25+$0x50] =	vst v2;
	s30 =	simm.s32 $0x0;
	s3 =	spop (v2sf)  }
0xc4: {  	v2 =	vld [tilespmem:s2+$0x13CC0];
	v10 =	vadd.f32 v11, v10;
	s21 =	spop (v2sf)  }
0xc5: {  	v11 =	vld [tilespmem:s2+$0x13CD0];
	s16 =	spop (v2sf)  }
0xc6: {  	v12 =	vld [tilespmem:s31+$0x0];
	v0 =	vadd.f32 v10, v0;
	v7 =	vadd.f32 v9, v7;
	s19 =	spop (v2sf)  }
0xc7: {  	v9 =	vld [tilespmem:s31+$0x10];
	s15 =	spop (v2sf)  }
0xc8: {  	v10 =	vld [tilespmem:s0+$0x2D40];
	v5 =	vadd.f32 v8, v5;
	s2 =	spop (v2sf)  }
0xc9: {  	v2 =	vadd.f32 v2, v14;
	v8 =	vld [tilespmem:s0+$0x2D50];
	s0 =	spop (v2sf)  }
0xca: {  	v11 =	vadd.f32 v11, v15;
	v13 =	vld [tilespmem:s12+$0x5A80];
	v5 =	vadd.f32 v5, v7;
	s31 =	spop (v2sf)  }
0xcb: {  	v2 =	vadd.f32 v2, v4;
	v4 =	vld [tilespmem:s12+$0x5A90]  }
0xcc: {  	v6 =	vadd.f32 v11, v6;
	v7 =	vld [tilespmem:s11+$0x87C0];
	v0 =	vadd.f32 v5, v0  }
0xcd: {  	v2 =	vadd.f32 v2, v3;
	v3 =	vld [tilespmem:s11+$0x87D0];
	v5 =	vadd.f32 v10, v12  }
0xce: {  	v1 =	vadd.f32 v6, v1;
	v6 =	vld [tilespmem:s9+$0xB500];
	v8 =	vadd.f32 v8, v9;
	[tilespmem:s25+$0x40] =	vst v0  }
0xcf: {  	[tilespmem:s25+$0xFFFFFFA0] =	vst v2;
	v0 =	vld [tilespmem:s9+$0xB510]  }
0xd0: {  	[tilespmem:s25+$0xFFFFFFB0] =	vst v1;
	v1 =	vld [tilespmem:s10+$0xE240]  }
0xd1: {  	v2 =	vld [tilespmem:s10+$0xE250];
	v7 =	vadd.f32 v7, v13  }
0xd2: {  	v9 =	vld [tilespmem:s8+$0x10F80];
	v3 =	vadd.f32 v3, v4  }
0xd3: {  	v4 =	vld [tilespmem:s8+$0x10F90];
	v5 =	vadd.f32 v7, v5  }
0xd4: {  	v7 =	vld [tilespmem:s7+$0x13CC0];
	v8 =	vadd.f32 v3, v8  }
0xd5: {  	v3 =	vld [tilespmem:s7+$0x13CD0];
	v1 =	vadd.f32 v1, v6  }
0xd6: {  	v6 =	vld [tilespmem:s6+$0x0];
	v2 =	vadd.f32 v2, v0  }
0xd7: {  	v10 =	vld [tilespmem:s6+$0x10]  }
0xd8: {  	v11 =	vld [tilespmem:s18+$0x2D40]  }
0xd9: {  	v12 =	vld [tilespmem:s18+$0x2D50];
	v7 =	vadd.f32 v7, v9  }
0xda: {  	v9 =	vld [tilespmem:s14+$0x5A80];
	v3 =	vadd.f32 v3, v4  }
0xdb: {  	v0 =	vld [tilespmem:s14+$0x5A90];
	v1 =	vadd.f32 v7, v1  }
0xdc: {  	v13 =	vld [tilespmem:s13+$0x87C0];
	v4 =	vadd.f32 v3, v2  }
.Ltmp0:
0xdd: {  	v2 =	vld [tilespmem:s13+$0x87D0];
	v3 =	vadd.f32 v11, v6;
	v6 =	vadd.f32 v1, v5;
	(pc) =	sbr.rel @p0 .LBB2_2-.Ltmp0, $4  }
0xde: {  	v1 =	vld [tilespmem:s1+$0xB500];
	v5 =	vadd.f32 v12, v10;
	v7 =	vadd.f32 v4, v8  }
0xdf: {  	v4 =	vld [tilespmem:s1+$0xB510];
	[tilespmem:s25+$0xFFFFFFE0] =	vst v6  }
0xe0: {  	v6 =	vld [tilespmem:s17+$0xE240];
	[tilespmem:s25+$0xFFFFFFF0] =	vst v7  }
0xe1: {  	s29 =	sadd.s32 $0x30, s29;
	v7 =	vld [tilespmem:s17+$0xE250];
	v8 =	vadd.f32 v13, v9  }
0xe2: {  	v9 =	vld [tilespmem:s5+$0x10F80]  }
0xe3: {  	v10 =	vld [tilespmem:s5+$0x10F90]  }
0xe4: {  	v11 =	vld [tilespmem:s4+$0x13CC0]  }
0xe5: {  	v12 =	vld [tilespmem:s4+$0x13CD0]  }
0xe6: {  	v13 =	vld [tilespmem:s3+$0x0]  }
0xe7: {  	v14 =	vld [tilespmem:s3+$0x10]  }
0xe8: {  	v15 =	vld [tilespmem:s21+$0x2D40]  }
0xe9: {  	v16 =	vld [tilespmem:s21+$0x2D50]  }
0xea: {  	v17 =	vld [tilespmem:s16+$0x5A80]  }
0xeb: {  	v18 =	vld [tilespmem:s16+$0x5A90]  }
0xec: {  	v19 =	vld [tilespmem:s19+$0x87C0]  }
0xed: {  	v20 =	vld [tilespmem:s19+$0x87D0]  }
0xee: {  	v21 =	vld [tilespmem:s15+$0xB500]  }
0xef: {  	v22 =	vld [tilespmem:s15+$0xB510]  }
0xf0: {  	v23 =	vld [tilespmem:s2+$0xE240]  }
0xf1: {  	v49 =	vld [tilespmem:s2+$0xE250]  }
0xf2: {  	v0 =	vadd.f32 v2, v0;
	v50 =	vld [tilespmem:s0+$0x10F80]  }
0xf3: {  	v53 =	vld [tilespmem:s0+$0x10F90]  }
0xf4: {  	v54 =	vld [tilespmem:s31+$0x13CC0];
	v3 =	vadd.f32 v8, v3;
	v0 =	vadd.f32 v0, v5  }
0xf5: {  	v55 =	vld [tilespmem:s31+$0x13CD0];
	v1 =	vadd.f32 v6, v1;
	v4 =	vadd.f32 v7, v4  }
0xf6: {  	v51 =	vadd.f32 v11, v9;
	v52 =	vadd.f32 v12, v10  }
0xf7: {  	v56 =	vadd.f32 v15, v13;
	v57 =	vadd.f32 v16, v14  }
0xf8: {  	v58 =	vadd.f32 v19, v17;
	v59 =	vadd.f32 v20, v18  }
0xf9: {  	v60 =	vadd.f32 v23, v21;
	v5 =	vadd.f32 v54, v50  }
0xfa: {  	v2 =	vadd.f32 v49, v22;
	v61 =	vadd.f32 v55, v53  }
0xfb: {  	v1 =	vadd.f32 v51, v1;
	v4 =	vadd.f32 v52, v4  }
0xfc: {  	v5 =	vadd.f32 v5, v60;
	v2 =	vadd.f32 v61, v2  }
0xfd: {  	v1 =	vadd.f32 v1, v3;
	v3 =	vadd.f32 v58, v56  }
0xfe: {  	v0 =	vadd.f32 v4, v0;
	v4 =	vadd.f32 v59, v57  }
0xff: {  	[tilespmem:s25+$0xFFFFFFC0] =	vst v1;
	v62 =	vadd.f32 v5, v3  }
0x100: {  	[tilespmem:s25+$0xFFFFFFD0] =	vst v0;
	v63 =	vadd.f32 v2, v4  }
0x101: {  	[tilespmem:s25+$0x0] =	vst v62  }
0x102: {  	[tilespmem:s25+$0x10] =	vst v63  }
.LBB2_4:
0x103: {  	s0 =	sshra.s32 s30, $0x2  }
0x104: {  	v0 =	vld [tilespmem:s0+$0x171E0];
	_ =	sdelay $0x4  }
0x105: {  	v0 =	vshll.u32 v0, $0x7  }
0x106: {  	v0 =	vshra.s32 v0, $0x2  }
0x107: {  	(v2sf) =	vpush v0, $0x0;
	_ =	sdelay $0x1  }
0x108: {  	(v2sf) =	vpush v0, $0x1;
	_ =	sdelay $0x1  }
0x109: {  	(v2sf) =	vpush v0, $0x2;
	_ =	sdelay $0x1  }
0x10a: {  	(v2sf) =	vpush v0, $0x3;
	_ =	sdelay $0x1  }
0x10b: {  	(v2sf) =	vpush v0, $0x4;
	_ =	sdelay $0x1  }
0x10c: {  	(v2sf) =	vpush v0, $0x5;
	_ =	sdelay $0x1  }
0x10d: {  	(v2sf) =	vpush v0, $0x6;
	_ =	sdelay $0x1  }
0x10e: {  	(v2sf) =	vpush v0, $0x7  }
0x10f: {  	s10 =	spop (v2sf)  }
0x110: {  	v1 =	vld [tilespmem:s10+$0x0]  }
0x111: {  	v2 =	vld [tilespmem:s10+$0x10];
	s11 =	spop (v2sf)  }
0x112: {  	v3 =	vld [tilespmem:s11+$0x2D40]  }
0x113: {  	v4 =	vld [tilespmem:s11+$0x2D50];
	s12 =	spop (v2sf)  }
0x114: {  	v5 =	vld [tilespmem:s12+$0x5A80]  }
0x115: {  	v6 =	vld [tilespmem:s12+$0x5A90];
	s13 =	spop (v2sf)  }
0x116: {  	v7 =	vld [tilespmem:s13+$0x87C0]  }
0x117: {  	v8 =	vld [tilespmem:s13+$0x87D0];
	s14 =	spop (v2sf)  }
0x118: {  	v9 =	vld [tilespmem:s14+$0xB500]  }
0x119: {  	v10 =	vld [tilespmem:s14+$0xB510];
	s15 =	spop (v2sf)  }
0x11a: {  	v11 =	vld [tilespmem:s15+$0xE240]  }
0x11b: {  	(v2sf) =	vpush v0, $0x8;
	v12 =	vld [tilespmem:s15+$0xE250];
	s16 =	spop (v2sf)  }
0x11c: {  	(v2sf) =	vpush v0, $0x9;
	v13 =	vld [tilespmem:s16+$0x10F80]  }
0x11d: {  	(v2sf) =	vpush v0, $0xA;
	s1 =	spop (v2sf);
	v15 =	vld [tilespmem:s16+$0x10F90]  }
0x11e: {  	(v2sf) =	vpush v0, $0xB;
	v14 =	vld [tilespmem:s1+$0x13CC0]  }
0x11f: {  	(v2sf) =	vpush v0, $0xC;
	v36 =	vld [tilespmem:s1+$0x13CD0]  }
0x120: {  	(v2sf) =	vpush v0, $0xD  }
0x121: {  	v1 =	vadd.f32 v3, v1;
	v2 =	vadd.f32 v4, v2  }
0x122: {  	v35 =	vadd.f32 v7, v5;
	v39 =	vadd.f32 v8, v6  }
0x123: {  	v37 =	vadd.f32 v11, v9;
	v38 =	vadd.f32 v14, v13  }
0x124: {  	v40 =	vadd.f32 v12, v10;
	v5 =	vadd.f32 v36, v15  }
0x125: {  	v1 =	vadd.f32 v35, v1;
	v3 =	vadd.f32 v38, v37  }
0x126: {  	v2 =	vadd.f32 v39, v2;
	v41 =	vadd.f32 v5, v40  }
0x127: {  	(v2sf) =	vpush v0, $0xE;
	v1 =	vadd.f32 v3, v1  }
0x128: {  	v2 =	vadd.f32 v41, v2  }
0x129: {  	(v2sf) =	vpush v0, $0xF;
	[tilespmem:s26+$0xFFFFFFD0] =	vst v1  }
0x12a: {  	s17 =	spop (v2sf);
	[tilespmem:s26+$0xFFFFFFE0] =	vst v2  }
0x12b: {  	v42 =	vld [tilespmem:s17+$0x0]  }
0x12c: {  	s18 =	spop (v2sf);
	v1 =	vld [tilespmem:s17+$0x10]  }
0x12d: {  	v2 =	vld [tilespmem:s18+$0x2D40]  }
0x12e: {  	s19 =	spop (v2sf);
	v43 =	vld [tilespmem:s18+$0x2D50]  }
0x12f: {  	v44 =	vld [tilespmem:s19+$0x5A80]  }
0x130: {  	s21 =	spop (v2sf);
	v45 =	vld [tilespmem:s19+$0x5A90]  }
0x131: {  	v46 =	vld [tilespmem:s21+$0x87C0]  }
0x132: {  	s25 =	spop (v2sf);
	v47 =	vld [tilespmem:s21+$0x87D0]  }
0x133: {  	v48 =	vld [tilespmem:s25+$0xB500]  }
0x134: {  	s28 =	spop (v2sf);
	v49 =	vld [tilespmem:s25+$0xB510]  }
0x135: {  	v50 =	vld [tilespmem:s28+$0xE240]  }
0x136: {  	s29 =	spop (v2sf);
	v51 =	vld [tilespmem:s28+$0xE250]  }
0x137: {  	v52 =	vld [tilespmem:s29+$0x10F80]  }
0x138: {  	s31 =	spop (v2sf);
	v54 =	vld [tilespmem:s29+$0x10F90]  }
0x139: {  	v53 =	vld [tilespmem:s31+$0x13CC0]  }
0x13a: {  	v55 =	vld [tilespmem:s31+$0x13CD0];
	_ =	sdelay $0x1  }
0x13b: {  	v0 =	vadd.f32 v2, v42;
	v56 =	vadd.f32 v46, v44  }
0x13c: {  	v1 =	vadd.f32 v43, v1;
	v59 =	vadd.f32 v47, v45  }
0x13d: {  	v57 =	vadd.f32 v50, v48;
	v58 =	vadd.f32 v53, v52  }
0x13e: {  	v60 =	vadd.f32 v51, v49;
	v61 =	vadd.f32 v55, v54  }
0x13f: {  	p0 =	sne.s32 s30, $0x40;
	v0 =	vadd.f32 v56, v0;
	v62 =	vadd.f32 v58, v57  }
.Ltmp1:
0x140: {  	v1 =	vadd.f32 v59, v1;
	v63 =	vadd.f32 v61, v60;
	(pc) =	sbr.rel @p0 .LBB2_4-.Ltmp1, $4  }
0x141: {  	v0 =	vadd.f32 v62, v0  }
0x142: {  	v1 =	vadd.f32 v63, v1  }
0x143: {  	[tilespmem:s26+$0xFFFFFFF0] =	vst v0  }
0x144: {  	s30 =	sadd.s32 $0x40, s30;
	[tilespmem:s26+$0x0] =	vst v1;
	s26 =	sadd.s32 $0x40, s26  }
0x145: {  	s0 =	rddreg [dreg:$0x7]  }
0x146: {  	s1 =	simm.s32 $0x20;
	s2 =	simm.s32 $0x40;
	s3 =	simm.s32 $0x17A00  }
0x147: {  	[hbm4b:s0+s1] =	stream.strided.scatter [tilespmem:s3], [sflag:$0x4], $0x2000, s2, s1, $0x38;
	[tilespmem:$0x1BA00] =	vst v63  }
0x148: {  	s11 =	simm.s32 $0x0;
	s12 =	rddreg [dreg:$0x8];
	s13 =	simm.s32 $0x16A00  }
0x149: {  	[tilespmem:s13], [sflag:$0x2] =	stream.linear.gather [hbm4b:s12+s11], $0x800, $0x38;
	[tilespmem:$0x1BA00] =	vst v63  }
0x14a: {  	_ =	swait.ge [sflag:s20], $0x800  }
0x14b: {  	[sflag:s20] =	ssyncset.done $0x0  }
0x14c: {  	s14 =	simm.s32 $0x17210;
	[sflag:s20] =	ssyncadd.s32 $0xFFFFF800  }
0x14d: {  	v0 =	vld [tilespmem:s14+$0x10];
	_ =	sdelay $0x1  }
0x14e: {  	v1 =	vld [tilespmem:s14+$0x0];
	_ =	sdelay $0x2  }
0x14f: {  	v2 =	vld [tilespmem:s14+$0xFFFFFFF0];
	v0 =	vshll.u32 v0, $0x7  }
0x150: {  	v3 =	vshra.s32 v0, $0x2  }
0x151: {  	v1 =	vshll.u32 v1, $0x7;
	(v2sf) =	vpush v3, $0x0  }
0x152: {  	v0 =	vshra.s32 v1, $0x2  }
0x153: {  	(v2sf) =	vpush v0, $0x0  }
0x154: {  	v1 =	vshll.u32 v2, $0x7;
	(v2sf) =	vpush v3, $0x1  }
0x155: {  	v1 =	vshra.s32 v1, $0x2  }
0x156: {  	(v2sf) =	vpush v1, $0x0;
	_ =	sdelay $0x1  }
0x157: {  	(v2sf) =	vpush v3, $0x2;
	_ =	sdelay $0x1  }
0x158: {  	(v2sf) =	vpush v1, $0x1  }
0x159: {  	(v2sf) =	vpush v3, $0x3;
	_ =	sdelay $0x1  }
0x15a: {  	(v2sf) =	vpush v1, $0x2  }
0x15b: {  	(v2sf) =	vpush v3, $0x4  }
0x15c: {  	(v2sf) =	vpush v1, $0x3  }
0x15d: {  	(v2sf) =	vpush v3, $0x5;
	s15 =	spop (v2sf)  }
0x15e: {  	v2 =	vld [tilespmem:s15+$0x0]  }
0x15f: {  	s0 =	spop (v2sf);
	v4 =	vld [tilespmem:s15+$0x10]  }
0x160: {  	(v2sf) =	vpush v1, $0x4;
	s16 =	spop (v2sf);
	v48 =	vld [tilespmem:s0+$0x0]  }
0x161: {  	(v2sf) =	vpush v3, $0x6;
	v5 =	vld [tilespmem:s16+$0x2D40]  }
0x162: {  	s17 =	spop (v2sf);
	v6 =	vld [tilespmem:s16+$0x2D50]  }
0x163: {  	(v2sf) =	vpush v3, $0x7;
	v19 =	vld [tilespmem:s17+$0x0]  }
0x164: {  	(v2sf) =	vpush v1, $0x5;
	s18 =	spop (v2sf);
	v20 =	vld [tilespmem:s17+$0x10]  }
0x165: {  	(v2sf) =	vpush v1, $0x6;
	v7 =	vld [tilespmem:s18+$0x5A80]  }
0x166: {  	s19 =	spop (v2sf);
	v8 =	vld [tilespmem:s18+$0x5A90]  }
0x167: {  	(v2sf) =	vpush v1, $0x7;
	s21 =	spop (v2sf);
	v39 =	vld [tilespmem:s19+$0x2D50]  }
0x168: {  	(v2sf) =	vpush v0, $0x1;
	v9 =	vld [tilespmem:s21+$0x87C0]  }
0x169: {  	(v2sf) =	vpush v0, $0x2;
	s4 =	spop (v2sf);
	v10 =	vld [tilespmem:s21+$0x87D0]  }
0x16a: {  	s25 =	spop (v2sf);
	v41 =	vld [tilespmem:s4+$0x5A90]  }
0x16b: {  	v11 =	vld [tilespmem:s25+$0xB500];
	s10 =	spop (v2sf)  }
0x16c: {  	(v2sf) =	vpush v0, $0x3;
	v12 =	vld [tilespmem:s25+$0xB510];
	s26 =	spop (v2sf)  }
0x16d: {  	(v2sf) =	vpush v0, $0x4;
	v13 =	vld [tilespmem:s26+$0xE240]  }
0x16e: {  	(v2sf) =	vpush v0, $0x5;
	v14 =	vld [tilespmem:s26+$0xE250]  }
0x16f: {  	v2 =	vadd.f32 v5, v2;
	s11 =	spop (v2sf);
	v5 =	vadd.f32 v9, v7;
	v7 =	vld [tilespmem:s19+$0x2D40]  }
0x170: {  	v4 =	vadd.f32 v6, v4;
	s30 =	spop (v2sf);
	v6 =	vadd.f32 v10, v8;
	v8 =	vld [tilespmem:s4+$0x5A80]  }
0x171: {  	(v2sf) =	vpush v0, $0x6;
	v15 =	vld [tilespmem:s30+$0x10F80]  }
0x172: {  	(v2sf) =	vpush v0, $0x7;
	s5 =	spop (v2sf);
	v17 =	vld [tilespmem:s30+$0x10F90]  }
0x173: {  	(v2sf) =	vpush v1, $0x8;
	v16 =	vld [tilespmem:s5+$0x13CC0];
	s12 =	spop (v2sf)  }
0x174: {  	(v2sf) =	vpush v3, $0x8;
	v18 =	vld [tilespmem:s5+$0x13CD0];
	s13 =	spop (v2sf)  }
0x175: {  	(v2sf) =	vpush v3, $0x9;
	v42 =	vld [tilespmem:s13+$0x10F80]  }
0x176: {  	(v2sf) =	vpush v3, $0xA;
	s9 =	spop (v2sf);
	v43 =	vld [tilespmem:s13+$0x10F90]  }
0x177: {  	(v2sf) =	vpush v3, $0xB;
	s8 =	spop (v2sf);
	v47 =	vld [tilespmem:s9+$0x13CD0]  }
0x178: {  	v9 =	vadd.f32 v13, v11;
	v11 =	vadd.f32 v16, v15;
	s7 =	spop (v2sf);
	v49 =	vld [tilespmem:s8+$0x2D40]  }
0x179: {  	v10 =	vadd.f32 v14, v12;
	v40 =	vadd.f32 v18, v17;
	v50 =	vld [tilespmem:s7+$0x5A80]  }
0x17a: {  	v2 =	vadd.f32 v5, v2;
	v5 =	vadd.f32 v11, v9;
	v9 =	vld [tilespmem:s10+$0x87C0]  }
0x17b: {  	v4 =	vadd.f32 v6, v4;
	s6 =	spop (v2sf);
	v6 =	vadd.f32 v40, v10;
	v10 =	vld [tilespmem:s10+$0x87D0]  }
0x17c: {  	s4 =	spop (v2sf);
	v52 =	vld [tilespmem:s6+$0x87D0]  }
0x17d: {  	(v2sf) =	vpush v3, $0xC;
	v54 =	vld [tilespmem:s4+$0xB500]  }
0x17e: {  	(v2sf) =	vpush v3, $0xD;
	v55 =	vld [tilespmem:s4+$0xB510]  }
0x17f: {  	s16 =	spop (v2sf);
	v2 =	vadd.f32 v5, v2;
	v5 =	vld [tilespmem:s11+$0xB500]  }
0x180: {  	s17 =	spop (v2sf);
	(v2sf) =	vpush v3, $0xE;
	v4 =	vadd.f32 v6, v4;
	v6 =	vld [tilespmem:s11+$0xB510]  }
0x181: {  	s25 =	simm.s32 $0x19A60;
	s2 =	spop (v2sf);
	(v2sf) =	vpush v3, $0xF;
	v3 =	vld [tilespmem:s12+$0xE250]  }
0x182: {  	s1 =	spop (v2sf);
	[tilespmem:s25+$0x20] =	vst v2;
	v2 =	vld [tilespmem:s12+$0xE240]  }
0x183: {  	[tilespmem:s25+$0x30] =	vst v4;
	s18 =	spop (v2sf);
	v8 =	vadd.f32 v9, v8;
	v9 =	vld [tilespmem:s0+$0x10]  }
0x184: {  	v4 =	vld [tilespmem:s18+$0x10]  }
0x185: {  	s19 =	spop (v2sf);
	v44 =	vld [tilespmem:s18+$0x0]  }
0x186: {  	v7 =	vadd.f32 v7, v19;
	v11 =	vld [tilespmem:s19+$0x2D50]  }
0x187: {  	v21 =	vld [tilespmem:s19+$0x2D40]  }
0x188: {  	s21 =	spop (v2sf);
	v7 =	vadd.f32 v8, v7;
	v8 =	vld [tilespmem:s8+$0x2D50]  }
0x189: {  	v45 =	vld [tilespmem:s21+$0x5A90]  }
0x18a: {  	s26 =	spop (v2sf);
	v22 =	vld [tilespmem:s21+$0x5A80]  }
0x18b: {  	v13 =	vadd.f32 v39, v20;
	v46 =	vld [tilespmem:s26+$0x87D0]  }
0x18c: {  	v3 =	vadd.f32 v3, v6;
	s30 =	spop (v2sf);
	v25 =	vld [tilespmem:s26+$0x87C0];
	(v2sf) =	vpush v1, $0x9  }
0x18d: {  	v2 =	vadd.f32 v2, v5;
	v5 =	vld [tilespmem:s7+$0x5A90];
	s13 =	spop (v2sf);
	(v2sf) =	vpush v1, $0xA  }
0x18e: {  	v6 =	vadd.f32 v47, v43;
	v23 =	vld [tilespmem:s30+$0xB510];
	(v2sf) =	vpush v1, $0xB  }
0x18f: {  	v10 =	vadd.f32 v10, v41;
	v26 =	vld [tilespmem:s30+$0xB500];
	(v2sf) =	vpush v1, $0xC  }
0x190: {  	v3 =	vadd.f32 v6, v3;
	v6 =	vld [tilespmem:s16+$0xE250];
	(v2sf) =	vpush v1, $0xD  }
0x191: {  	v10 =	vadd.f32 v10, v13;
	v24 =	vld [tilespmem:s13+$0xE250];
	(v2sf) =	vpush v1, $0xE  }
0x192: {  	(v2sf) =	vpush v1, $0xF;
	v1 =	vld [tilespmem:s9+$0x13CC0]  }
0x193: {  	v29 =	vld [tilespmem:s13+$0xE240];
	v3 =	vadd.f32 v3, v10;
	(v2sf) =	vpush v0, $0x8  }
0x194: {  	v14 =	vadd.f32 v49, v48;
	v10 =	vld [tilespmem:s17+$0x10F90];
	s14 =	spop (v2sf);
	(v2sf) =	vpush v0, $0x9  }
0x195: {  	v16 =	vadd.f32 v21, v44;
	[tilespmem:s25+$0xFFFFFFB0] =	vst v3;
	v3 =	vld [tilespmem:s2+$0x13CD0];
	s15 =	spop (v2sf);
	(v2sf) =	vpush v0, $0xA  }
0x196: {  	v8 =	vadd.f32 v8, v9;
	v27 =	vld [tilespmem:s14+$0x10F90];
	(v2sf) =	vpush v0, $0xB  }
0x197: {  	v30 =	vld [tilespmem:s14+$0x10F80];
	(v2sf) =	vpush v0, $0xC;
	v1 =	vadd.f32 v1, v42  }
0x198: {  	v56 =	vadd.f32 v25, v22;
	v28 =	vld [tilespmem:s15+$0x13CD0];
	(v2sf) =	vpush v0, $0xD  }
0x199: {  	v31 =	vld [tilespmem:s15+$0x13CC0];
	(v2sf) =	vpush v0, $0xE;
	v1 =	vadd.f32 v1, v2  }
0x19a: {  	v5 =	vadd.f32 v52, v5;
	v2 =	vld [tilespmem:s16+$0xE240];
	(v2sf) =	vpush v0, $0xF  }
0x19b: {  	v0 =	vadd.f32 v11, v4;
	v4 =	vld [tilespmem:s6+$0x87C0];
	v1 =	vadd.f32 v1, v7;
	s16 =	spop (v2sf)  }
0x19c: {  	v6 =	vadd.f32 v6, v55;
	v51 =	vadd.f32 v24, v23;
	v7 =	vld [tilespmem:s17+$0x10F80];
	s17 =	spop (v2sf)  }
0x19d: {  	v57 =	vadd.f32 v29, v26;
	v3 =	vadd.f32 v3, v10;
	[tilespmem:s25+$0xFFFFFFA0] =	vst v1;
	v1 =	vld [tilespmem:s2+$0x13CC0];
	s18 =	spop (v2sf)  }
0x19e: {  	v5 =	vadd.f32 v5, v8;
	v11 =	vadd.f32 v46, v45;
	s26 =	spop (v2sf);
	v60 =	vld [tilespmem:s1+$0x0]  }
0x19f: {  	v3 =	vadd.f32 v3, v6;
	v53 =	vadd.f32 v28, v27;
	v61 =	vld [tilespmem:s1+$0x10];
	s30 =	spop (v2sf)  }
0x1a0: {  	v58 =	vadd.f32 v31, v30;
	v0 =	vadd.f32 v11, v0;
	v9 =	vld [tilespmem:s16+$0x2D40];
	s5 =	spop (v2sf)  }
0x1a1: {  	v11 =	vadd.f32 v53, v51;
	v62 =	vld [tilespmem:s16+$0x2D50];
	v4 =	vadd.f32 v4, v50;
	s4 =	spop (v2sf)  }
0x1a2: {  	v2 =	vadd.f32 v2, v54;
	v63 =	vld [tilespmem:s17+$0x5A80];
	s3 =	spop (v2sf);
	v1 =	vadd.f32 v1, v7  }
0x1a3: {  	v10 =	vld [tilespmem:s18+$0x87C0];
	v11 =	vadd.f32 v11, v0;
	v4 =	vadd.f32 v4, v14;
	s21 =	spop (v2sf)  }
0x1a4: {  	v0 =	vld [tilespmem:s17+$0x5A90];
	v7 =	vadd.f32 v3, v5;
	s16 =	spop (v2sf);
	v1 =	vadd.f32 v1, v2  }
0x1a5: {  	v16 =	vadd.f32 v56, v16;
	v59 =	vadd.f32 v58, v57;
	v2 =	vld [tilespmem:s18+$0x87D0];
	s19 =	spop (v2sf)  }
0x1a6: {  	[tilespmem:s25+$0xFFFFFFF0] =	vst v7;
	v7 =	vld [tilespmem:s30+$0xE250];
	s15 =	spop (v2sf);
	v6 =	vadd.f32 v1, v4  }
0x1a7: {  	v16 =	vadd.f32 v59, v16;
	[tilespmem:s25+$0x50] =	vst v11;
	v1 =	vld [tilespmem:s26+$0xB500];
	s2 =	spop (v2sf)  }
0x1a8: {  	s28 =	simm.s32 $0x0;
	v3 =	vadd.f32 v9, v60;
	s0 =	spop (v2sf);
	[tilespmem:s25+$0xFFFFFFE0] =	vst v6;
	v6 =	vld [tilespmem:s30+$0xE240]  }
0x1a9: {  	s29 =	simm.s32 $0x17240;
	[tilespmem:s25+$0x40] =	vst v16;
	v5 =	vadd.f32 v62, v61;
	v8 =	vadd.f32 v10, v63;
	v4 =	vld [tilespmem:s26+$0xB510];
	s26 =	simm.s32 $0x1B9B0;
	s31 =	spop (v2sf)  }
.LBB2_6:
0x1aa: {  	v9 =	vld [tilespmem:s29+$0x10];
	v0 =	vadd.f32 v2, v0  }
0x1ab: {  	v2 =	vld [tilespmem:s29+$0x0];
	v3 =	vadd.f32 v8, v3  }
0x1ac: {  	v8 =	vld [tilespmem:s29+$0xFFFFFFF0];
	v5 =	vadd.f32 v0, v5  }
0x1ad: {  	v10 =	vld [tilespmem:s5+$0x10F80];
	v6 =	vadd.f32 v6, v1  }
0x1ae: {  	v11 =	vld [tilespmem:s5+$0x10F90];
	v4 =	vadd.f32 v7, v4  }
0x1af: {  	v0 =	vshll.u32 v9, $0x7;
	v7 =	vld [tilespmem:s4+$0x13CC0]  }
0x1b0: {  	v1 =	vshll.u32 v2, $0x7;
	v2 =	vshra.s32 v0, $0x2;
	v9 =	vld [tilespmem:s4+$0x13CD0]  }
0x1b1: {  	v8 =	vshll.u32 v8, $0x7;
	v0 =	vshra.s32 v1, $0x2;
	(v2sf) =	vpush v2, $0x0;
	v12 =	vld [tilespmem:s3+$0x0]  }
0x1b2: {  	v1 =	vshra.s32 v8, $0x2;
	(v2sf) =	vpush v0, $0x0;
	v8 =	vld [tilespmem:s3+$0x10]  }
0x1b3: {  	(v2sf) =	vpush v2, $0x1;
	v13 =	vld [tilespmem:s21+$0x2D40]  }
0x1b4: {  	(v2sf) =	vpush v1, $0x0;
	v7 =	vadd.f32 v7, v10;
	v10 =	vld [tilespmem:s21+$0x2D50]  }
0x1b5: {  	(v2sf) =	vpush v2, $0x2;
	v9 =	vadd.f32 v9, v11;
	v11 =	vld [tilespmem:s16+$0x5A80]  }
0x1b6: {  	(v2sf) =	vpush v1, $0x1;
	v6 =	vadd.f32 v7, v6;
	v7 =	vld [tilespmem:s16+$0x5A90]  }
0x1b7: {  	(v2sf) =	vpush v2, $0x3;
	v4 =	vadd.f32 v9, v4;
	v9 =	vld [tilespmem:s19+$0x87C0]  }
0x1b8: {  	(v2sf) =	vpush v1, $0x2;
	v14 =	vld [tilespmem:s19+$0x87D0];
	v12 =	vadd.f32 v13, v12  }
0x1b9: {  	(v2sf) =	vpush v2, $0x4;
	v13 =	vld [tilespmem:s15+$0xB500];
	v8 =	vadd.f32 v10, v8  }
0x1ba: {  	v3 =	vadd.f32 v6, v3;
	(v2sf) =	vpush v1, $0x3;
	v6 =	vld [tilespmem:s15+$0xB510]  }
0x1bb: {  	v4 =	vadd.f32 v4, v5;
	(v2sf) =	vpush v2, $0x5;
	v5 =	vld [tilespmem:s2+$0xE240]  }
0x1bc: {  	(v2sf) =	vpush v1, $0x4;
	[tilespmem:s25+$0xFFFFFFC0] =	vst v3;
	v3 =	vld [tilespmem:s2+$0xE250];
	v9 =	vadd.f32 v9, v11  }
0x1bd: {  	(v2sf) =	vpush v2, $0x6;
	[tilespmem:s25+$0xFFFFFFD0] =	vst v4;
	v4 =	vld [tilespmem:s0+$0x10F80];
	v7 =	vadd.f32 v14, v7  }
0x1be: {  	(v2sf) =	vpush v2, $0x7;
	v10 =	vld [tilespmem:s0+$0x10F90];
	v9 =	vadd.f32 v9, v12  }
0x1bf: {  	(v2sf) =	vpush v1, $0x5;
	v11 =	vld [tilespmem:s31+$0x13CC0];
	v7 =	vadd.f32 v7, v8  }
0x1c0: {  	s28 =	sadd.s32 $0x3, s28;
	(v2sf) =	vpush v1, $0x6;
	s0 =	spop (v2sf);
	v8 =	vld [tilespmem:s31+$0x13CD0];
	v5 =	vadd.f32 v5, v13  }
0x1c1: {  	p0 =	slt.u32 s28, $0x7B;
	v12 =	vld [tilespmem:s0+$0x0];
	(v2sf) =	vpush v1, $0x7;
	s31 =	spop (v2sf);
	v3 =	vadd.f32 v3, v6  }
0x1c2: {  	v6 =	vld [tilespmem:s0+$0x10];
	(v2sf) =	vpush v0, $0x1;
	s0 =	spop (v2sf)  }
0x1c3: {  	v13 =	vld [tilespmem:s0+$0x2D40];
	s7 =	spop (v2sf);
	(v2sf) =	vpush v0, $0x2  }
0x1c4: {  	v14 =	vld [tilespmem:s0+$0x2D50];
	(v2sf) =	vpush v0, $0x3;
	s0 =	spop (v2sf);
	v4 =	vadd.f32 v11, v4  }
0x1c5: {  	v11 =	vld [tilespmem:s0+$0x5A80];
	s5 =	spop (v2sf);
	(v2sf) =	vpush v0, $0x4;
	v8 =	vadd.f32 v8, v10  }
0x1c6: {  	v10 =	vld [tilespmem:s0+$0x5A90];
	(v2sf) =	vpush v0, $0x5;
	s0 =	spop (v2sf);
	v4 =	vadd.f32 v4, v5  }
0x1c7: {  	v5 =	vld [tilespmem:s0+$0x87C0];
	s6 =	spop (v2sf);
	(v2sf) =	vpush v0, $0x6;
	v3 =	vadd.f32 v8, v3  }
0x1c8: {  	v8 =	vld [tilespmem:s0+$0x87D0];
	(v2sf) =	vpush v0, $0x7;
	s0 =	spop (v2sf);
	v4 =	vadd.f32 v4, v9  }
0x1c9: {  	v9 =	vld [tilespmem:s0+$0xB500];
	s13 =	spop (v2sf);
	(v2sf) =	vpush v1, $0x8;
	v3 =	vadd.f32 v3, v7  }
0x1ca: {  	v7 =	vld [tilespmem:s0+$0xB510];
	s0 =	spop (v2sf);
	(v2sf) =	vpush v2, $0x8;
	[tilespmem:s25+$0x0] =	vst v4  }
0x1cb: {  	v4 =	vld [tilespmem:s0+$0xE240];
	s4 =	spop (v2sf);
	(v2sf) =	vpush v2, $0x9;
	[tilespmem:s25+$0x10] =	vst v3  }
0x1cc: {  	v3 =	vld [tilespmem:s0+$0xE250];
	s0 =	spop (v2sf);
	(v2sf) =	vpush v2, $0xA  }
0x1cd: {  	v15 =	vld [tilespmem:s0+$0x10F80];
	s2 =	spop (v2sf);
	(v2sf) =	vpush v2, $0xB  }
0x1ce: {  	v16 =	vld [tilespmem:s2+$0x13CC0];
	s3 =	spop (v2sf);
	(v2sf) =	vpush v2, $0xC  }
0x1cf: {  	v17 =	vld [tilespmem:s0+$0x10F90];
	s1 =	spop (v2sf);
	(v2sf) =	vpush v2, $0xD  }
0x1d0: {  	v18 =	vld [tilespmem:s2+$0x13CD0];
	s2 =	spop (v2sf);
	(v2sf) =	vpush v2, $0xE  }
0x1d1: {  	v19 =	vld [tilespmem:s7+$0x0];
	s0 =	spop (v2sf);
	(v2sf) =	vpush v2, $0xF  }
0x1d2: {  	v12 =	vadd.f32 v13, v12;
	v5 =	vadd.f32 v5, v11;
	v2 =	vld [tilespmem:s7+$0x10];
	s12 =	spop (v2sf)  }
0x1d3: {  	v4 =	vadd.f32 v4, v9;
	v11 =	vld [tilespmem:s5+$0x2D40];
	v9 =	vadd.f32 v16, v15;
	s11 =	spop (v2sf)  }
0x1d4: {  	v6 =	vadd.f32 v14, v6;
	v8 =	vadd.f32 v8, v10;
	v13 =	vld [tilespmem:s5+$0x2D50];
	s9 =	spop (v2sf)  }
0x1d5: {  	v3 =	vadd.f32 v3, v7;
	v10 =	vld [tilespmem:s6+$0x5A80];
	v7 =	vadd.f32 v18, v17;
	s10 =	spop (v2sf)  }
0x1d6: {  	v5 =	vadd.f32 v5, v12;
	v4 =	vadd.f32 v9, v4;
	v14 =	vld [tilespmem:s6+$0x5A90];
	s8 =	spop (v2sf)  }
0x1d7: {  	v6 =	vadd.f32 v8, v6;
	v9 =	vld [tilespmem:s13+$0x87C0];
	v3 =	vadd.f32 v7, v3;
	s7 =	spop (v2sf)  }
0x1d8: {  	v4 =	vadd.f32 v4, v5;
	v7 =	vld [tilespmem:s13+$0x87D0];
	s6 =	spop (v2sf);
	(v2sf) =	vpush v1, $0x9  }
0x1d9: {  	s25 =	sadd.s32 $0xC0, s25;
	v5 =	vld [tilespmem:s4+$0xB500];
	v3 =	vadd.f32 v3, v6;
	(v2sf) =	vpush v1, $0xA;
	s5 =	spop (v2sf)  }
0x1da: {  	v8 =	vadd.f32 v11, v19;
	v6 =	vld [tilespmem:s4+$0xB510];
	[tilespmem:s25+$0x20] =	vst v4;
	(v2sf) =	vpush v1, $0xB;
	s4 =	spop (v2sf)  }
0x1db: {  	v2 =	vadd.f32 v13, v2;
	v4 =	vld [tilespmem:s3+$0xE240];
	[tilespmem:s25+$0x30] =	vst v3;
	(v2sf) =	vpush v1, $0xC;
	s13 =	spop (v2sf)  }
0x1dc: {  	v3 =	vadd.f32 v9, v10;
	v9 =	vld [tilespmem:s5+$0x10];
	(v2sf) =	vpush v1, $0xD;
	s15 =	spop (v2sf)  }
0x1dd: {  	v7 =	vadd.f32 v7, v14;
	v10 =	vld [tilespmem:s4+$0x2D50];
	(v2sf) =	vpush v1, $0xE;
	s16 =	spop (v2sf)  }
0x1de: {  	v3 =	vadd.f32 v3, v8;
	v8 =	vld [tilespmem:s13+$0x5A90];
	(v2sf) =	vpush v1, $0xF;
	s19 =	spop (v2sf)  }
0x1df: {  	v1 =	vadd.f32 v7, v2;
	v2 =	vld [tilespmem:s15+$0x87D0];
	(v2sf) =	vpush v0, $0x8;
	s21 =	spop (v2sf)  }
0x1e0: {  	v4 =	vadd.f32 v4, v5;
	v5 =	vld [tilespmem:s16+$0xB510];
	(v2sf) =	vpush v0, $0x9;
	s30 =	spop (v2sf)  }
0x1e1: {  	v7 =	vld [tilespmem:s19+$0xE250];
	(v2sf) =	vpush v0, $0xA  }
0x1e2: {  	v11 =	vld [tilespmem:s21+$0x10F90];
	(v2sf) =	vpush v0, $0xB  }
0x1e3: {  	v12 =	vld [tilespmem:s30+$0x13CD0];
	(v2sf) =	vpush v0, $0xC  }
0x1e4: {  	v13 =	vld [tilespmem:s3+$0xE250];
	(v2sf) =	vpush v0, $0xD  }
0x1e5: {  	v14 =	vld [tilespmem:s1+$0x10F80];
	(v2sf) =	vpush v0, $0xE  }
0x1e6: {  	v15 =	vld [tilespmem:s1+$0x10F90];
	(v2sf) =	vpush v0, $0xF  }
0x1e7: {  	v9 =	vadd.f32 v10, v9;
	v2 =	vadd.f32 v2, v8;
	v0 =	vld [tilespmem:s5+$0x0];
	s18 =	spop (v2sf)  }
0x1e8: {  	v5 =	vadd.f32 v7, v5;
	v8 =	vld [tilespmem:s4+$0x2D40];
	v7 =	vadd.f32 v12, v11;
	s14 =	spop (v2sf)  }
0x1e9: {  	v6 =	vadd.f32 v13, v6;
	v10 =	vld [tilespmem:s13+$0x5A80];
	s13 =	spop (v2sf)  }
0x1ea: {  	v2 =	vadd.f32 v2, v9;
	v11 =	vld [tilespmem:s15+$0x87C0];
	v5 =	vadd.f32 v7, v5;
	s1 =	spop (v2sf)  }
0x1eb: {  	v7 =	vld [tilespmem:s16+$0xB500];
	s17 =	spop (v2sf)  }
0x1ec: {  	v9 =	vld [tilespmem:s19+$0xE240];
	v2 =	vadd.f32 v5, v2;
	s5 =	spop (v2sf)  }
0x1ed: {  	v5 =	vld [tilespmem:s21+$0x10F80];
	v0 =	vadd.f32 v8, v0;
	s4 =	spop (v2sf)  }
0x1ee: {  	v8 =	vld [tilespmem:s30+$0x13CC0];
	[tilespmem:s25+$0x50] =	vst v2;
	s30 =	simm.s32 $0x0;
	s3 =	spop (v2sf)  }
0x1ef: {  	v2 =	vld [tilespmem:s2+$0x13CC0];
	v10 =	vadd.f32 v11, v10;
	s21 =	spop (v2sf)  }
0x1f0: {  	v11 =	vld [tilespmem:s2+$0x13CD0];
	s16 =	spop (v2sf)  }
0x1f1: {  	v12 =	vld [tilespmem:s31+$0x0];
	v0 =	vadd.f32 v10, v0;
	v7 =	vadd.f32 v9, v7;
	s19 =	spop (v2sf)  }
0x1f2: {  	v9 =	vld [tilespmem:s31+$0x10];
	s15 =	spop (v2sf)  }
0x1f3: {  	v10 =	vld [tilespmem:s0+$0x2D40];
	v5 =	vadd.f32 v8, v5;
	s2 =	spop (v2sf)  }
0x1f4: {  	v2 =	vadd.f32 v2, v14;
	v8 =	vld [tilespmem:s0+$0x2D50];
	s0 =	spop (v2sf)  }
0x1f5: {  	v11 =	vadd.f32 v11, v15;
	v13 =	vld [tilespmem:s12+$0x5A80];
	v5 =	vadd.f32 v5, v7;
	s31 =	spop (v2sf)  }
0x1f6: {  	v2 =	vadd.f32 v2, v4;
	v4 =	vld [tilespmem:s12+$0x5A90]  }
0x1f7: {  	v6 =	vadd.f32 v11, v6;
	v7 =	vld [tilespmem:s11+$0x87C0];
	v0 =	vadd.f32 v5, v0  }
0x1f8: {  	v2 =	vadd.f32 v2, v3;
	v3 =	vld [tilespmem:s11+$0x87D0];
	v5 =	vadd.f32 v10, v12  }
0x1f9: {  	v1 =	vadd.f32 v6, v1;
	v6 =	vld [tilespmem:s9+$0xB500];
	v8 =	vadd.f32 v8, v9;
	[tilespmem:s25+$0x40] =	vst v0  }
0x1fa: {  	[tilespmem:s25+$0xFFFFFFA0] =	vst v2;
	v0 =	vld [tilespmem:s9+$0xB510]  }
0x1fb: {  	[tilespmem:s25+$0xFFFFFFB0] =	vst v1;
	v1 =	vld [tilespmem:s10+$0xE240]  }
0x1fc: {  	v2 =	vld [tilespmem:s10+$0xE250];
	v7 =	vadd.f32 v7, v13  }
0x1fd: {  	v9 =	vld [tilespmem:s8+$0x10F80];
	v3 =	vadd.f32 v3, v4  }
0x1fe: {  	v4 =	vld [tilespmem:s8+$0x10F90];
	v5 =	vadd.f32 v7, v5  }
0x1ff: {  	v7 =	vld [tilespmem:s7+$0x13CC0];
	v8 =	vadd.f32 v3, v8  }
0x200: {  	v3 =	vld [tilespmem:s7+$0x13CD0];
	v1 =	vadd.f32 v1, v6  }
0x201: {  	v6 =	vld [tilespmem:s6+$0x0];
	v2 =	vadd.f32 v2, v0  }
0x202: {  	v10 =	vld [tilespmem:s6+$0x10]  }
0x203: {  	v11 =	vld [tilespmem:s18+$0x2D40]  }
0x204: {  	v12 =	vld [tilespmem:s18+$0x2D50];
	v7 =	vadd.f32 v7, v9  }
0x205: {  	v9 =	vld [tilespmem:s14+$0x5A80];
	v3 =	vadd.f32 v3, v4  }
0x206: {  	v0 =	vld [tilespmem:s14+$0x5A90];
	v1 =	vadd.f32 v7, v1  }
0x207: {  	v13 =	vld [tilespmem:s13+$0x87C0];
	v4 =	vadd.f32 v3, v2  }
.Ltmp2:
0x208: {  	v2 =	vld [tilespmem:s13+$0x87D0];
	v3 =	vadd.f32 v11, v6;
	v6 =	vadd.f32 v1, v5;
	(pc) =	sbr.rel @p0 .LBB2_6-.Ltmp2, $4  }
0x209: {  	v1 =	vld [tilespmem:s1+$0xB500];
	v5 =	vadd.f32 v12, v10;
	v7 =	vadd.f32 v4, v8  }
0x20a: {  	v4 =	vld [tilespmem:s1+$0xB510];
	[tilespmem:s25+$0xFFFFFFE0] =	vst v6  }
0x20b: {  	v6 =	vld [tilespmem:s17+$0xE240];
	[tilespmem:s25+$0xFFFFFFF0] =	vst v7  }
0x20c: {  	s29 =	sadd.s32 $0x30, s29;
	v7 =	vld [tilespmem:s17+$0xE250];
	v8 =	vadd.f32 v13, v9  }
0x20d: {  	v9 =	vld [tilespmem:s5+$0x10F80]  }
0x20e: {  	v10 =	vld [tilespmem:s5+$0x10F90]  }
0x20f: {  	v11 =	vld [tilespmem:s4+$0x13CC0]  }
0x210: {  	v12 =	vld [tilespmem:s4+$0x13CD0]  }
0x211: {  	v13 =	vld [tilespmem:s3+$0x0]  }
0x212: {  	v14 =	vld [tilespmem:s3+$0x10]  }
0x213: {  	v15 =	vld [tilespmem:s21+$0x2D40]  }
0x214: {  	v16 =	vld [tilespmem:s21+$0x2D50]  }
0x215: {  	v17 =	vld [tilespmem:s16+$0x5A80]  }
0x216: {  	v18 =	vld [tilespmem:s16+$0x5A90]  }
0x217: {  	v19 =	vld [tilespmem:s19+$0x87C0]  }
0x218: {  	v20 =	vld [tilespmem:s19+$0x87D0]  }
0x219: {  	v21 =	vld [tilespmem:s15+$0xB500]  }
0x21a: {  	v22 =	vld [tilespmem:s15+$0xB510]  }
0x21b: {  	v23 =	vld [tilespmem:s2+$0xE240]  }
0x21c: {  	v49 =	vld [tilespmem:s2+$0xE250]  }
0x21d: {  	v0 =	vadd.f32 v2, v0;
	v50 =	vld [tilespmem:s0+$0x10F80]  }
0x21e: {  	v53 =	vld [tilespmem:s0+$0x10F90]  }
0x21f: {  	v54 =	vld [tilespmem:s31+$0x13CC0];
	v3 =	vadd.f32 v8, v3;
	v0 =	vadd.f32 v0, v5  }
0x220: {  	v55 =	vld [tilespmem:s31+$0x13CD0];
	v1 =	vadd.f32 v6, v1;
	v4 =	vadd.f32 v7, v4  }
0x221: {  	v51 =	vadd.f32 v11, v9;
	v52 =	vadd.f32 v12, v10  }
0x222: {  	v56 =	vadd.f32 v15, v13;
	v57 =	vadd.f32 v16, v14  }
0x223: {  	v58 =	vadd.f32 v19, v17;
	v59 =	vadd.f32 v20, v18  }
0x224: {  	v60 =	vadd.f32 v23, v21;
	v5 =	vadd.f32 v54, v50  }
0x225: {  	v2 =	vadd.f32 v49, v22;
	v61 =	vadd.f32 v55, v53  }
0x226: {  	v1 =	vadd.f32 v51, v1;
	v4 =	vadd.f32 v52, v4  }
0x227: {  	v5 =	vadd.f32 v5, v60;
	v2 =	vadd.f32 v61, v2  }
0x228: {  	v1 =	vadd.f32 v1, v3;
	v3 =	vadd.f32 v58, v56  }
0x229: {  	v0 =	vadd.f32 v4, v0;
	v4 =	vadd.f32 v59, v57  }
0x22a: {  	[tilespmem:s25+$0xFFFFFFC0] =	vst v1;
	v62 =	vadd.f32 v5, v3  }
0x22b: {  	[tilespmem:s25+$0xFFFFFFD0] =	vst v0;
	v63 =	vadd.f32 v2, v4  }
0x22c: {  	[tilespmem:s25+$0x0] =	vst v62  }
0x22d: {  	[tilespmem:s25+$0x10] =	vst v63  }
.LBB2_8:
0x22e: {  	s0 =	sshra.s32 s30, $0x2  }
0x22f: {  	v0 =	vld [tilespmem:s0+$0x179E0];
	_ =	sdelay $0x4  }
0x230: {  	v0 =	vshll.u32 v0, $0x7  }
0x231: {  	v0 =	vshra.s32 v0, $0x2  }
0x232: {  	(v2sf) =	vpush v0, $0x0;
	_ =	sdelay $0x1  }
0x233: {  	(v2sf) =	vpush v0, $0x1;
	_ =	sdelay $0x1  }
0x234: {  	(v2sf) =	vpush v0, $0x2;
	_ =	sdelay $0x1  }
0x235: {  	(v2sf) =	vpush v0, $0x3;
	_ =	sdelay $0x1  }
0x236: {  	(v2sf) =	vpush v0, $0x4;
	_ =	sdelay $0x1  }
0x237: {  	(v2sf) =	vpush v0, $0x5;
	_ =	sdelay $0x1  }
0x238: {  	(v2sf) =	vpush v0, $0x6;
	_ =	sdelay $0x1  }
0x239: {  	(v2sf) =	vpush v0, $0x7  }
0x23a: {  	s10 =	spop (v2sf)  }
0x23b: {  	v1 =	vld [tilespmem:s10+$0x0]  }
0x23c: {  	v2 =	vld [tilespmem:s10+$0x10];
	s11 =	spop (v2sf)  }
0x23d: {  	v3 =	vld [tilespmem:s11+$0x2D40]  }
0x23e: {  	v4 =	vld [tilespmem:s11+$0x2D50];
	s12 =	spop (v2sf)  }
0x23f: {  	v5 =	vld [tilespmem:s12+$0x5A80]  }
0x240: {  	v6 =	vld [tilespmem:s12+$0x5A90];
	s13 =	spop (v2sf)  }
0x241: {  	v7 =	vld [tilespmem:s13+$0x87C0]  }
0x242: {  	v8 =	vld [tilespmem:s13+$0x87D0];
	s14 =	spop (v2sf)  }
0x243: {  	v9 =	vld [tilespmem:s14+$0xB500]  }
0x244: {  	v10 =	vld [tilespmem:s14+$0xB510];
	s15 =	spop (v2sf)  }
0x245: {  	v11 =	vld [tilespmem:s15+$0xE240]  }
0x246: {  	(v2sf) =	vpush v0, $0x8;
	v12 =	vld [tilespmem:s15+$0xE250];
	s16 =	spop (v2sf)  }
0x247: {  	(v2sf) =	vpush v0, $0x9;
	v13 =	vld [tilespmem:s16+$0x10F80]  }
0x248: {  	(v2sf) =	vpush v0, $0xA;
	s1 =	spop (v2sf);
	v15 =	vld [tilespmem:s16+$0x10F90]  }
0x249: {  	(v2sf) =	vpush v0, $0xB;
	v14 =	vld [tilespmem:s1+$0x13CC0]  }
0x24a: {  	(v2sf) =	vpush v0, $0xC;
	v36 =	vld [tilespmem:s1+$0x13CD0]  }
0x24b: {  	(v2sf) =	vpush v0, $0xD  }
0x24c: {  	v1 =	vadd.f32 v3, v1;
	v2 =	vadd.f32 v4, v2  }
0x24d: {  	v35 =	vadd.f32 v7, v5;
	v39 =	vadd.f32 v8, v6  }
0x24e: {  	v37 =	vadd.f32 v11, v9;
	v38 =	vadd.f32 v14, v13  }
0x24f: {  	v40 =	vadd.f32 v12, v10;
	v5 =	vadd.f32 v36, v15  }
0x250: {  	v1 =	vadd.f32 v35, v1;
	v3 =	vadd.f32 v38, v37  }
0x251: {  	v2 =	vadd.f32 v39, v2;
	v41 =	vadd.f32 v5, v40  }
0x252: {  	(v2sf) =	vpush v0, $0xE;
	v1 =	vadd.f32 v3, v1  }
0x253: {  	v2 =	vadd.f32 v41, v2  }
0x254: {  	(v2sf) =	vpush v0, $0xF;
	[tilespmem:s26+$0xFFFFFFD0] =	vst v1  }
0x255: {  	s17 =	spop (v2sf);
	[tilespmem:s26+$0xFFFFFFE0] =	vst v2  }
0x256: {  	v42 =	vld [tilespmem:s17+$0x0]  }
0x257: {  	s18 =	spop (v2sf);
	v1 =	vld [tilespmem:s17+$0x10]  }
0x258: {  	v2 =	vld [tilespmem:s18+$0x2D40]  }
0x259: {  	s19 =	spop (v2sf);
	v43 =	vld [tilespmem:s18+$0x2D50]  }
0x25a: {  	v44 =	vld [tilespmem:s19+$0x5A80]  }
0x25b: {  	s21 =	spop (v2sf);
	v45 =	vld [tilespmem:s19+$0x5A90]  }
0x25c: {  	v46 =	vld [tilespmem:s21+$0x87C0]  }
0x25d: {  	s25 =	spop (v2sf);
	v47 =	vld [tilespmem:s21+$0x87D0]  }
0x25e: {  	v48 =	vld [tilespmem:s25+$0xB500]  }
0x25f: {  	s28 =	spop (v2sf);
	v49 =	vld [tilespmem:s25+$0xB510]  }
0x260: {  	v50 =	vld [tilespmem:s28+$0xE240]  }
0x261: {  	s29 =	spop (v2sf);
	v51 =	vld [tilespmem:s28+$0xE250]  }
0x262: {  	v52 =	vld [tilespmem:s29+$0x10F80]  }
0x263: {  	s31 =	spop (v2sf);
	v54 =	vld [tilespmem:s29+$0x10F90]  }
0x264: {  	v53 =	vld [tilespmem:s31+$0x13CC0]  }
0x265: {  	v55 =	vld [tilespmem:s31+$0x13CD0];
	_ =	sdelay $0x1  }
0x266: {  	v0 =	vadd.f32 v2, v42;
	v56 =	vadd.f32 v46, v44  }
0x267: {  	v1 =	vadd.f32 v43, v1;
	v59 =	vadd.f32 v47, v45  }
0x268: {  	v57 =	vadd.f32 v50, v48;
	v58 =	vadd.f32 v53, v52  }
0x269: {  	v60 =	vadd.f32 v51, v49;
	v61 =	vadd.f32 v55, v54  }
0x26a: {  	p0 =	sne.s32 s30, $0x40;
	v0 =	vadd.f32 v56, v0;
	v62 =	vadd.f32 v58, v57  }
.Ltmp3:
0x26b: {  	v1 =	vadd.f32 v59, v1;
	v63 =	vadd.f32 v61, v60;
	(pc) =	sbr.rel @p0 .LBB2_8-.Ltmp3, $4  }
0x26c: {  	v0 =	vadd.f32 v62, v0  }
0x26d: {  	v1 =	vadd.f32 v63, v1  }
0x26e: {  	[tilespmem:s26+$0xFFFFFFF0] =	vst v0  }
0x26f: {  	s30 =	sadd.s32 $0x40, s30;
	[tilespmem:s26+$0x0] =	vst v1;
	s26 =	sadd.s32 $0x40, s26  }
0x270: {  	s0 =	rddreg [dreg:$0x9];
	s1 =	simm.s32 $0x20  }
0x271: {  	s2 =	simm.s32 $0x40;
	s3 =	simm.s32 $0x19A00;
	s10 =	simm.s32 $0x0  }
0x272: {  	[hbm4b:s0+s1] =	stream.strided.scatter [tilespmem:s3], [sflag:$0x5], $0x2000, s2, s1, $0x38;
	[tilespmem:$0x1BA00] =	vst v63  }
0x273: {  	s11 =	rddreg [dreg:$0xa];
	s12 =	simm.s32 $0x17200;
	s13 =	simm.s32 $0x2  }
0x274: {  	[tilespmem:s12], [sflag:$0x3] =	stream.linear.gather [hbm4b:s11+s10], $0x800, $0x38;
	[tilespmem:$0x1BA00] =	vst v63  }
0x275: {  	_ =	swait.ge [sflag:s13], $0x800  }
0x276: {  	[sflag:s13] =	ssyncset.done $0x0  }
0x277: {  	[sflag:s13] =	ssyncadd.s32 $0xFFFFF800  }
0x278: {  	_ =	swait.ge [sflag:s22], $0x2000  }
0x279: {  	[sflag:s22] =	ssyncset.done $0x0  }
0x27a: {  	s14 =	simm.s32 $0x16A10;
	[sflag:s22] =	ssyncadd.s32 $0xFFFFE000  }
0x27b: {  	v0 =	vld [tilespmem:s14+$0x10];
	_ =	sdelay $0x1  }
0x27c: {  	v1 =	vld [tilespmem:s14+$0x0];
	_ =	sdelay $0x2  }
0x27d: {  	v2 =	vld [tilespmem:s14+$0xFFFFFFF0];
	v0 =	vshll.u32 v0, $0x7  }
0x27e: {  	v3 =	vshra.s32 v0, $0x2  }
0x27f: {  	v1 =	vshll.u32 v1, $0x7;
	(v2sf) =	vpush v3, $0x0  }
0x280: {  	v0 =	vshra.s32 v1, $0x2  }
0x281: {  	(v2sf) =	vpush v0, $0x0  }
0x282: {  	v1 =	vshll.u32 v2, $0x7;
	(v2sf) =	vpush v3, $0x1  }
0x283: {  	v1 =	vshra.s32 v1, $0x2  }
0x284: {  	(v2sf) =	vpush v1, $0x0;
	_ =	sdelay $0x1  }
0x285: {  	(v2sf) =	vpush v3, $0x2;
	_ =	sdelay $0x1  }
0x286: {  	(v2sf) =	vpush v1, $0x1;
	_ =	sdelay $0x1  }
0x287: {  	(v2sf) =	vpush v3, $0x3;
	_ =	sdelay $0x1  }
0x288: {  	(v2sf) =	vpush v1, $0x2  }
0x289: {  	(v2sf) =	vpush v3, $0x4  }
0x28a: {  	s15 =	spop (v2sf)  }
0x28b: {  	(v2sf) =	vpush v1, $0x3;
	v2 =	vld [tilespmem:s15+$0x0]  }
0x28c: {  	(v2sf) =	vpush v3, $0x5;
	s0 =	spop (v2sf);
	v4 =	vld [tilespmem:s15+$0x10]  }
0x28d: {  	s16 =	spop (v2sf);
	v47 =	vld [tilespmem:s0+$0x0]  }
0x28e: {  	v5 =	vld [tilespmem:s16+$0x2D40]  }
0x28f: {  	(v2sf) =	vpush v1, $0x4;
	s17 =	spop (v2sf);
	v6 =	vld [tilespmem:s16+$0x2D50]  }
0x290: {  	(v2sf) =	vpush v3, $0x6;
	v19 =	vld [tilespmem:s17+$0x0]  }
0x291: {  	s18 =	spop (v2sf);
	v20 =	vld [tilespmem:s17+$0x10]  }
0x292: {  	(v2sf) =	vpush v3, $0x7;
	v7 =	vld [tilespmem:s18+$0x5A80]  }
0x293: {  	(v2sf) =	vpush v1, $0x5;
	s19 =	spop (v2sf);
	v8 =	vld [tilespmem:s18+$0x5A90]  }
0x294: {  	(v2sf) =	vpush v1, $0x6;
	v21 =	vld [tilespmem:s19+$0x2D40]  }
0x295: {  	(v2sf) =	vpush v1, $0x7;
	s21 =	spop (v2sf);
	v22 =	vld [tilespmem:s19+$0x2D50]  }
0x296: {  	(v2sf) =	vpush v0, $0x1;
	v9 =	vld [tilespmem:s21+$0x87C0]  }
0x297: {  	s4 =	spop (v2sf);
	v10 =	vld [tilespmem:s21+$0x87D0]  }
0x298: {  	(v2sf) =	vpush v0, $0x2;
	s25 =	spop (v2sf);
	v38 =	vld [tilespmem:s4+$0x5A90]  }
0x299: {  	v11 =	vld [tilespmem:s25+$0xB500]  }
0x29a: {  	(v2sf) =	vpush v0, $0x3;
	s5 =	spop (v2sf);
	v12 =	vld [tilespmem:s25+$0xB510]  }
0x29b: {  	(v2sf) =	vpush v0, $0x4;
	s26 =	spop (v2sf);
	v40 =	vld [tilespmem:s5+$0x87D0]  }
0x29c: {  	(v2sf) =	vpush v0, $0x5;
	v13 =	vld [tilespmem:s26+$0xE240]  }
0x29d: {  	(v2sf) =	vpush v0, $0x6;
	v2 =	vadd.f32 v5, v2;
	v14 =	vld [tilespmem:s26+$0xE250]  }
0x29e: {  	v4 =	vadd.f32 v6, v4;
	s10 =	spop (v2sf);
	v5 =	vadd.f32 v9, v7;
	v7 =	vld [tilespmem:s4+$0x5A80]  }
0x29f: {  	(v2sf) =	vpush v0, $0x7;
	s29 =	spop (v2sf);
	v6 =	vadd.f32 v10, v8;
	v8 =	vld [tilespmem:s5+$0x87C0]  }
0x2a0: {  	(v2sf) =	vpush v1, $0x8;
	v15 =	vld [tilespmem:s29+$0x10F80]  }
0x2a1: {  	(v2sf) =	vpush v3, $0x8;
	s6 =	spop (v2sf);
	v17 =	vld [tilespmem:s29+$0x10F90]  }
0x2a2: {  	v16 =	vld [tilespmem:s6+$0x13CC0];
	s30 =	spop (v2sf)  }
0x2a3: {  	(v2sf) =	vpush v3, $0x9;
	v18 =	vld [tilespmem:s6+$0x13CD0];
	s11 =	spop (v2sf)  }
0x2a4: {  	s9 =	spop (v2sf);
	v7 =	vadd.f32 v8, v7;
	v8 =	vld [tilespmem:s0+$0x10]  }
0x2a5: {  	(v2sf) =	vpush v3, $0xA;
	s8 =	spop (v2sf);
	v46 =	vld [tilespmem:s9+$0x13CD0]  }
0x2a6: {  	(v2sf) =	vpush v3, $0xB;
	v2 =	vadd.f32 v5, v2;
	v48 =	vld [tilespmem:s8+$0x2D40]  }
0x2a7: {  	v9 =	vadd.f32 v13, v11;
	v11 =	vadd.f32 v16, v15;
	s7 =	spop (v2sf);
	v49 =	vld [tilespmem:s8+$0x2D50]  }
0x2a8: {  	v10 =	vadd.f32 v14, v12;
	v39 =	vadd.f32 v18, v17;
	v50 =	vld [tilespmem:s7+$0x5A80]  }
0x2a9: {  	v4 =	vadd.f32 v6, v4;
	v5 =	vadd.f32 v11, v9;
	v9 =	vld [tilespmem:s10+$0xB500]  }
0x2aa: {  	(v2sf) =	vpush v3, $0xC;
	s3 =	spop (v2sf);
	v6 =	vadd.f32 v39, v10;
	v10 =	vld [tilespmem:s10+$0xB510]  }
0x2ab: {  	(v2sf) =	vpush v3, $0xD;
	s4 =	spop (v2sf);
	v52 =	vld [tilespmem:s3+$0x87D0]  }
0x2ac: {  	s18 =	spop (v2sf);
	(v2sf) =	vpush v3, $0xE;
	v2 =	vadd.f32 v5, v2;
	v5 =	vld [tilespmem:s30+$0xE240]  }
0x2ad: {  	s19 =	spop (v2sf);
	(v2sf) =	vpush v3, $0xF;
	v3 =	vadd.f32 v6, v4;
	v4 =	vld [tilespmem:s30+$0xE250]  }
0x2ae: {  	s25 =	simm.s32 $0x17A60;
	s2 =	spop (v2sf);
	v57 =	vld [tilespmem:s19+$0x10F90]  }
0x2af: {  	s21 =	spop (v2sf);
	[tilespmem:s25+$0x20] =	vst v2;
	v2 =	vld [tilespmem:s11+$0x10F80]  }
0x2b0: {  	[tilespmem:s25+$0x30] =	vst v3;
	v3 =	vld [tilespmem:s11+$0x10F90];
	s29 =	spop (v2sf)  }
0x2b1: {  	v6 =	vld [tilespmem:s29+$0x10]  }
0x2b2: {  	s30 =	spop (v2sf);
	v41 =	vld [tilespmem:s29+$0x0]  }
0x2b3: {  	v11 =	vld [tilespmem:s30+$0x2D50]  }
0x2b4: {  	v42 =	vld [tilespmem:s30+$0x2D40]  }
0x2b5: {  	v5 =	vadd.f32 v5, v9;
	v9 =	vld [tilespmem:s7+$0x5A90]  }
0x2b6: {  	s12 =	spop (v2sf);
	v4 =	vadd.f32 v4, v10;
	v10 =	vld [tilespmem:s4+$0xB510]  }
0x2b7: {  	v43 =	vld [tilespmem:s12+$0x5A90]  }
0x2b8: {  	s13 =	spop (v2sf);
	v45 =	vld [tilespmem:s12+$0x5A80]  }
0x2b9: {  	v20 =	vadd.f32 v22, v20;
	v44 =	vld [tilespmem:s13+$0x87D0];
	s14 =	spop (v2sf);
	(v2sf) =	vpush v1, $0x9  }
0x2ba: {  	v13 =	vadd.f32 v40, v38;
	v23 =	vld [tilespmem:s13+$0x87C0];
	s15 =	spop (v2sf);
	(v2sf) =	vpush v1, $0xA  }
0x2bb: {  	v3 =	vadd.f32 v46, v3;
	v24 =	vld [tilespmem:s14+$0xB510];
	(v2sf) =	vpush v1, $0xB  }
0x2bc: {  	v13 =	vadd.f32 v13, v20;
	v26 =	vld [tilespmem:s14+$0xB500];
	(v2sf) =	vpush v1, $0xC  }
0x2bd: {  	v25 =	vld [tilespmem:s15+$0xE250];
	v3 =	vadd.f32 v3, v4;
	(v2sf) =	vpush v1, $0xD  }
0x2be: {  	v19 =	vadd.f32 v21, v19;
	v27 =	vld [tilespmem:s15+$0xE240];
	(v2sf) =	vpush v1, $0xE  }
0x2bf: {  	v3 =	vadd.f32 v3, v13;
	(v2sf) =	vpush v1, $0xF;
	v1 =	vld [tilespmem:s9+$0x13CC0]  }
0x2c0: {  	v7 =	vadd.f32 v7, v19;
	v4 =	vld [tilespmem:s18+$0xE250];
	s16 =	spop (v2sf);
	(v2sf) =	vpush v0, $0x8  }
0x2c1: {  	v14 =	vadd.f32 v48, v47;
	[tilespmem:s25+$0xFFFFFFB0] =	vst v3;
	v3 =	vld [tilespmem:s2+$0x13CD0];
	s17 =	spop (v2sf);
	(v2sf) =	vpush v0, $0x9  }
0x2c2: {  	v8 =	vadd.f32 v49, v8;
	v28 =	vld [tilespmem:s16+$0x10F90];
	(v2sf) =	vpush v0, $0xA  }
0x2c3: {  	v12 =	vadd.f32 v42, v41;
	v30 =	vld [tilespmem:s16+$0x10F80];
	(v2sf) =	vpush v0, $0xB  }
0x2c4: {  	v29 =	vld [tilespmem:s17+$0x13CD0];
	(v2sf) =	vpush v0, $0xC;
	v1 =	vadd.f32 v1, v2  }
0x2c5: {  	v9 =	vadd.f32 v52, v9;
	v31 =	vld [tilespmem:s17+$0x13CC0];
	(v2sf) =	vpush v0, $0xD  }
0x2c6: {  	v2 =	vld [tilespmem:s4+$0xB500];
	(v2sf) =	vpush v0, $0xE;
	v1 =	vadd.f32 v1, v5  }
0x2c7: {  	v54 =	vadd.f32 v23, v45;
	v5 =	vld [tilespmem:s18+$0xE240];
	(v2sf) =	vpush v0, $0xF  }
0x2c8: {  	v0 =	vadd.f32 v11, v6;
	v6 =	vld [tilespmem:s3+$0x87C0];
	v1 =	vadd.f32 v1, v7;
	s18 =	spop (v2sf)  }
0x2c9: {  	v51 =	vadd.f32 v25, v24;
	v55 =	vadd.f32 v27, v26;
	v7 =	vld [tilespmem:s19+$0x10F80];
	s19 =	spop (v2sf)  }
0x2ca: {  	v12 =	vadd.f32 v54, v12;
	v4 =	vadd.f32 v4, v10;
	[tilespmem:s25+$0xFFFFFFA0] =	vst v1;
	v1 =	vld [tilespmem:s2+$0x13CC0];
	s26 =	spop (v2sf)  }
0x2cb: {  	v11 =	vadd.f32 v44, v43;
	v53 =	vadd.f32 v29, v28;
	s29 =	spop (v2sf);
	v59 =	vld [tilespmem:s21+$0x0]  }
0x2cc: {  	v3 =	vadd.f32 v3, v57;
	v56 =	vadd.f32 v31, v30;
	v60 =	vld [tilespmem:s21+$0x10];
	s30 =	spop (v2sf)  }
0x2cd: {  	v0 =	vadd.f32 v11, v0;
	v11 =	vadd.f32 v53, v51;
	v61 =	vld [tilespmem:s18+$0x2D40];
	s5 =	spop (v2sf)  }
0x2ce: {  	v3 =	vadd.f32 v3, v4;
	v58 =	vadd.f32 v56, v55;
	v62 =	vld [tilespmem:s18+$0x2D50];
	s4 =	spop (v2sf)  }
0x2cf: {  	v11 =	vadd.f32 v11, v0;
	v63 =	vld [tilespmem:s19+$0x5A80];
	v6 =	vadd.f32 v6, v50;
	s21 =	spop (v2sf)  }
0x2d0: {  	v2 =	vadd.f32 v5, v2;
	v0 =	vld [tilespmem:s19+$0x5A90];
	v1 =	vadd.f32 v1, v7;
	s3 =	spop (v2sf)  }
0x2d1: {  	v10 =	vld [tilespmem:s26+$0x87C0];
	v5 =	vadd.f32 v6, v14;
	v6 =	vadd.f32 v9, v8;
	s16 =	spop (v2sf)  }
0x2d2: {  	v12 =	vadd.f32 v58, v12;
	v1 =	vadd.f32 v1, v2;
	v2 =	vld [tilespmem:s26+$0x87D0];
	s19 =	spop (v2sf)  }
0x2d3: {  	v4 =	vld [tilespmem:s29+$0xB510];
	[tilespmem:s25+$0x50] =	vst v11;
	v7 =	vadd.f32 v3, v6;
	s15 =	spop (v2sf)  }
0x2d4: {  	[tilespmem:s25+$0x40] =	vst v12;
	v6 =	vld [tilespmem:s30+$0xE240];
	v5 =	vadd.f32 v1, v5;
	s2 =	spop (v2sf)  }
0x2d5: {  	v3 =	vadd.f32 v61, v59;
	[tilespmem:s25+$0xFFFFFFF0] =	vst v7;
	v1 =	vld [tilespmem:s29+$0xB500];
	s0 =	spop (v2sf)  }
0x2d6: {  	s28 =	simm.s32 $0x16A40;
	v8 =	vadd.f32 v10, v63;
	s26 =	simm.s32 $0x0;
	v7 =	vld [tilespmem:s30+$0xE250];
	[tilespmem:s25+$0xFFFFFFE0] =	vst v5;
	v5 =	vadd.f32 v62, v60;
	s31 =	spop (v2sf)  }
.LBB2_10:
0x2d7: {  	v9 =	vld [tilespmem:s28+$0x10];
	v0 =	vadd.f32 v2, v0  }
0x2d8: {  	v2 =	vld [tilespmem:s28+$0x0];
	v3 =	vadd.f32 v8, v3  }
0x2d9: {  	v8 =	vld [tilespmem:s28+$0xFFFFFFF0];
	v5 =	vadd.f32 v0, v5  }
0x2da: {  	v10 =	vld [tilespmem:s5+$0x10F80];
	v6 =	vadd.f32 v6, v1  }
0x2db: {  	v11 =	vld [tilespmem:s5+$0x10F90];
	v4 =	vadd.f32 v7, v4  }
0x2dc: {  	v0 =	vshll.u32 v9, $0x7;
	v7 =	vld [tilespmem:s4+$0x13CC0]  }
0x2dd: {  	v1 =	vshll.u32 v2, $0x7;
	v2 =	vshra.s32 v0, $0x2;
	v9 =	vld [tilespmem:s4+$0x13CD0]  }
0x2de: {  	v8 =	vshll.u32 v8, $0x7;
	v0 =	vshra.s32 v1, $0x2;
	(v2sf) =	vpush v2, $0x0;
	v12 =	vld [tilespmem:s21+$0x0]  }
0x2df: {  	v1 =	vshra.s32 v8, $0x2;
	(v2sf) =	vpush v0, $0x0;
	v8 =	vld [tilespmem:s21+$0x10]  }
0x2e0: {  	(v2sf) =	vpush v2, $0x1;
	v13 =	vld [tilespmem:s3+$0x2D40]  }
0x2e1: {  	(v2sf) =	vpush v1, $0x0;
	v7 =	vadd.f32 v7, v10;
	v10 =	vld [tilespmem:s3+$0x2D50]  }
0x2e2: {  	(v2sf) =	vpush v2, $0x2;
	v9 =	vadd.f32 v9, v11;
	v11 =	vld [tilespmem:s16+$0x5A80]  }
0x2e3: {  	(v2sf) =	vpush v1, $0x1;
	v6 =	vadd.f32 v7, v6;
	v7 =	vld [tilespmem:s16+$0x5A90]  }
0x2e4: {  	(v2sf) =	vpush v2, $0x3;
	v4 =	vadd.f32 v9, v4;
	v9 =	vld [tilespmem:s19+$0x87C0]  }
0x2e5: {  	(v2sf) =	vpush v1, $0x2;
	v14 =	vld [tilespmem:s19+$0x87D0];
	v12 =	vadd.f32 v13, v12  }
0x2e6: {  	(v2sf) =	vpush v2, $0x4;
	v13 =	vld [tilespmem:s15+$0xB500];
	v8 =	vadd.f32 v10, v8  }
0x2e7: {  	v3 =	vadd.f32 v6, v3;
	(v2sf) =	vpush v1, $0x3;
	v6 =	vld [tilespmem:s15+$0xB510]  }
0x2e8: {  	v4 =	vadd.f32 v4, v5;
	(v2sf) =	vpush v2, $0x5;
	v5 =	vld [tilespmem:s2+$0xE240]  }
0x2e9: {  	(v2sf) =	vpush v1, $0x4;
	[tilespmem:s25+$0xFFFFFFC0] =	vst v3;
	v3 =	vld [tilespmem:s2+$0xE250];
	v9 =	vadd.f32 v9, v11  }
0x2ea: {  	(v2sf) =	vpush v2, $0x6;
	[tilespmem:s25+$0xFFFFFFD0] =	vst v4;
	v4 =	vld [tilespmem:s0+$0x10F80];
	v7 =	vadd.f32 v14, v7  }
0x2eb: {  	(v2sf) =	vpush v2, $0x7;
	v10 =	vld [tilespmem:s0+$0x10F90];
	v9 =	vadd.f32 v9, v12  }
0x2ec: {  	(v2sf) =	vpush v1, $0x5;
	v11 =	vld [tilespmem:s31+$0x13CC0];
	v7 =	vadd.f32 v7, v8  }
0x2ed: {  	s26 =	sadd.s32 $0x3, s26;
	(v2sf) =	vpush v1, $0x6;
	s0 =	spop (v2sf);
	v8 =	vld [tilespmem:s31+$0x13CD0];
	v5 =	vadd.f32 v5, v13  }
0x2ee: {  	p0 =	slt.u32 s26, $0x7B;
	v12 =	vld [tilespmem:s0+$0x0];
	(v2sf) =	vpush v1, $0x7;
	s31 =	spop (v2sf);
	v3 =	vadd.f32 v3, v6  }
0x2ef: {  	v6 =	vld [tilespmem:s0+$0x10];
	(v2sf) =	vpush v0, $0x1;
	s0 =	spop (v2sf)  }
0x2f0: {  	v13 =	vld [tilespmem:s0+$0x2D40];
	s7 =	spop (v2sf);
	(v2sf) =	vpush v0, $0x2  }
0x2f1: {  	v14 =	vld [tilespmem:s0+$0x2D50];
	(v2sf) =	vpush v0, $0x3;
	s0 =	spop (v2sf);
	v4 =	vadd.f32 v11, v4  }
0x2f2: {  	v11 =	vld [tilespmem:s0+$0x5A80];
	s5 =	spop (v2sf);
	(v2sf) =	vpush v0, $0x4;
	v8 =	vadd.f32 v8, v10  }
0x2f3: {  	v10 =	vld [tilespmem:s0+$0x5A90];
	(v2sf) =	vpush v0, $0x5;
	s0 =	spop (v2sf);
	v4 =	vadd.f32 v4, v5  }
0x2f4: {  	v5 =	vld [tilespmem:s0+$0x87C0];
	s6 =	spop (v2sf);
	(v2sf) =	vpush v0, $0x6;
	v3 =	vadd.f32 v8, v3  }
0x2f5: {  	v8 =	vld [tilespmem:s0+$0x87D0];
	(v2sf) =	vpush v0, $0x7;
	s0 =	spop (v2sf);
	v4 =	vadd.f32 v4, v9  }
0x2f6: {  	v9 =	vld [tilespmem:s0+$0xB500];
	s13 =	spop (v2sf);
	(v2sf) =	vpush v1, $0x8;
	v3 =	vadd.f32 v3, v7  }
0x2f7: {  	v7 =	vld [tilespmem:s0+$0xB510];
	s0 =	spop (v2sf);
	(v2sf) =	vpush v2, $0x8;
	[tilespmem:s25+$0x0] =	vst v4  }
0x2f8: {  	v4 =	vld [tilespmem:s0+$0xE240];
	s4 =	spop (v2sf);
	(v2sf) =	vpush v2, $0x9;
	[tilespmem:s25+$0x10] =	vst v3  }
0x2f9: {  	v3 =	vld [tilespmem:s0+$0xE250];
	s0 =	spop (v2sf);
	(v2sf) =	vpush v2, $0xA  }
0x2fa: {  	v15 =	vld [tilespmem:s0+$0x10F80];
	s2 =	spop (v2sf);
	(v2sf) =	vpush v2, $0xB  }
0x2fb: {  	v16 =	vld [tilespmem:s2+$0x13CC0];
	s3 =	spop (v2sf);
	(v2sf) =	vpush v2, $0xC  }
0x2fc: {  	v17 =	vld [tilespmem:s0+$0x10F90];
	s1 =	spop (v2sf);
	(v2sf) =	vpush v2, $0xD  }
0x2fd: {  	v18 =	vld [tilespmem:s2+$0x13CD0];
	s2 =	spop (v2sf);
	(v2sf) =	vpush v2, $0xE  }
0x2fe: {  	v19 =	vld [tilespmem:s7+$0x0];
	s0 =	spop (v2sf);
	(v2sf) =	vpush v2, $0xF  }
0x2ff: {  	v12 =	vadd.f32 v13, v12;
	v5 =	vadd.f32 v5, v11;
	v2 =	vld [tilespmem:s7+$0x10];
	s12 =	spop (v2sf)  }
0x300: {  	v4 =	vadd.f32 v4, v9;
	v11 =	vld [tilespmem:s5+$0x2D40];
	v9 =	vadd.f32 v16, v15;
	s11 =	spop (v2sf)  }
0x301: {  	v6 =	vadd.f32 v14, v6;
	v8 =	vadd.f32 v8, v10;
	v13 =	vld [tilespmem:s5+$0x2D50];
	s9 =	spop (v2sf)  }
0x302: {  	v3 =	vadd.f32 v3, v7;
	v10 =	vld [tilespmem:s6+$0x5A80];
	v7 =	vadd.f32 v18, v17;
	s10 =	spop (v2sf)  }
0x303: {  	v5 =	vadd.f32 v5, v12;
	v4 =	vadd.f32 v9, v4;
	v14 =	vld [tilespmem:s6+$0x5A90];
	s8 =	spop (v2sf)  }
0x304: {  	v6 =	vadd.f32 v8, v6;
	v9 =	vld [tilespmem:s13+$0x87C0];
	v3 =	vadd.f32 v7, v3;
	s7 =	spop (v2sf)  }
0x305: {  	v4 =	vadd.f32 v4, v5;
	v7 =	vld [tilespmem:s13+$0x87D0];
	s6 =	spop (v2sf);
	(v2sf) =	vpush v1, $0x9  }
0x306: {  	s25 =	sadd.s32 $0xC0, s25;
	v5 =	vld [tilespmem:s4+$0xB500];
	v3 =	vadd.f32 v3, v6;
	(v2sf) =	vpush v1, $0xA;
	s5 =	spop (v2sf)  }
0x307: {  	v8 =	vadd.f32 v11, v19;
	v6 =	vld [tilespmem:s4+$0xB510];
	[tilespmem:s25+$0x20] =	vst v4;
	(v2sf) =	vpush v1, $0xB;
	s4 =	spop (v2sf)  }
0x308: {  	v2 =	vadd.f32 v13, v2;
	v4 =	vld [tilespmem:s3+$0xE240];
	[tilespmem:s25+$0x30] =	vst v3;
	(v2sf) =	vpush v1, $0xC;
	s13 =	spop (v2sf)  }
0x309: {  	v3 =	vadd.f32 v9, v10;
	v9 =	vld [tilespmem:s5+$0x10];
	(v2sf) =	vpush v1, $0xD;
	s15 =	spop (v2sf)  }
0x30a: {  	v7 =	vadd.f32 v7, v14;
	v10 =	vld [tilespmem:s4+$0x2D50];
	(v2sf) =	vpush v1, $0xE;
	s16 =	spop (v2sf)  }
0x30b: {  	v3 =	vadd.f32 v3, v8;
	v8 =	vld [tilespmem:s13+$0x5A90];
	(v2sf) =	vpush v1, $0xF;
	s19 =	spop (v2sf)  }
0x30c: {  	v1 =	vadd.f32 v7, v2;
	v2 =	vld [tilespmem:s15+$0x87D0];
	(v2sf) =	vpush v0, $0x8;
	s21 =	spop (v2sf)  }
0x30d: {  	v4 =	vadd.f32 v4, v5;
	v5 =	vld [tilespmem:s16+$0xB510];
	(v2sf) =	vpush v0, $0x9;
	s29 =	spop (v2sf)  }
0x30e: {  	v7 =	vld [tilespmem:s19+$0xE250];
	(v2sf) =	vpush v0, $0xA  }
0x30f: {  	v11 =	vld [tilespmem:s21+$0x10F90];
	(v2sf) =	vpush v0, $0xB  }
0x310: {  	v12 =	vld [tilespmem:s29+$0x13CD0];
	(v2sf) =	vpush v0, $0xC  }
0x311: {  	v13 =	vld [tilespmem:s3+$0xE250];
	(v2sf) =	vpush v0, $0xD  }
0x312: {  	v14 =	vld [tilespmem:s1+$0x10F80];
	(v2sf) =	vpush v0, $0xE  }
0x313: {  	v15 =	vld [tilespmem:s1+$0x10F90];
	(v2sf) =	vpush v0, $0xF  }
0x314: {  	v9 =	vadd.f32 v10, v9;
	v2 =	vadd.f32 v2, v8;
	v0 =	vld [tilespmem:s5+$0x0];
	s18 =	spop (v2sf)  }
0x315: {  	v5 =	vadd.f32 v7, v5;
	v8 =	vld [tilespmem:s4+$0x2D40];
	v7 =	vadd.f32 v12, v11;
	s14 =	spop (v2sf)  }
0x316: {  	v6 =	vadd.f32 v13, v6;
	v10 =	vld [tilespmem:s13+$0x5A80];
	s13 =	spop (v2sf)  }
0x317: {  	v2 =	vadd.f32 v2, v9;
	v11 =	vld [tilespmem:s15+$0x87C0];
	v5 =	vadd.f32 v7, v5;
	s1 =	spop (v2sf)  }
0x318: {  	v7 =	vld [tilespmem:s16+$0xB500];
	s17 =	spop (v2sf)  }
0x319: {  	v9 =	vld [tilespmem:s19+$0xE240];
	v2 =	vadd.f32 v5, v2;
	s5 =	spop (v2sf)  }
0x31a: {  	v5 =	vld [tilespmem:s21+$0x10F80];
	v0 =	vadd.f32 v8, v0;
	s4 =	spop (v2sf)  }
0x31b: {  	s30 =	simm.s32 $0x199B0;
	v8 =	vld [tilespmem:s29+$0x13CC0];
	[tilespmem:s25+$0x50] =	vst v2;
	s29 =	simm.s32 $0x0;
	s21 =	spop (v2sf)  }
0x31c: {  	v2 =	vld [tilespmem:s2+$0x13CC0];
	v10 =	vadd.f32 v11, v10;
	s3 =	spop (v2sf)  }
0x31d: {  	v11 =	vld [tilespmem:s2+$0x13CD0];
	s16 =	spop (v2sf)  }
0x31e: {  	v12 =	vld [tilespmem:s31+$0x0];
	v0 =	vadd.f32 v10, v0;
	v7 =	vadd.f32 v9, v7;
	s19 =	spop (v2sf)  }
0x31f: {  	v9 =	vld [tilespmem:s31+$0x10];
	s15 =	spop (v2sf)  }
0x320: {  	v10 =	vld [tilespmem:s0+$0x2D40];
	v5 =	vadd.f32 v8, v5;
	s2 =	spop (v2sf)  }
0x321: {  	v2 =	vadd.f32 v2, v14;
	v8 =	vld [tilespmem:s0+$0x2D50];
	s0 =	spop (v2sf)  }
0x322: {  	v11 =	vadd.f32 v11, v15;
	v13 =	vld [tilespmem:s12+$0x5A80];
	v5 =	vadd.f32 v5, v7;
	s31 =	spop (v2sf)  }
0x323: {  	v2 =	vadd.f32 v2, v4;
	v4 =	vld [tilespmem:s12+$0x5A90]  }
0x324: {  	v6 =	vadd.f32 v11, v6;
	v7 =	vld [tilespmem:s11+$0x87C0];
	v0 =	vadd.f32 v5, v0  }
0x325: {  	v2 =	vadd.f32 v2, v3;
	v3 =	vld [tilespmem:s11+$0x87D0];
	v5 =	vadd.f32 v10, v12  }
0x326: {  	v1 =	vadd.f32 v6, v1;
	v6 =	vld [tilespmem:s9+$0xB500];
	v8 =	vadd.f32 v8, v9;
	[tilespmem:s25+$0x40] =	vst v0  }
0x327: {  	[tilespmem:s25+$0xFFFFFFA0] =	vst v2;
	v0 =	vld [tilespmem:s9+$0xB510]  }
0x328: {  	[tilespmem:s25+$0xFFFFFFB0] =	vst v1;
	v1 =	vld [tilespmem:s10+$0xE240]  }
0x329: {  	v2 =	vld [tilespmem:s10+$0xE250];
	v7 =	vadd.f32 v7, v13  }
0x32a: {  	v9 =	vld [tilespmem:s8+$0x10F80];
	v3 =	vadd.f32 v3, v4  }
0x32b: {  	v4 =	vld [tilespmem:s8+$0x10F90];
	v5 =	vadd.f32 v7, v5  }
0x32c: {  	v7 =	vld [tilespmem:s7+$0x13CC0];
	v8 =	vadd.f32 v3, v8  }
0x32d: {  	v3 =	vld [tilespmem:s7+$0x13CD0];
	v1 =	vadd.f32 v1, v6  }
0x32e: {  	v6 =	vld [tilespmem:s6+$0x0];
	v2 =	vadd.f32 v2, v0  }
0x32f: {  	v10 =	vld [tilespmem:s6+$0x10]  }
0x330: {  	v11 =	vld [tilespmem:s18+$0x2D40]  }
0x331: {  	v12 =	vld [tilespmem:s18+$0x2D50];
	v7 =	vadd.f32 v7, v9  }
0x332: {  	v9 =	vld [tilespmem:s14+$0x5A80];
	v3 =	vadd.f32 v3, v4  }
0x333: {  	v0 =	vld [tilespmem:s14+$0x5A90];
	v1 =	vadd.f32 v7, v1  }
0x334: {  	v13 =	vld [tilespmem:s13+$0x87C0];
	v4 =	vadd.f32 v3, v2  }
.Ltmp4:
0x335: {  	v2 =	vld [tilespmem:s13+$0x87D0];
	v3 =	vadd.f32 v11, v6;
	v6 =	vadd.f32 v1, v5;
	(pc) =	sbr.rel @p0 .LBB2_10-.Ltmp4, $4  }
0x336: {  	v1 =	vld [tilespmem:s1+$0xB500];
	v5 =	vadd.f32 v12, v10;
	v7 =	vadd.f32 v4, v8  }
0x337: {  	v4 =	vld [tilespmem:s1+$0xB510];
	[tilespmem:s25+$0xFFFFFFE0] =	vst v6  }
0x338: {  	v6 =	vld [tilespmem:s17+$0xE240];
	[tilespmem:s25+$0xFFFFFFF0] =	vst v7  }
0x339: {  	s28 =	sadd.s32 $0x30, s28;
	v7 =	vld [tilespmem:s17+$0xE250];
	v8 =	vadd.f32 v13, v9  }
0x33a: {  	v9 =	vld [tilespmem:s5+$0x10F80]  }
0x33b: {  	v10 =	vld [tilespmem:s5+$0x10F90]  }
0x33c: {  	v11 =	vld [tilespmem:s4+$0x13CC0]  }
0x33d: {  	v12 =	vld [tilespmem:s4+$0x13CD0]  }
0x33e: {  	v13 =	vld [tilespmem:s21+$0x0]  }
0x33f: {  	v14 =	vld [tilespmem:s21+$0x10]  }
0x340: {  	v15 =	vld [tilespmem:s3+$0x2D40]  }
0x341: {  	v16 =	vld [tilespmem:s3+$0x2D50]  }
0x342: {  	v17 =	vld [tilespmem:s16+$0x5A80]  }
0x343: {  	v18 =	vld [tilespmem:s16+$0x5A90]  }
0x344: {  	v19 =	vld [tilespmem:s19+$0x87C0]  }
0x345: {  	v20 =	vld [tilespmem:s19+$0x87D0]  }
0x346: {  	v21 =	vld [tilespmem:s15+$0xB500]  }
0x347: {  	v22 =	vld [tilespmem:s15+$0xB510]  }
0x348: {  	v23 =	vld [tilespmem:s2+$0xE240]  }
0x349: {  	v49 =	vld [tilespmem:s2+$0xE250]  }
0x34a: {  	v0 =	vadd.f32 v2, v0;
	v50 =	vld [tilespmem:s0+$0x10F80]  }
0x34b: {  	v53 =	vld [tilespmem:s0+$0x10F90]  }
0x34c: {  	v54 =	vld [tilespmem:s31+$0x13CC0];
	v3 =	vadd.f32 v8, v3;
	v0 =	vadd.f32 v0, v5  }
0x34d: {  	v55 =	vld [tilespmem:s31+$0x13CD0];
	v1 =	vadd.f32 v6, v1;
	v4 =	vadd.f32 v7, v4  }
0x34e: {  	v51 =	vadd.f32 v11, v9;
	v52 =	vadd.f32 v12, v10  }
0x34f: {  	v56 =	vadd.f32 v15, v13;
	v57 =	vadd.f32 v16, v14  }
0x350: {  	v58 =	vadd.f32 v19, v17;
	v59 =	vadd.f32 v20, v18  }
0x351: {  	v60 =	vadd.f32 v23, v21;
	v5 =	vadd.f32 v54, v50  }
0x352: {  	v2 =	vadd.f32 v49, v22;
	v61 =	vadd.f32 v55, v53  }
0x353: {  	v1 =	vadd.f32 v51, v1;
	v4 =	vadd.f32 v52, v4  }
0x354: {  	v5 =	vadd.f32 v5, v60;
	v2 =	vadd.f32 v61, v2  }
0x355: {  	v1 =	vadd.f32 v1, v3;
	v3 =	vadd.f32 v58, v56  }
0x356: {  	v0 =	vadd.f32 v4, v0;
	v4 =	vadd.f32 v59, v57  }
0x357: {  	[tilespmem:s25+$0xFFFFFFC0] =	vst v1;
	v62 =	vadd.f32 v5, v3  }
0x358: {  	[tilespmem:s25+$0xFFFFFFD0] =	vst v0;
	v63 =	vadd.f32 v2, v4  }
0x359: {  	[tilespmem:s25+$0x0] =	vst v62  }
0x35a: {  	[tilespmem:s25+$0x10] =	vst v63  }
.LBB2_12:
0x35b: {  	s0 =	sshra.s32 s29, $0x2  }
0x35c: {  	v0 =	vld [tilespmem:s0+$0x171E0];
	_ =	sdelay $0x4  }
0x35d: {  	v0 =	vshll.u32 v0, $0x7  }
0x35e: {  	v0 =	vshra.s32 v0, $0x2  }
0x35f: {  	(v2sf) =	vpush v0, $0x0;
	_ =	sdelay $0x1  }
0x360: {  	(v2sf) =	vpush v0, $0x1;
	_ =	sdelay $0x1  }
0x361: {  	(v2sf) =	vpush v0, $0x2;
	_ =	sdelay $0x1  }
0x362: {  	(v2sf) =	vpush v0, $0x3;
	_ =	sdelay $0x1  }
0x363: {  	(v2sf) =	vpush v0, $0x4;
	_ =	sdelay $0x1  }
0x364: {  	(v2sf) =	vpush v0, $0x5;
	_ =	sdelay $0x1  }
0x365: {  	(v2sf) =	vpush v0, $0x6;
	_ =	sdelay $0x1  }
0x366: {  	(v2sf) =	vpush v0, $0x7  }
0x367: {  	s10 =	spop (v2sf)  }
0x368: {  	v1 =	vld [tilespmem:s10+$0x0]  }
0x369: {  	v2 =	vld [tilespmem:s10+$0x10];
	s11 =	spop (v2sf)  }
0x36a: {  	v3 =	vld [tilespmem:s11+$0x2D40]  }
0x36b: {  	v4 =	vld [tilespmem:s11+$0x2D50];
	s12 =	spop (v2sf)  }
0x36c: {  	v5 =	vld [tilespmem:s12+$0x5A80]  }
0x36d: {  	v6 =	vld [tilespmem:s12+$0x5A90];
	s13 =	spop (v2sf)  }
0x36e: {  	v7 =	vld [tilespmem:s13+$0x87C0]  }
0x36f: {  	v8 =	vld [tilespmem:s13+$0x87D0];
	s14 =	spop (v2sf)  }
0x370: {  	v9 =	vld [tilespmem:s14+$0xB500]  }
0x371: {  	v10 =	vld [tilespmem:s14+$0xB510];
	s15 =	spop (v2sf)  }
0x372: {  	v11 =	vld [tilespmem:s15+$0xE240]  }
0x373: {  	(v2sf) =	vpush v0, $0x8;
	v12 =	vld [tilespmem:s15+$0xE250];
	s16 =	spop (v2sf)  }
0x374: {  	(v2sf) =	vpush v0, $0x9;
	v13 =	vld [tilespmem:s16+$0x10F80]  }
0x375: {  	(v2sf) =	vpush v0, $0xA;
	s1 =	spop (v2sf);
	v15 =	vld [tilespmem:s16+$0x10F90]  }
0x376: {  	(v2sf) =	vpush v0, $0xB;
	v14 =	vld [tilespmem:s1+$0x13CC0]  }
0x377: {  	(v2sf) =	vpush v0, $0xC;
	v36 =	vld [tilespmem:s1+$0x13CD0]  }
0x378: {  	(v2sf) =	vpush v0, $0xD  }
0x379: {  	v1 =	vadd.f32 v3, v1;
	v2 =	vadd.f32 v4, v2  }
0x37a: {  	v35 =	vadd.f32 v7, v5;
	v39 =	vadd.f32 v8, v6  }
0x37b: {  	v37 =	vadd.f32 v11, v9;
	v38 =	vadd.f32 v14, v13  }
0x37c: {  	v40 =	vadd.f32 v12, v10;
	v5 =	vadd.f32 v36, v15  }
0x37d: {  	v1 =	vadd.f32 v35, v1;
	v3 =	vadd.f32 v38, v37  }
0x37e: {  	v2 =	vadd.f32 v39, v2;
	v41 =	vadd.f32 v5, v40  }
0x37f: {  	(v2sf) =	vpush v0, $0xE;
	v1 =	vadd.f32 v3, v1  }
0x380: {  	v2 =	vadd.f32 v41, v2  }
0x381: {  	(v2sf) =	vpush v0, $0xF;
	[tilespmem:s30+$0xFFFFFFD0] =	vst v1  }
0x382: {  	s17 =	spop (v2sf);
	[tilespmem:s30+$0xFFFFFFE0] =	vst v2  }
0x383: {  	v42 =	vld [tilespmem:s17+$0x0]  }
0x384: {  	s18 =	spop (v2sf);
	v1 =	vld [tilespmem:s17+$0x10]  }
0x385: {  	v2 =	vld [tilespmem:s18+$0x2D40]  }
0x386: {  	s19 =	spop (v2sf);
	v43 =	vld [tilespmem:s18+$0x2D50]  }
0x387: {  	v44 =	vld [tilespmem:s19+$0x5A80]  }
0x388: {  	s21 =	spop (v2sf);
	v45 =	vld [tilespmem:s19+$0x5A90]  }
0x389: {  	v46 =	vld [tilespmem:s21+$0x87C0]  }
0x38a: {  	s25 =	spop (v2sf);
	v47 =	vld [tilespmem:s21+$0x87D0]  }
0x38b: {  	v48 =	vld [tilespmem:s25+$0xB500]  }
0x38c: {  	s26 =	spop (v2sf);
	v49 =	vld [tilespmem:s25+$0xB510]  }
0x38d: {  	v50 =	vld [tilespmem:s26+$0xE240]  }
0x38e: {  	s28 =	spop (v2sf);
	v51 =	vld [tilespmem:s26+$0xE250]  }
0x38f: {  	v52 =	vld [tilespmem:s28+$0x10F80]  }
0x390: {  	s31 =	spop (v2sf);
	v54 =	vld [tilespmem:s28+$0x10F90]  }
0x391: {  	v53 =	vld [tilespmem:s31+$0x13CC0]  }
0x392: {  	v55 =	vld [tilespmem:s31+$0x13CD0];
	_ =	sdelay $0x1  }
0x393: {  	v0 =	vadd.f32 v2, v42;
	v56 =	vadd.f32 v46, v44  }
0x394: {  	v1 =	vadd.f32 v43, v1;
	v59 =	vadd.f32 v47, v45  }
0x395: {  	v57 =	vadd.f32 v50, v48;
	v58 =	vadd.f32 v53, v52  }
0x396: {  	v60 =	vadd.f32 v51, v49;
	v61 =	vadd.f32 v55, v54  }
0x397: {  	p0 =	sne.s32 s29, $0x40;
	v0 =	vadd.f32 v56, v0;
	v62 =	vadd.f32 v58, v57  }
.Ltmp5:
0x398: {  	v1 =	vadd.f32 v59, v1;
	v63 =	vadd.f32 v61, v60;
	(pc) =	sbr.rel @p0 .LBB2_12-.Ltmp5, $4  }
0x399: {  	v0 =	vadd.f32 v62, v0  }
0x39a: {  	v1 =	vadd.f32 v63, v1  }
0x39b: {  	[tilespmem:s30+$0xFFFFFFF0] =	vst v0  }
0x39c: {  	s29 =	sadd.s32 $0x40, s29;
	[tilespmem:s30+$0x0] =	vst v1;
	s30 =	sadd.s32 $0x40, s30  }
0x39d: {  	s0 =	rddreg [dreg:$0xb]  }
0x39e: {  	s1 =	simm.s32 $0x20;
	s2 =	simm.s32 $0x40;
	s3 =	simm.s32 $0x17A00  }
0x39f: {  	[hbm4b:s0+s1] =	stream.strided.scatter [tilespmem:s3], [sflag:$0x4], $0x2000, s2, s1, $0x38;
	[tilespmem:$0x1BA00] =	vst v63  }
0x3a0: {  	_ =	swait.ge [sflag:s20], $0x800  }
0x3a1: {  	[sflag:s20] =	ssyncset.done $0x0  }
0x3a2: {  	[sflag:s20] =	ssyncadd.s32 $0xFFFFF800  }
0x3a3: {  	_ =	swait.ge [sflag:s23], $0x2000  }
0x3a4: {  	[sflag:s23] =	ssyncset.done $0x0  }
0x3a5: {  	s14 =	simm.s32 $0x17210;
	[sflag:s23] =	ssyncadd.s32 $0xFFFFE000  }
0x3a6: {  	v0 =	vld [tilespmem:s14+$0x10];
	_ =	sdelay $0x1  }
0x3a7: {  	v1 =	vld [tilespmem:s14+$0x0];
	_ =	sdelay $0x2  }
0x3a8: {  	v2 =	vld [tilespmem:s14+$0xFFFFFFF0];
	v0 =	vshll.u32 v0, $0x7  }
0x3a9: {  	v3 =	vshra.s32 v0, $0x2  }
0x3aa: {  	v1 =	vshll.u32 v1, $0x7;
	(v2sf) =	vpush v3, $0x0  }
0x3ab: {  	v0 =	vshra.s32 v1, $0x2  }
0x3ac: {  	(v2sf) =	vpush v0, $0x0  }
0x3ad: {  	v1 =	vshll.u32 v2, $0x7;
	(v2sf) =	vpush v3, $0x1  }
0x3ae: {  	v1 =	vshra.s32 v1, $0x2  }
0x3af: {  	(v2sf) =	vpush v1, $0x0;
	_ =	sdelay $0x1  }
0x3b0: {  	(v2sf) =	vpush v3, $0x2;
	_ =	sdelay $0x1  }
0x3b1: {  	(v2sf) =	vpush v1, $0x1;
	_ =	sdelay $0x1  }
0x3b2: {  	(v2sf) =	vpush v3, $0x3;
	_ =	sdelay $0x1  }
0x3b3: {  	(v2sf) =	vpush v1, $0x2  }
0x3b4: {  	(v2sf) =	vpush v3, $0x4  }
0x3b5: {  	s15 =	spop (v2sf)  }
0x3b6: {  	(v2sf) =	vpush v1, $0x3;
	v2 =	vld [tilespmem:s15+$0x0]  }
0x3b7: {  	(v2sf) =	vpush v3, $0x5;
	s0 =	spop (v2sf);
	v4 =	vld [tilespmem:s15+$0x10]  }
0x3b8: {  	s16 =	spop (v2sf);
	v47 =	vld [tilespmem:s0+$0x0]  }
0x3b9: {  	v5 =	vld [tilespmem:s16+$0x2D40]  }
0x3ba: {  	(v2sf) =	vpush v1, $0x4;
	s17 =	spop (v2sf);
	v6 =	vld [tilespmem:s16+$0x2D50]  }
0x3bb: {  	(v2sf) =	vpush v3, $0x6;
	v19 =	vld [tilespmem:s17+$0x0]  }
0x3bc: {  	s18 =	spop (v2sf);
	v20 =	vld [tilespmem:s17+$0x10]  }
0x3bd: {  	(v2sf) =	vpush v3, $0x7;
	v7 =	vld [tilespmem:s18+$0x5A80]  }
0x3be: {  	(v2sf) =	vpush v1, $0x5;
	s19 =	spop (v2sf);
	v8 =	vld [tilespmem:s18+$0x5A90]  }
0x3bf: {  	(v2sf) =	vpush v1, $0x6;
	v21 =	vld [tilespmem:s19+$0x2D40]  }
0x3c0: {  	(v2sf) =	vpush v1, $0x7;
	s21 =	spop (v2sf);
	v22 =	vld [tilespmem:s19+$0x2D50]  }
0x3c1: {  	(v2sf) =	vpush v0, $0x1;
	v9 =	vld [tilespmem:s21+$0x87C0]  }
0x3c2: {  	s4 =	spop (v2sf);
	v10 =	vld [tilespmem:s21+$0x87D0]  }
0x3c3: {  	(v2sf) =	vpush v0, $0x2;
	s25 =	spop (v2sf);
	v38 =	vld [tilespmem:s4+$0x5A90]  }
0x3c4: {  	v11 =	vld [tilespmem:s25+$0xB500]  }
0x3c5: {  	(v2sf) =	vpush v0, $0x3;
	s5 =	spop (v2sf);
	v12 =	vld [tilespmem:s25+$0xB510]  }
0x3c6: {  	(v2sf) =	vpush v0, $0x4;
	s26 =	spop (v2sf);
	v40 =	vld [tilespmem:s5+$0x87D0]  }
0x3c7: {  	(v2sf) =	vpush v0, $0x5;
	v13 =	vld [tilespmem:s26+$0xE240]  }
0x3c8: {  	(v2sf) =	vpush v0, $0x6;
	v2 =	vadd.f32 v5, v2;
	v14 =	vld [tilespmem:s26+$0xE250]  }
0x3c9: {  	v4 =	vadd.f32 v6, v4;
	s10 =	spop (v2sf);
	v5 =	vadd.f32 v9, v7;
	v7 =	vld [tilespmem:s4+$0x5A80]  }
0x3ca: {  	(v2sf) =	vpush v0, $0x7;
	s29 =	spop (v2sf);
	v6 =	vadd.f32 v10, v8;
	v8 =	vld [tilespmem:s5+$0x87C0]  }
0x3cb: {  	(v2sf) =	vpush v1, $0x8;
	v15 =	vld [tilespmem:s29+$0x10F80]  }
0x3cc: {  	(v2sf) =	vpush v3, $0x8;
	s6 =	spop (v2sf);
	v17 =	vld [tilespmem:s29+$0x10F90]  }
0x3cd: {  	v16 =	vld [tilespmem:s6+$0x13CC0];
	s30 =	spop (v2sf)  }
0x3ce: {  	(v2sf) =	vpush v3, $0x9;
	v18 =	vld [tilespmem:s6+$0x13CD0];
	s11 =	spop (v2sf)  }
0x3cf: {  	s9 =	spop (v2sf);
	v7 =	vadd.f32 v8, v7;
	v8 =	vld [tilespmem:s0+$0x10]  }
0x3d0: {  	(v2sf) =	vpush v3, $0xA;
	s8 =	spop (v2sf);
	v46 =	vld [tilespmem:s9+$0x13CD0]  }
0x3d1: {  	(v2sf) =	vpush v3, $0xB;
	v2 =	vadd.f32 v5, v2;
	v48 =	vld [tilespmem:s8+$0x2D40]  }
0x3d2: {  	v9 =	vadd.f32 v13, v11;
	v11 =	vadd.f32 v16, v15;
	s7 =	spop (v2sf);
	v49 =	vld [tilespmem:s8+$0x2D50]  }
0x3d3: {  	v10 =	vadd.f32 v14, v12;
	v39 =	vadd.f32 v18, v17;
	v50 =	vld [tilespmem:s7+$0x5A80]  }
0x3d4: {  	v4 =	vadd.f32 v6, v4;
	v5 =	vadd.f32 v11, v9;
	v9 =	vld [tilespmem:s10+$0xB500]  }
0x3d5: {  	(v2sf) =	vpush v3, $0xC;
	s3 =	spop (v2sf);
	v6 =	vadd.f32 v39, v10;
	v10 =	vld [tilespmem:s10+$0xB510]  }
0x3d6: {  	(v2sf) =	vpush v3, $0xD;
	s4 =	spop (v2sf);
	v52 =	vld [tilespmem:s3+$0x87D0]  }
0x3d7: {  	s18 =	spop (v2sf);
	(v2sf) =	vpush v3, $0xE;
	v2 =	vadd.f32 v5, v2;
	v5 =	vld [tilespmem:s30+$0xE240]  }
0x3d8: {  	s19 =	spop (v2sf);
	(v2sf) =	vpush v3, $0xF;
	v3 =	vadd.f32 v6, v4;
	v4 =	vld [tilespmem:s30+$0xE250]  }
0x3d9: {  	s25 =	simm.s32 $0x19A60;
	s2 =	spop (v2sf);
	v57 =	vld [tilespmem:s19+$0x10F90]  }
0x3da: {  	s21 =	spop (v2sf);
	[tilespmem:s25+$0x20] =	vst v2;
	v2 =	vld [tilespmem:s11+$0x10F80]  }
0x3db: {  	[tilespmem:s25+$0x30] =	vst v3;
	v3 =	vld [tilespmem:s11+$0x10F90];
	s29 =	spop (v2sf)  }
0x3dc: {  	v6 =	vld [tilespmem:s29+$0x10]  }
0x3dd: {  	s30 =	spop (v2sf);
	v41 =	vld [tilespmem:s29+$0x0]  }
0x3de: {  	v11 =	vld [tilespmem:s30+$0x2D50]  }
0x3df: {  	v42 =	vld [tilespmem:s30+$0x2D40]  }
0x3e0: {  	v5 =	vadd.f32 v5, v9;
	v9 =	vld [tilespmem:s7+$0x5A90]  }
0x3e1: {  	s12 =	spop (v2sf);
	v4 =	vadd.f32 v4, v10;
	v10 =	vld [tilespmem:s4+$0xB510]  }
0x3e2: {  	v43 =	vld [tilespmem:s12+$0x5A90]  }
0x3e3: {  	s13 =	spop (v2sf);
	v45 =	vld [tilespmem:s12+$0x5A80]  }
0x3e4: {  	v20 =	vadd.f32 v22, v20;
	v44 =	vld [tilespmem:s13+$0x87D0];
	s14 =	spop (v2sf);
	(v2sf) =	vpush v1, $0x9  }
0x3e5: {  	v13 =	vadd.f32 v40, v38;
	v23 =	vld [tilespmem:s13+$0x87C0];
	s15 =	spop (v2sf);
	(v2sf) =	vpush v1, $0xA  }
0x3e6: {  	v3 =	vadd.f32 v46, v3;
	v24 =	vld [tilespmem:s14+$0xB510];
	(v2sf) =	vpush v1, $0xB  }
0x3e7: {  	v13 =	vadd.f32 v13, v20;
	v26 =	vld [tilespmem:s14+$0xB500];
	(v2sf) =	vpush v1, $0xC  }
0x3e8: {  	v25 =	vld [tilespmem:s15+$0xE250];
	v3 =	vadd.f32 v3, v4;
	(v2sf) =	vpush v1, $0xD  }
0x3e9: {  	v19 =	vadd.f32 v21, v19;
	v27 =	vld [tilespmem:s15+$0xE240];
	(v2sf) =	vpush v1, $0xE  }
0x3ea: {  	v3 =	vadd.f32 v3, v13;
	(v2sf) =	vpush v1, $0xF;
	v1 =	vld [tilespmem:s9+$0x13CC0]  }
0x3eb: {  	v7 =	vadd.f32 v7, v19;
	v4 =	vld [tilespmem:s18+$0xE250];
	s16 =	spop (v2sf);
	(v2sf) =	vpush v0, $0x8  }
0x3ec: {  	v14 =	vadd.f32 v48, v47;
	[tilespmem:s25+$0xFFFFFFB0] =	vst v3;
	v3 =	vld [tilespmem:s2+$0x13CD0];
	s17 =	spop (v2sf);
	(v2sf) =	vpush v0, $0x9  }
0x3ed: {  	v8 =	vadd.f32 v49, v8;
	v28 =	vld [tilespmem:s16+$0x10F90];
	(v2sf) =	vpush v0, $0xA  }
0x3ee: {  	v12 =	vadd.f32 v42, v41;
	v30 =	vld [tilespmem:s16+$0x10F80];
	(v2sf) =	vpush v0, $0xB  }
0x3ef: {  	v29 =	vld [tilespmem:s17+$0x13CD0];
	(v2sf) =	vpush v0, $0xC;
	v1 =	vadd.f32 v1, v2  }
0x3f0: {  	v9 =	vadd.f32 v52, v9;
	v31 =	vld [tilespmem:s17+$0x13CC0];
	(v2sf) =	vpush v0, $0xD  }
0x3f1: {  	v2 =	vld [tilespmem:s4+$0xB500];
	(v2sf) =	vpush v0, $0xE;
	v1 =	vadd.f32 v1, v5  }
0x3f2: {  	v54 =	vadd.f32 v23, v45;
	v5 =	vld [tilespmem:s18+$0xE240];
	(v2sf) =	vpush v0, $0xF  }
0x3f3: {  	v0 =	vadd.f32 v11, v6;
	v6 =	vld [tilespmem:s3+$0x87C0];
	v1 =	vadd.f32 v1, v7;
	s18 =	spop (v2sf)  }
0x3f4: {  	v51 =	vadd.f32 v25, v24;
	v55 =	vadd.f32 v27, v26;
	v7 =	vld [tilespmem:s19+$0x10F80];
	s19 =	spop (v2sf)  }
0x3f5: {  	v12 =	vadd.f32 v54, v12;
	v4 =	vadd.f32 v4, v10;
	[tilespmem:s25+$0xFFFFFFA0] =	vst v1;
	v1 =	vld [tilespmem:s2+$0x13CC0];
	s26 =	spop (v2sf)  }
0x3f6: {  	v11 =	vadd.f32 v44, v43;
	v53 =	vadd.f32 v29, v28;
	s29 =	spop (v2sf);
	v59 =	vld [tilespmem:s21+$0x0]  }
0x3f7: {  	v3 =	vadd.f32 v3, v57;
	v56 =	vadd.f32 v31, v30;
	v60 =	vld [tilespmem:s21+$0x10];
	s30 =	spop (v2sf)  }
0x3f8: {  	v0 =	vadd.f32 v11, v0;
	v11 =	vadd.f32 v53, v51;
	v61 =	vld [tilespmem:s18+$0x2D40];
	s5 =	spop (v2sf)  }
0x3f9: {  	v3 =	vadd.f32 v3, v4;
	v58 =	vadd.f32 v56, v55;
	v62 =	vld [tilespmem:s18+$0x2D50];
	s4 =	spop (v2sf)  }
0x3fa: {  	v11 =	vadd.f32 v11, v0;
	v63 =	vld [tilespmem:s19+$0x5A80];
	v6 =	vadd.f32 v6, v50;
	s21 =	spop (v2sf)  }
0x3fb: {  	v2 =	vadd.f32 v5, v2;
	v0 =	vld [tilespmem:s19+$0x5A90];
	v1 =	vadd.f32 v1, v7;
	s3 =	spop (v2sf)  }
0x3fc: {  	v10 =	vld [tilespmem:s26+$0x87C0];
	v5 =	vadd.f32 v6, v14;
	v6 =	vadd.f32 v9, v8;
	s16 =	spop (v2sf)  }
0x3fd: {  	v12 =	vadd.f32 v58, v12;
	v1 =	vadd.f32 v1, v2;
	v2 =	vld [tilespmem:s26+$0x87D0];
	s19 =	spop (v2sf)  }
0x3fe: {  	v4 =	vld [tilespmem:s29+$0xB510];
	[tilespmem:s25+$0x50] =	vst v11;
	v7 =	vadd.f32 v3, v6;
	s15 =	spop (v2sf)  }
0x3ff: {  	[tilespmem:s25+$0x40] =	vst v12;
	v6 =	vld [tilespmem:s30+$0xE240];
	v5 =	vadd.f32 v1, v5;
	s2 =	spop (v2sf)  }
0x400: {  	v3 =	vadd.f32 v61, v59;
	[tilespmem:s25+$0xFFFFFFF0] =	vst v7;
	v1 =	vld [tilespmem:s29+$0xB500];
	s0 =	spop (v2sf)  }
0x401: {  	s28 =	simm.s32 $0x17240;
	v8 =	vadd.f32 v10, v63;
	s26 =	simm.s32 $0x0;
	v7 =	vld [tilespmem:s30+$0xE250];
	[tilespmem:s25+$0xFFFFFFE0] =	vst v5;
	v5 =	vadd.f32 v62, v60;
	s31 =	spop (v2sf)  }
.LBB2_14:
0x402: {  	v9 =	vld [tilespmem:s28+$0x10];
	v0 =	vadd.f32 v2, v0  }
0x403: {  	v2 =	vld [tilespmem:s28+$0x0];
	v3 =	vadd.f32 v8, v3  }
0x404: {  	v8 =	vld [tilespmem:s28+$0xFFFFFFF0];
	v5 =	vadd.f32 v0, v5  }
0x405: {  	v10 =	vld [tilespmem:s5+$0x10F80];
	v6 =	vadd.f32 v6, v1  }
0x406: {  	v11 =	vld [tilespmem:s5+$0x10F90];
	v4 =	vadd.f32 v7, v4  }
0x407: {  	v0 =	vshll.u32 v9, $0x7;
	v7 =	vld [tilespmem:s4+$0x13CC0]  }
0x408: {  	v1 =	vshll.u32 v2, $0x7;
	v2 =	vshra.s32 v0, $0x2;
	v9 =	vld [tilespmem:s4+$0x13CD0]  }
0x409: {  	v8 =	vshll.u32 v8, $0x7;
	v0 =	vshra.s32 v1, $0x2;
	(v2sf) =	vpush v2, $0x0;
	v12 =	vld [tilespmem:s21+$0x0]  }
0x40a: {  	v1 =	vshra.s32 v8, $0x2;
	(v2sf) =	vpush v0, $0x0;
	v8 =	vld [tilespmem:s21+$0x10]  }
0x40b: {  	(v2sf) =	vpush v2, $0x1;
	v13 =	vld [tilespmem:s3+$0x2D40]  }
0x40c: {  	(v2sf) =	vpush v1, $0x0;
	v7 =	vadd.f32 v7, v10;
	v10 =	vld [tilespmem:s3+$0x2D50]  }
0x40d: {  	(v2sf) =	vpush v2, $0x2;
	v9 =	vadd.f32 v9, v11;
	v11 =	vld [tilespmem:s16+$0x5A80]  }
0x40e: {  	(v2sf) =	vpush v1, $0x1;
	v6 =	vadd.f32 v7, v6;
	v7 =	vld [tilespmem:s16+$0x5A90]  }
0x40f: {  	(v2sf) =	vpush v2, $0x3;
	v4 =	vadd.f32 v9, v4;
	v9 =	vld [tilespmem:s19+$0x87C0]  }
0x410: {  	(v2sf) =	vpush v1, $0x2;
	v14 =	vld [tilespmem:s19+$0x87D0];
	v12 =	vadd.f32 v13, v12  }
0x411: {  	(v2sf) =	vpush v2, $0x4;
	v13 =	vld [tilespmem:s15+$0xB500];
	v8 =	vadd.f32 v10, v8  }
0x412: {  	v3 =	vadd.f32 v6, v3;
	(v2sf) =	vpush v1, $0x3;
	v6 =	vld [tilespmem:s15+$0xB510]  }
0x413: {  	v4 =	vadd.f32 v4, v5;
	(v2sf) =	vpush v2, $0x5;
	v5 =	vld [tilespmem:s2+$0xE240]  }
0x414: {  	(v2sf) =	vpush v1, $0x4;
	[tilespmem:s25+$0xFFFFFFC0] =	vst v3;
	v3 =	vld [tilespmem:s2+$0xE250];
	v9 =	vadd.f32 v9, v11  }
0x415: {  	(v2sf) =	vpush v2, $0x6;
	[tilespmem:s25+$0xFFFFFFD0] =	vst v4;
	v4 =	vld [tilespmem:s0+$0x10F80];
	v7 =	vadd.f32 v14, v7  }
0x416: {  	(v2sf) =	vpush v2, $0x7;
	v10 =	vld [tilespmem:s0+$0x10F90];
	v9 =	vadd.f32 v9, v12  }
0x417: {  	(v2sf) =	vpush v1, $0x5;
	v11 =	vld [tilespmem:s31+$0x13CC0];
	v7 =	vadd.f32 v7, v8  }
0x418: {  	s26 =	sadd.s32 $0x3, s26;
	(v2sf) =	vpush v1, $0x6;
	s0 =	spop (v2sf);
	v8 =	vld [tilespmem:s31+$0x13CD0];
	v5 =	vadd.f32 v5, v13  }
0x419: {  	p0 =	slt.u32 s26, $0x7B;
	v12 =	vld [tilespmem:s0+$0x0];
	(v2sf) =	vpush v1, $0x7;
	s31 =	spop (v2sf);
	v3 =	vadd.f32 v3, v6  }
0x41a: {  	v6 =	vld [tilespmem:s0+$0x10];
	(v2sf) =	vpush v0, $0x1;
	s0 =	spop (v2sf)  }
0x41b: {  	v13 =	vld [tilespmem:s0+$0x2D40];
	s7 =	spop (v2sf);
	(v2sf) =	vpush v0, $0x2  }
0x41c: {  	v14 =	vld [tilespmem:s0+$0x2D50];
	(v2sf) =	vpush v0, $0x3;
	s0 =	spop (v2sf);
	v4 =	vadd.f32 v11, v4  }
0x41d: {  	v11 =	vld [tilespmem:s0+$0x5A80];
	s5 =	spop (v2sf);
	(v2sf) =	vpush v0, $0x4;
	v8 =	vadd.f32 v8, v10  }
0x41e: {  	v10 =	vld [tilespmem:s0+$0x5A90];
	(v2sf) =	vpush v0, $0x5;
	s0 =	spop (v2sf);
	v4 =	vadd.f32 v4, v5  }
0x41f: {  	v5 =	vld [tilespmem:s0+$0x87C0];
	s6 =	spop (v2sf);
	(v2sf) =	vpush v0, $0x6;
	v3 =	vadd.f32 v8, v3  }
0x420: {  	v8 =	vld [tilespmem:s0+$0x87D0];
	(v2sf) =	vpush v0, $0x7;
	s0 =	spop (v2sf);
	v4 =	vadd.f32 v4, v9  }
0x421: {  	v9 =	vld [tilespmem:s0+$0xB500];
	s13 =	spop (v2sf);
	(v2sf) =	vpush v1, $0x8;
	v3 =	vadd.f32 v3, v7  }
0x422: {  	v7 =	vld [tilespmem:s0+$0xB510];
	s0 =	spop (v2sf);
	(v2sf) =	vpush v2, $0x8;
	[tilespmem:s25+$0x0] =	vst v4  }
0x423: {  	v4 =	vld [tilespmem:s0+$0xE240];
	s4 =	spop (v2sf);
	(v2sf) =	vpush v2, $0x9;
	[tilespmem:s25+$0x10] =	vst v3  }
0x424: {  	v3 =	vld [tilespmem:s0+$0xE250];
	s0 =	spop (v2sf);
	(v2sf) =	vpush v2, $0xA  }
0x425: {  	v15 =	vld [tilespmem:s0+$0x10F80];
	s2 =	spop (v2sf);
	(v2sf) =	vpush v2, $0xB  }
0x426: {  	v16 =	vld [tilespmem:s2+$0x13CC0];
	s3 =	spop (v2sf);
	(v2sf) =	vpush v2, $0xC  }
0x427: {  	v17 =	vld [tilespmem:s0+$0x10F90];
	s1 =	spop (v2sf);
	(v2sf) =	vpush v2, $0xD  }
0x428: {  	v18 =	vld [tilespmem:s2+$0x13CD0];
	s2 =	spop (v2sf);
	(v2sf) =	vpush v2, $0xE  }
0x429: {  	v19 =	vld [tilespmem:s7+$0x0];
	s0 =	spop (v2sf);
	(v2sf) =	vpush v2, $0xF  }
0x42a: {  	v12 =	vadd.f32 v13, v12;
	v5 =	vadd.f32 v5, v11;
	v2 =	vld [tilespmem:s7+$0x10];
	s12 =	spop (v2sf)  }
0x42b: {  	v4 =	vadd.f32 v4, v9;
	v11 =	vld [tilespmem:s5+$0x2D40];
	v9 =	vadd.f32 v16, v15;
	s11 =	spop (v2sf)  }
0x42c: {  	v6 =	vadd.f32 v14, v6;
	v8 =	vadd.f32 v8, v10;
	v13 =	vld [tilespmem:s5+$0x2D50];
	s9 =	spop (v2sf)  }
0x42d: {  	v3 =	vadd.f32 v3, v7;
	v10 =	vld [tilespmem:s6+$0x5A80];
	v7 =	vadd.f32 v18, v17;
	s10 =	spop (v2sf)  }
0x42e: {  	v5 =	vadd.f32 v5, v12;
	v4 =	vadd.f32 v9, v4;
	v14 =	vld [tilespmem:s6+$0x5A90];
	s8 =	spop (v2sf)  }
0x42f: {  	v6 =	vadd.f32 v8, v6;
	v9 =	vld [tilespmem:s13+$0x87C0];
	v3 =	vadd.f32 v7, v3;
	s7 =	spop (v2sf)  }
0x430: {  	v4 =	vadd.f32 v4, v5;
	v7 =	vld [tilespmem:s13+$0x87D0];
	s6 =	spop (v2sf);
	(v2sf) =	vpush v1, $0x9  }
0x431: {  	s25 =	sadd.s32 $0xC0, s25;
	v5 =	vld [tilespmem:s4+$0xB500];
	v3 =	vadd.f32 v3, v6;
	(v2sf) =	vpush v1, $0xA;
	s5 =	spop (v2sf)  }
0x432: {  	v8 =	vadd.f32 v11, v19;
	v6 =	vld [tilespmem:s4+$0xB510];
	[tilespmem:s25+$0x20] =	vst v4;
	(v2sf) =	vpush v1, $0xB;
	s4 =	spop (v2sf)  }
0x433: {  	v2 =	vadd.f32 v13, v2;
	v4 =	vld [tilespmem:s3+$0xE240];
	[tilespmem:s25+$0x30] =	vst v3;
	(v2sf) =	vpush v1, $0xC;
	s13 =	spop (v2sf)  }
0x434: {  	v3 =	vadd.f32 v9, v10;
	v9 =	vld [tilespmem:s5+$0x10];
	(v2sf) =	vpush v1, $0xD;
	s15 =	spop (v2sf)  }
0x435: {  	v7 =	vadd.f32 v7, v14;
	v10 =	vld [tilespmem:s4+$0x2D50];
	(v2sf) =	vpush v1, $0xE;
	s16 =	spop (v2sf)  }
0x436: {  	v3 =	vadd.f32 v3, v8;
	v8 =	vld [tilespmem:s13+$0x5A90];
	(v2sf) =	vpush v1, $0xF;
	s19 =	spop (v2sf)  }
0x437: {  	v1 =	vadd.f32 v7, v2;
	v2 =	vld [tilespmem:s15+$0x87D0];
	(v2sf) =	vpush v0, $0x8;
	s21 =	spop (v2sf)  }
0x438: {  	v4 =	vadd.f32 v4, v5;
	v5 =	vld [tilespmem:s16+$0xB510];
	(v2sf) =	vpush v0, $0x9;
	s29 =	spop (v2sf)  }
0x439: {  	v7 =	vld [tilespmem:s19+$0xE250];
	(v2sf) =	vpush v0, $0xA  }
0x43a: {  	v11 =	vld [tilespmem:s21+$0x10F90];
	(v2sf) =	vpush v0, $0xB  }
0x43b: {  	v12 =	vld [tilespmem:s29+$0x13CD0];
	(v2sf) =	vpush v0, $0xC  }
0x43c: {  	v13 =	vld [tilespmem:s3+$0xE250];
	(v2sf) =	vpush v0, $0xD  }
0x43d: {  	v14 =	vld [tilespmem:s1+$0x10F80];
	(v2sf) =	vpush v0, $0xE  }
0x43e: {  	v15 =	vld [tilespmem:s1+$0x10F90];
	(v2sf) =	vpush v0, $0xF  }
0x43f: {  	v9 =	vadd.f32 v10, v9;
	v2 =	vadd.f32 v2, v8;
	v0 =	vld [tilespmem:s5+$0x0];
	s18 =	spop (v2sf)  }
0x440: {  	v5 =	vadd.f32 v7, v5;
	v8 =	vld [tilespmem:s4+$0x2D40];
	v7 =	vadd.f32 v12, v11;
	s14 =	spop (v2sf)  }
0x441: {  	v6 =	vadd.f32 v13, v6;
	v10 =	vld [tilespmem:s13+$0x5A80];
	s13 =	spop (v2sf)  }
0x442: {  	v2 =	vadd.f32 v2, v9;
	v11 =	vld [tilespmem:s15+$0x87C0];
	v5 =	vadd.f32 v7, v5;
	s1 =	spop (v2sf)  }
0x443: {  	v7 =	vld [tilespmem:s16+$0xB500];
	s17 =	spop (v2sf)  }
0x444: {  	v9 =	vld [tilespmem:s19+$0xE240];
	v2 =	vadd.f32 v5, v2;
	s5 =	spop (v2sf)  }
0x445: {  	v5 =	vld [tilespmem:s21+$0x10F80];
	v0 =	vadd.f32 v8, v0;
	s4 =	spop (v2sf)  }
0x446: {  	s30 =	simm.s32 $0x1B9B0;
	v8 =	vld [tilespmem:s29+$0x13CC0];
	[tilespmem:s25+$0x50] =	vst v2;
	s29 =	simm.s32 $0x0;
	s21 =	spop (v2sf)  }
0x447: {  	v2 =	vld [tilespmem:s2+$0x13CC0];
	v10 =	vadd.f32 v11, v10;
	s3 =	spop (v2sf)  }
0x448: {  	v11 =	vld [tilespmem:s2+$0x13CD0];
	s16 =	spop (v2sf)  }
0x449: {  	v12 =	vld [tilespmem:s31+$0x0];
	v0 =	vadd.f32 v10, v0;
	v7 =	vadd.f32 v9, v7;
	s19 =	spop (v2sf)  }
0x44a: {  	v9 =	vld [tilespmem:s31+$0x10];
	s15 =	spop (v2sf)  }
0x44b: {  	v10 =	vld [tilespmem:s0+$0x2D40];
	v5 =	vadd.f32 v8, v5;
	s2 =	spop (v2sf)  }
0x44c: {  	v2 =	vadd.f32 v2, v14;
	v8 =	vld [tilespmem:s0+$0x2D50];
	s0 =	spop (v2sf)  }
0x44d: {  	v11 =	vadd.f32 v11, v15;
	v13 =	vld [tilespmem:s12+$0x5A80];
	v5 =	vadd.f32 v5, v7;
	s31 =	spop (v2sf)  }
0x44e: {  	v2 =	vadd.f32 v2, v4;
	v4 =	vld [tilespmem:s12+$0x5A90]  }
0x44f: {  	v6 =	vadd.f32 v11, v6;
	v7 =	vld [tilespmem:s11+$0x87C0];
	v0 =	vadd.f32 v5, v0  }
0x450: {  	v2 =	vadd.f32 v2, v3;
	v3 =	vld [tilespmem:s11+$0x87D0];
	v5 =	vadd.f32 v10, v12  }
0x451: {  	v1 =	vadd.f32 v6, v1;
	v6 =	vld [tilespmem:s9+$0xB500];
	v8 =	vadd.f32 v8, v9;
	[tilespmem:s25+$0x40] =	vst v0  }
0x452: {  	[tilespmem:s25+$0xFFFFFFA0] =	vst v2;
	v0 =	vld [tilespmem:s9+$0xB510]  }
0x453: {  	[tilespmem:s25+$0xFFFFFFB0] =	vst v1;
	v1 =	vld [tilespmem:s10+$0xE240]  }
0x454: {  	v2 =	vld [tilespmem:s10+$0xE250];
	v7 =	vadd.f32 v7, v13  }
0x455: {  	v9 =	vld [tilespmem:s8+$0x10F80];
	v3 =	vadd.f32 v3, v4  }
0x456: {  	v4 =	vld [tilespmem:s8+$0x10F90];
	v5 =	vadd.f32 v7, v5  }
0x457: {  	v7 =	vld [tilespmem:s7+$0x13CC0];
	v8 =	vadd.f32 v3, v8  }
0x458: {  	v3 =	vld [tilespmem:s7+$0x13CD0];
	v1 =	vadd.f32 v1, v6  }
0x459: {  	v6 =	vld [tilespmem:s6+$0x0];
	v2 =	vadd.f32 v2, v0  }
0x45a: {  	v10 =	vld [tilespmem:s6+$0x10]  }
0x45b: {  	v11 =	vld [tilespmem:s18+$0x2D40]  }
0x45c: {  	v12 =	vld [tilespmem:s18+$0x2D50];
	v7 =	vadd.f32 v7, v9  }
0x45d: {  	v9 =	vld [tilespmem:s14+$0x5A80];
	v3 =	vadd.f32 v3, v4  }
0x45e: {  	v0 =	vld [tilespmem:s14+$0x5A90];
	v1 =	vadd.f32 v7, v1  }
0x45f: {  	v13 =	vld [tilespmem:s13+$0x87C0];
	v4 =	vadd.f32 v3, v2  }
.Ltmp6:
0x460: {  	v2 =	vld [tilespmem:s13+$0x87D0];
	v3 =	vadd.f32 v11, v6;
	v6 =	vadd.f32 v1, v5;
	(pc) =	sbr.rel @p0 .LBB2_14-.Ltmp6, $4  }
0x461: {  	v1 =	vld [tilespmem:s1+$0xB500];
	v5 =	vadd.f32 v12, v10;
	v7 =	vadd.f32 v4, v8  }
0x462: {  	v4 =	vld [tilespmem:s1+$0xB510];
	[tilespmem:s25+$0xFFFFFFE0] =	vst v6  }
0x463: {  	v6 =	vld [tilespmem:s17+$0xE240];
	[tilespmem:s25+$0xFFFFFFF0] =	vst v7  }
0x464: {  	s28 =	sadd.s32 $0x30, s28;
	v7 =	vld [tilespmem:s17+$0xE250];
	v8 =	vadd.f32 v13, v9  }
0x465: {  	v9 =	vld [tilespmem:s5+$0x10F80]  }
0x466: {  	v10 =	vld [tilespmem:s5+$0x10F90]  }
0x467: {  	v11 =	vld [tilespmem:s4+$0x13CC0]  }
0x468: {  	v12 =	vld [tilespmem:s4+$0x13CD0]  }
0x469: {  	v13 =	vld [tilespmem:s21+$0x0]  }
0x46a: {  	v14 =	vld [tilespmem:s21+$0x10]  }
0x46b: {  	v15 =	vld [tilespmem:s3+$0x2D40]  }
0x46c: {  	v16 =	vld [tilespmem:s3+$0x2D50]  }
0x46d: {  	v17 =	vld [tilespmem:s16+$0x5A80]  }
0x46e: {  	v18 =	vld [tilespmem:s16+$0x5A90]  }
0x46f: {  	v19 =	vld [tilespmem:s19+$0x87C0]  }
0x470: {  	v20 =	vld [tilespmem:s19+$0x87D0]  }
0x471: {  	v21 =	vld [tilespmem:s15+$0xB500]  }
0x472: {  	v22 =	vld [tilespmem:s15+$0xB510]  }
0x473: {  	v23 =	vld [tilespmem:s2+$0xE240]  }
0x474: {  	v49 =	vld [tilespmem:s2+$0xE250]  }
0x475: {  	v0 =	vadd.f32 v2, v0;
	v50 =	vld [tilespmem:s0+$0x10F80]  }
0x476: {  	v53 =	vld [tilespmem:s0+$0x10F90]  }
0x477: {  	v54 =	vld [tilespmem:s31+$0x13CC0];
	v3 =	vadd.f32 v8, v3;
	v0 =	vadd.f32 v0, v5  }
0x478: {  	v55 =	vld [tilespmem:s31+$0x13CD0];
	v1 =	vadd.f32 v6, v1;
	v4 =	vadd.f32 v7, v4  }
0x479: {  	v51 =	vadd.f32 v11, v9;
	v52 =	vadd.f32 v12, v10  }
0x47a: {  	v56 =	vadd.f32 v15, v13;
	v57 =	vadd.f32 v16, v14  }
0x47b: {  	v58 =	vadd.f32 v19, v17;
	v59 =	vadd.f32 v20, v18  }
0x47c: {  	v60 =	vadd.f32 v23, v21;
	v5 =	vadd.f32 v54, v50  }
0x47d: {  	v2 =	vadd.f32 v49, v22;
	v61 =	vadd.f32 v55, v53  }
0x47e: {  	v1 =	vadd.f32 v51, v1;
	v4 =	vadd.f32 v52, v4  }
0x47f: {  	v5 =	vadd.f32 v5, v60;
	v2 =	vadd.f32 v61, v2  }
0x480: {  	v1 =	vadd.f32 v1, v3;
	v3 =	vadd.f32 v58, v56  }
0x481: {  	v0 =	vadd.f32 v4, v0;
	v4 =	vadd.f32 v59, v57  }
0x482: {  	[tilespmem:s25+$0xFFFFFFC0] =	vst v1;
	v62 =	vadd.f32 v5, v3  }
0x483: {  	[tilespmem:s25+$0xFFFFFFD0] =	vst v0;
	v63 =	vadd.f32 v2, v4  }
0x484: {  	[tilespmem:s25+$0x0] =	vst v62  }
0x485: {  	[tilespmem:s25+$0x10] =	vst v63  }
.LBB2_16:
0x486: {  	s0 =	sshra.s32 s29, $0x2  }
0x487: {  	v0 =	vld [tilespmem:s0+$0x179E0];
	_ =	sdelay $0x4  }
0x488: {  	v0 =	vshll.u32 v0, $0x7  }
0x489: {  	v0 =	vshra.s32 v0, $0x2  }
0x48a: {  	(v2sf) =	vpush v0, $0x0;
	_ =	sdelay $0x1  }
0x48b: {  	(v2sf) =	vpush v0, $0x1;
	_ =	sdelay $0x1  }
0x48c: {  	(v2sf) =	vpush v0, $0x2;
	_ =	sdelay $0x1  }
0x48d: {  	(v2sf) =	vpush v0, $0x3;
	_ =	sdelay $0x1  }
0x48e: {  	(v2sf) =	vpush v0, $0x4;
	_ =	sdelay $0x1  }
0x48f: {  	(v2sf) =	vpush v0, $0x5;
	_ =	sdelay $0x1  }
0x490: {  	(v2sf) =	vpush v0, $0x6;
	_ =	sdelay $0x1  }
0x491: {  	(v2sf) =	vpush v0, $0x7  }
0x492: {  	s10 =	spop (v2sf)  }
0x493: {  	v1 =	vld [tilespmem:s10+$0x0]  }
0x494: {  	v2 =	vld [tilespmem:s10+$0x10];
	s11 =	spop (v2sf)  }
0x495: {  	v3 =	vld [tilespmem:s11+$0x2D40]  }
0x496: {  	v4 =	vld [tilespmem:s11+$0x2D50];
	s12 =	spop (v2sf)  }
0x497: {  	v5 =	vld [tilespmem:s12+$0x5A80]  }
0x498: {  	v6 =	vld [tilespmem:s12+$0x5A90];
	s13 =	spop (v2sf)  }
0x499: {  	v7 =	vld [tilespmem:s13+$0x87C0]  }
0x49a: {  	v8 =	vld [tilespmem:s13+$0x87D0];
	s14 =	spop (v2sf)  }
0x49b: {  	v9 =	vld [tilespmem:s14+$0xB500]  }
0x49c: {  	v10 =	vld [tilespmem:s14+$0xB510];
	s15 =	spop (v2sf)  }
0x49d: {  	v11 =	vld [tilespmem:s15+$0xE240]  }
0x49e: {  	(v2sf) =	vpush v0, $0x8;
	v12 =	vld [tilespmem:s15+$0xE250];
	s16 =	spop (v2sf)  }
0x49f: {  	(v2sf) =	vpush v0, $0x9;
	v13 =	vld [tilespmem:s16+$0x10F80]  }
0x4a0: {  	(v2sf) =	vpush v0, $0xA;
	s1 =	spop (v2sf);
	v15 =	vld [tilespmem:s16+$0x10F90]  }
0x4a1: {  	(v2sf) =	vpush v0, $0xB;
	v14 =	vld [tilespmem:s1+$0x13CC0]  }
0x4a2: {  	(v2sf) =	vpush v0, $0xC;
	v36 =	vld [tilespmem:s1+$0x13CD0]  }
0x4a3: {  	(v2sf) =	vpush v0, $0xD  }
0x4a4: {  	v1 =	vadd.f32 v3, v1;
	v2 =	vadd.f32 v4, v2  }
0x4a5: {  	v35 =	vadd.f32 v7, v5;
	v39 =	vadd.f32 v8, v6  }
0x4a6: {  	v37 =	vadd.f32 v11, v9;
	v38 =	vadd.f32 v14, v13  }
0x4a7: {  	v40 =	vadd.f32 v12, v10;
	v5 =	vadd.f32 v36, v15  }
0x4a8: {  	v1 =	vadd.f32 v35, v1;
	v3 =	vadd.f32 v38, v37  }
0x4a9: {  	v2 =	vadd.f32 v39, v2;
	v41 =	vadd.f32 v5, v40  }
0x4aa: {  	(v2sf) =	vpush v0, $0xE;
	v1 =	vadd.f32 v3, v1  }
0x4ab: {  	v2 =	vadd.f32 v41, v2  }
0x4ac: {  	(v2sf) =	vpush v0, $0xF;
	[tilespmem:s30+$0xFFFFFFD0] =	vst v1  }
0x4ad: {  	s17 =	spop (v2sf);
	[tilespmem:s30+$0xFFFFFFE0] =	vst v2  }
0x4ae: {  	v42 =	vld [tilespmem:s17+$0x0]  }
0x4af: {  	s18 =	spop (v2sf);
	v1 =	vld [tilespmem:s17+$0x10]  }
0x4b0: {  	v2 =	vld [tilespmem:s18+$0x2D40]  }
0x4b1: {  	s19 =	spop (v2sf);
	v43 =	vld [tilespmem:s18+$0x2D50]  }
0x4b2: {  	v44 =	vld [tilespmem:s19+$0x5A80]  }
0x4b3: {  	s21 =	spop (v2sf);
	v45 =	vld [tilespmem:s19+$0x5A90]  }
0x4b4: {  	v46 =	vld [tilespmem:s21+$0x87C0]  }
0x4b5: {  	s25 =	spop (v2sf);
	v47 =	vld [tilespmem:s21+$0x87D0]  }
0x4b6: {  	v48 =	vld [tilespmem:s25+$0xB500]  }
0x4b7: {  	s26 =	spop (v2sf);
	v49 =	vld [tilespmem:s25+$0xB510]  }
0x4b8: {  	v50 =	vld [tilespmem:s26+$0xE240]  }
0x4b9: {  	s28 =	spop (v2sf);
	v51 =	vld [tilespmem:s26+$0xE250]  }
0x4ba: {  	v52 =	vld [tilespmem:s28+$0x10F80]  }
0x4bb: {  	s31 =	spop (v2sf);
	v54 =	vld [tilespmem:s28+$0x10F90]  }
0x4bc: {  	v53 =	vld [tilespmem:s31+$0x13CC0]  }
0x4bd: {  	v55 =	vld [tilespmem:s31+$0x13CD0];
	_ =	sdelay $0x1  }
0x4be: {  	v0 =	vadd.f32 v2, v42;
	v56 =	vadd.f32 v46, v44  }
0x4bf: {  	v1 =	vadd.f32 v43, v1;
	v59 =	vadd.f32 v47, v45  }
0x4c0: {  	v57 =	vadd.f32 v50, v48;
	v58 =	vadd.f32 v53, v52  }
0x4c1: {  	v60 =	vadd.f32 v51, v49;
	v61 =	vadd.f32 v55, v54  }
0x4c2: {  	p0 =	sne.s32 s29, $0x40;
	v0 =	vadd.f32 v56, v0;
	v62 =	vadd.f32 v58, v57  }
.Ltmp7:
0x4c3: {  	v1 =	vadd.f32 v59, v1;
	v63 =	vadd.f32 v61, v60;
	(pc) =	sbr.rel @p0 .LBB2_16-.Ltmp7, $4  }
0x4c4: {  	v0 =	vadd.f32 v62, v0  }
0x4c5: {  	v1 =	vadd.f32 v63, v1  }
0x4c6: {  	[tilespmem:s30+$0xFFFFFFF0] =	vst v0  }
0x4c7: {  	s29 =	sadd.s32 $0x40, s29;
	[tilespmem:s30+$0x0] =	vst v1;
	s30 =	sadd.s32 $0x40, s30  }
0x4c8: {  	s0 =	rddreg [dreg:$0xc]  }
0x4c9: {  	s2 =	simm.s32 $0x20;
	s3 =	simm.s32 $0x40;
	s1 =	simm.s32 $0x19A00  }
0x4ca: {  	[hbm4b:s0+s2] =	stream.strided.scatter [tilespmem:s1], [sflag:$0x5], $0x2000, s3, s2, $0x38;
	[tilespmem:$0x1BA00] =	vst v63  }
0x4cb: {  	_ =	swait.ge [sflag:s22], $0x2000  }
0x4cc: {  	[sflag:s22] =	ssyncset.done $0x0  }
0x4cd: {  	[sflag:s22] =	ssyncadd.s32 $0xFFFFE000  }
0x4ce: {  	_ =	swait.ge [sflag:s23], $0x2000  }
0x4cf: {  	s24 =	sadd.s32 $0x1, s24;
	s31 =	rddreg [dreg:$0xd]  }
0x4d0: {  	p0 =	sne.s32 s24, s31  }
.Ltmp8:
0x4d1: {  	_ = 	snop;
	(pc) =	sbr.rel @p0 .LBB2_1-.Ltmp8, $3  }
0x4d2: {  	_ =	sdelay $0x1  }
0x4d3: {  	[sflag:s23] =	ssyncset.done $0x0  }
0x4d4: {  	[sflag:s23] =	ssyncadd.s32 $0xFFFFE000  }
0x4d5: {  	_ =	sfence.sel $0x180000  }
0x4d6: {  	[bflag:$0x0] =	sbarrier.arrive $0xFFFF  }
0x4d7: {  	_ =	strace $0x90000047  }
0x4d8: {  	s0 =	stileid.u32;
	[bflag:$0x2] =	sbarrier.arrive $0xFFFF  }
0x4d9: {  	p0 =	sne.s32 s0, $0x0;
	s0 =	rddreg [dreg:$0x3]  }
0x4da: {  	s0 =	sadd.s32 @!p0 $0x100000, s0  }
0x4db: {  	[sflag:s0] =	ssyncadd.tile.s32 @!p0 $0x1;
	_ =	shalt  }
.Lfunc_end2:
_tile_overlayer_lowered:
.L_overlay_start_2:
0x4dc: {  	(tag) =	ssettag $0x2  }
0x4dd: {  	s0 =	rddreg [dreg:$0x0];
	s2 =	stileid.u32  }
0x4de: {  	s1 =	rddreg [dreg:$0x1];
	p0 =	sne.s32 s2, $0x0  }
0x4df: {  	s3 =	rddreg [dreg:$0x2];
	[bflag:$0x3] =	sbarrier.arrive $0xFFFF;
	s2 =	simm.s32 @!p0 $0x1C06  }
0x4e0: {  	[timem:s3], [sflag:s2] =	dma.local @!p0 [hbm:s0], s1  }
0x4e1: {  	s0 =	simm.s32 @!p0 $0x6  }
0x4e2: {  	_ =	swait.ge @!p0 [sflag:s0], s1  }
0x4e3: {  	s1 =	ssub.s32 @!p0 $0x0, s1;
	[sflag:s0] =	ssyncset.done @!p0 $0x0  }
0x4e4: {  	[sflag:s0] =	ssyncadd.s32 @!p0 s1  }
0x4e5: {  	[bflag:$0x3] =	sbarrier.arrive $0xFFFF  }
0x4e6: {  	_ =	shalt  }

</sc_bundles>
